<compile_context>
chip_gen: v7x
topology: tpu7x:2x2x1
jax: 0.10.2.dev20260603
libtpu: 0.0.44.dev20260713+nightly
codegen_flags: <defaults>
</compile_context>

<pallas_src>
import functools

import jax
import jax.numpy as jnp
from jax import lax
from jax.experimental import pallas as pl
from jax.experimental.pallas import tpu as pltpu
from jax.experimental.pallas import tpu_sc as plsc

N = 10000
E = 320000
D_IN = 128
D_H = 128
D_OUT = 64

NC = 2
NS = 16
B = 128
N_PAD = 10240
ROWS_PER_TILE = N_PAD // NS
E_PAD = 327680
NCHUNK = E_PAD // B
RB = 1024

_mesh = plsc.VectorSubcoreMesh(
    core_axis_name="c", subcore_axis_name="s", num_cores=NC, num_subcores=NS
)



def _deg_body(ei_hbm, zcol_hbm, deg_hbm, idx_all, ones_v, hist_sh, sem_s):
    c = lax.axis_index("c")
    s = lax.axis_index("s")
    pltpu.sync_copy(
        zcol_hbm.at[pl.ds(s * ROWS_PER_TILE, ROWS_PER_TILE)],
        hist_sh.at[pl.ds(s * ROWS_PER_TILE, ROWS_PER_TILE)],
    )
    for k in range(B // 16):
        ones_v[pl.ds(k * 16, 16)] = jnp.full((16,), 1.0, jnp.float32)
    per_tile = NCHUNK // NS
    pltpu.sync_copy(ei_hbm.at[c, pl.ds(s * per_tile, per_tile)], idx_all)
    plsc.subcore_barrier()

    GRP = 16

    @pl.loop(0, per_tile // GRP)
    def _grp(g):
        for j in range(GRP):
            pltpu.async_copy(ones_v, hist_sh.at[idx_all.at[g * GRP + j]],
                             sem_s, add=True)
        for j in range(GRP):
            pltpu.make_async_copy(
                ones_v, hist_sh.at[idx_all.at[g * GRP + j]], sem_s).wait()

    plsc.subcore_barrier()
    pltpu.sync_copy(
        hist_sh.at[pl.ds(s * ROWS_PER_TILE, ROWS_PER_TILE)],
        deg_hbm.at[c, pl.ds(s * ROWS_PER_TILE, ROWS_PER_TILE)],
    )


_deg_kernel = pl.kernel(
    _deg_body,
    out_type=jax.ShapeDtypeStruct((NC, N_PAD), jnp.float32),
    mesh=_mesh,
    scratch_types=[
        pltpu.VMEM((NCHUNK // NS, B), jnp.int32),
        pltpu.VMEM((B,), jnp.float32),
        pltpu.VMEM_SHARED((N_PAD,), jnp.float32),
        pltpu.SemaphoreType.DMA,
    ],
)



def _prop_body(width, nbuf, nstage, cb, tab_hbm, ei_hbm, zer_hbm, out_hbm,
               idx_src, idx_dst, rows_v, acc_sh, sem_g, sem_s):
    c = lax.axis_index("c")
    s = lax.axis_index("s")
    zdesc = pltpu.async_copy(
        zer_hbm.at[pl.ds(s * ROWS_PER_TILE, ROWS_PER_TILE), :],
        acc_sh.at[pl.ds(s * ROWS_PER_TILE, ROWS_PER_TILE), :],
        sem_g.at[0],
    )
    nchunk = E_PAD // cb
    per_tile = nchunk // (NC * NS)
    stage = per_tile // nstage
    base = c * (nchunk // NC) + s * per_tile

    def gather(t, b):
        pltpu.async_copy(tab_hbm.at[idx_src.at[t]], rows_v.at[b],
                         sem_g.at[b])

    def gather_wait(t, b):
        pltpu.make_async_copy(tab_hbm.at[idx_src.at[t]], rows_v.at[b],
                              sem_g.at[b]).wait()

    def scat(t, b):
        pltpu.async_copy(rows_v.at[b], acc_sh.at[idx_dst.at[t]],
                         sem_s.at[b], add=True)

    def scat_wait(t, b):
        pltpu.make_async_copy(rows_v.at[b], acc_sh.at[idx_dst.at[t]],
                              sem_s.at[b]).wait()

    ngrp = stage // nbuf

    @pl.loop(0, nstage)
    def _stage(h):
        pltpu.sync_copy(ei_hbm.at[0, pl.ds(base + h * stage, stage)], idx_src)
        pltpu.sync_copy(ei_hbm.at[1, pl.ds(base + h * stage, stage)], idx_dst)

        @pl.when(h == 0)
        def _():
            zdesc.wait()
            plsc.subcore_barrier()

        for j in range(nbuf):
            gather(j, j)

        @pl.loop(0, ngrp)
        def _grp(i):
            t0 = i * nbuf
            for j in range(nbuf):
                t = t0 + j
                jp = (j - 1) % nbuf
                gather_wait(t, j)

                @pl.when(t > 0)
                def _():
                    scat_wait(t - 1, jp)

                scat(t, j)

                @pl.when((t > 0) & (t - 1 + nbuf < stage))
                def _():
                    gather(t - 1 + nbuf, jp)

        scat_wait(stage - 1, (stage - 1) % nbuf)

    plsc.subcore_barrier()
    pltpu.sync_copy(
        acc_sh.at[pl.ds(s * ROWS_PER_TILE, ROWS_PER_TILE), :],
        out_hbm.at[c, pl.ds(s * ROWS_PER_TILE, ROWS_PER_TILE), :],
    )


def _make_prop_kernel(width, nbuf, nstage, cb):
    per_tile = (E_PAD // cb) // (NC * NS)
    return pl.kernel(
        functools.partial(_prop_body, width, nbuf, nstage, cb),
        out_type=jax.ShapeDtypeStruct((NC, N_PAD, width), jnp.float32),
        mesh=_mesh,
        scratch_types=[
            pltpu.VMEM((per_tile // nstage, cb), jnp.int32),
            pltpu.VMEM((per_tile // nstage, cb), jnp.int32),
            pltpu.VMEM((nbuf, cb, width), jnp.float32),
            pltpu.VMEM_SHARED((N_PAD, width), jnp.float32),
            pltpu.SemaphoreType.DMA((nbuf,)),
            pltpu.SemaphoreType.DMA((nbuf,)),
        ],
        compiler_params=pltpu.CompilerParams(use_tc_tiling_on_sc=False),
    )


_prop128 = _make_prop_kernel(D_H, 4, 4, 64)
_prop64 = _make_prop_kernel(D_OUT, 4, 1, B)



def _k2_body(feat_ref, w1_ref, y_ref):
    y_ref[...] = jnp.dot(feat_ref[...], w1_ref[...],
                         preferred_element_type=jnp.float32)


def _k4_body(p_ref, deg_ref, b1_ref, w2_ref, z_ref):
    p = p_ref[0] + p_ref[1]
    rs_in = lax.rsqrt(jnp.maximum(deg_ref[1], 1.0))
    rs_out = lax.rsqrt(jnp.maximum(deg_ref[0], 1.0))
    h1 = jnp.maximum(p * rs_in + b1_ref[...], 0.0)
    z_ref[...] = jnp.dot(h1 * rs_out, w2_ref[...],
                         preferred_element_type=jnp.float32)


_GRID = N_PAD // RB

_k2 = pl.pallas_call(
    _k2_body,
    grid=(_GRID,),
    in_specs=[
        pl.BlockSpec((RB, D_IN), lambda i: (i, 0)),
        pl.BlockSpec((D_IN, D_H), lambda i: (0, 0)),
    ],
    out_specs=pl.BlockSpec((RB, D_H), lambda i: (i, 0)),
    out_shape=jax.ShapeDtypeStruct((N_PAD, D_H), jnp.float32),
)

_k4 = pl.pallas_call(
    _k4_body,
    grid=(_GRID,),
    in_specs=[
        pl.BlockSpec((NC, RB, D_H), lambda i: (0, i, 0)),
        pl.BlockSpec((NC, RB, 1), lambda i: (0, i, 0)),
        pl.BlockSpec((1, D_H), lambda i: (0, 0)),
        pl.BlockSpec((D_H, D_OUT), lambda i: (0, 0)),
    ],
    out_specs=pl.BlockSpec((RB, D_OUT), lambda i: (i, 0)),
    out_shape=jax.ShapeDtypeStruct((N_PAD, D_OUT), jnp.float32),
)


@jax.jit
def kernel(feat, edge_index, W1, b1, W2, b2):
    feat_pad = jnp.zeros((N_PAD, D_IN), jnp.float32).at[:N].set(feat)
    npad = E_PAD - E
    pad_idx = (N + (jnp.arange(npad, dtype=jnp.int32) % (N_PAD - N)))
    ei_pad = jnp.concatenate(
        [edge_index, jnp.broadcast_to(pad_idx, (2, npad))], axis=1
    ).reshape(2, NCHUNK, B)

    zcol = jnp.zeros((N_PAD,), jnp.float32)
    zeros128 = jnp.zeros((N_PAD, D_H), jnp.float32)
    zeros64 = jnp.zeros((N_PAD, D_OUT), jnp.float32)

    deg = _deg_kernel(ei_pad, zcol)
    deg3 = deg.reshape(NC, N_PAD, 1)

    ei64 = ei_pad.reshape(2, E_PAD // 64, 64)

    f = _k2(feat_pad, W1)
    rs_out = lax.rsqrt(jnp.maximum(deg[0], 1.0))[:, None]
    rs_in = lax.rsqrt(jnp.maximum(deg[1], 1.0))[:, None]
    y = f * rs_out
    p1 = _prop128(y, ei64, zeros128)
    z = _k4(p1, deg3, b1.reshape(1, D_H), W2)
    p2 = _prop64(z, ei_pad, zeros64)
    out = (p2[0] + p2[1]) * rs_in + b2
    return out[:N]

# --- scband reference (transcript-rebuilt; emitter-appended) ---
"""Pipeline reference for scband-gcn-3530463118095 (READ-ONLY COPY).

The authoritative reference and input builder live on the scoring server;
editing this copy changes nothing except your own understanding.
"""

import jax, jax.numpy as jnp
import numpy as np

N = 10000
E = 320000
D_IN = 128
D_H = 128
D_OUT = 64


def setup_inputs(seed: int = 0) -> dict:
    key = jax.random.key(seed)
    k1, k2, k3, k4 = jax.random.split(key, 4)
    feat = jax.random.normal(k1, (N, D_IN), dtype=jnp.float32)
    edge_index = jax.random.randint(k2, (2, E), 0, N, dtype=jnp.int32)
    W1 = jax.random.normal(k3, (D_IN, D_H), dtype=jnp.float32) * (1.0 / np.sqrt(D_IN))
    b1 = jnp.zeros((D_H,), dtype=jnp.float32)
    W2 = jax.random.normal(k4, (D_H, D_OUT), dtype=jnp.float32) * (1.0 / np.sqrt(D_H))
    b2 = jnp.zeros((D_OUT,), dtype=jnp.float32)
    return {"feat": feat, "edge_index": edge_index, "W1": W1, "b1": b1, "W2": W2, "b2": b2}


def _gcn_layer(feat, W, b, src, dst):
    # DGL GraphConv with norm='both', allow_zero_in_degree=True (degrees clamped to 1)
    ones = jnp.ones(src.shape[0], dtype=feat.dtype)
    out_deg = jnp.clip(jax.ops.segment_sum(ones, src, num_segments=N), 1.0, None)
    in_deg = jnp.clip(jax.ops.segment_sum(ones, dst, num_segments=N), 1.0, None)
    h = feat * (out_deg ** -0.5)[:, None]
    msg = jnp.take(h, src, axis=0)
    agg = jax.ops.segment_sum(msg, dst, num_segments=N)
    agg = agg * (in_deg ** -0.5)[:, None]
    return agg @ W + b


def reference(feat, edge_index, W1, b1, W2, b2):
    src = edge_index[0]
    dst = edge_index[1]
    h = _gcn_layer(feat, W1, b1, src, dst)
    h = jax.nn.relu(h)
    out = _gcn_layer(h, W2, b2, src, dst)
    return out

if __name__ == "__main__":
    import jax
    _d = setup_inputs()
    print(jax.jit(kernel)(*tuple(_d.values())))

</pallas_src>

<mosaic_0001>
#map = affine_map<(d0, d1) -> (0, 0, 0)>
#map1 = affine_map<(d0, d1) -> (0)>
#map2 = affine_map<(d0, d1) -> (0, 0)>
module attributes {stable_mosaic.version = 14 : i64} {
  func.func @_deg_body(%arg0: i32, %arg1: i32, %arg2: memref<2x2560x128xi32, #tpu.memory_space<hbm>>, %arg3: memref<10240xf32, #tpu.memory_space<hbm>>, %arg4: memref<2x10240xf32, #tpu.memory_space<hbm>>, %arg5: memref<160x128xi32, #tpu.memory_space<vmem>>, %arg6: memref<128xf32, #tpu.memory_space<vmem>>, %arg7: memref<10240xf32, #tpu.memory_space<vmem_shared>>, %arg8: memref<!tpu.dma_semaphore, #tpu.memory_space<semaphore_mem>>) attributes {dimension_semantics = [#tpu.dimension_semantics<core_parallel>, #tpu.dimension_semantics<subcore_parallel>], iteration_bounds = array<i64: 2, 16>, scalar_prefetch = 0 : i64, scratch_operands = 4 : i64, tpu.core_type = #tpu.core_type<sc_vector_subcore>, window_params = [{transform_indices = #map}, {transform_indices = #map1}, {transform_indices = #map2}]} {
    %mul3A = arith.constant 640 : i32
    %mul3A_0 = arith.muli %arg1, %mul3A : i32
    %mul3A_1 = arith.constant 640 : i32
    %mul3A_2 = arith.muli %arg1, %mul3A_1 : i32
    "tpu.region"() ({
      %run_scoped3A = tpu.sem_alloc : memref<!tpu.dma_semaphore, #tpu.memory_space<semaphore_mem>>
      %dma_start3A = tpu.memref_slice %arg7[%mul3A_2] : memref<10240xf32, #tpu.memory_space<vmem_shared>> -> memref<640xf32, #tpu.memory_space<vmem_shared>>
      %dma_start3A_60 = tpu.memref_slice %arg3[%mul3A_0] : memref<10240xf32, #tpu.memory_space<hbm>> -> memref<640xf32, #tpu.memory_space<hbm>>
      tpu.enqueue_dma source(%dma_start3A_60 : memref<640xf32, #tpu.memory_space<hbm>>) target(%dma_start3A : memref<640xf32, #tpu.memory_space<vmem_shared>>) target_semaphore(%run_scoped3A : memref<!tpu.dma_semaphore, #tpu.memory_space<semaphore_mem>>)
      %dma_wait3A = tpu.memref_slice %arg7[%mul3A_2] : memref<10240xf32, #tpu.memory_space<vmem_shared>> -> memref<640xf32, #tpu.memory_space<vmem_shared>>
      %dma_wait3A_61 = tpu.memref_slice %arg3[%mul3A_0] : memref<10240xf32, #tpu.memory_space<hbm>> -> memref<640xf32, #tpu.memory_space<hbm>>
      tpu.wait_dma2 semaphore(%run_scoped3A : memref<!tpu.dma_semaphore, #tpu.memory_space<semaphore_mem>>) src(%dma_wait3A_61 : memref<640xf32, #tpu.memory_space<hbm>>) dst(%dma_wait3A : memref<640xf32, #tpu.memory_space<vmem_shared>>)
      tpu.yield
    }) : () -> ()
    %broadcast_in_dim3A = arith.constant 1.000000e+00 : f32
    %broadcast_in_dim3A_3 = vector.broadcast %broadcast_in_dim3A : f32 to vector<16xf32>
    %swap3A = arith.constant 0 : index
    %swap3A_4 = tpu.vector_load %arg6[%swap3A] {strides = array<i32>} : memref<128xf32, #tpu.memory_space<vmem>>, vector<16xf32>,
    %swap3A_5 = vector.shape_cast %swap3A_4 : vector<16xf32> to vector<16xf32>
    %swap3A_6 = vector.shape_cast %broadcast_in_dim3A_3 : vector<16xf32> to vector<16xf32>
    tpu.vector_store %arg6[%swap3A], %swap3A_6 {strides = array<i32>} : memref<128xf32, #tpu.memory_space<vmem>>, vector<16xf32>,
    %broadcast_in_dim3A_7 = arith.constant 1.000000e+00 : f32
    %broadcast_in_dim3A_8 = vector.broadcast %broadcast_in_dim3A_7 : f32 to vector<16xf32>
    %swap3A_9 = arith.constant 16 : index
    %swap3A_10 = tpu.vector_load %arg6[%swap3A_9] {strides = array<i32>} : memref<128xf32, #tpu.memory_space<vmem>>, vector<16xf32>,
    %swap3A_11 = vector.shape_cast %swap3A_10 : vector<16xf32> to vector<16xf32>
    %swap3A_12 = vector.shape_cast %broadcast_in_dim3A_8 : vector<16xf32> to vector<16xf32>
    tpu.vector_store %arg6[%swap3A_9], %swap3A_12 {strides = array<i32>} : memref<128xf32, #tpu.memory_space<vmem>>, vector<16xf32>,
    %broadcast_in_dim3A_13 = arith.constant 1.000000e+00 : f32
    %broadcast_in_dim3A_14 = vector.broadcast %broadcast_in_dim3A_13 : f32 to vector<16xf32>
    %swap3A_15 = arith.constant 32 : index
    %swap3A_16 = tpu.vector_load %arg6[%swap3A_15] {strides = array<i32>} : memref<128xf32, #tpu.memory_space<vmem>>, vector<16xf32>,
    %swap3A_17 = vector.shape_cast %swap3A_16 : vector<16xf32> to vector<16xf32>
    %swap3A_18 = vector.shape_cast %broadcast_in_dim3A_14 : vector<16xf32> to vector<16xf32>
    tpu.vector_store %arg6[%swap3A_15], %swap3A_18 {strides = array<i32>} : memref<128xf32, #tpu.memory_space<vmem>>, vector<16xf32>,
    %broadcast_in_dim3A_19 = arith.constant 1.000000e+00 : f32
    %broadcast_in_dim3A_20 = vector.broadcast %broadcast_in_dim3A_19 : f32 to vector<16xf32>
    %swap3A_21 = arith.constant 48 : index
    %swap3A_22 = tpu.vector_load %arg6[%swap3A_21] {strides = array<i32>} : memref<128xf32, #tpu.memory_space<vmem>>, vector<16xf32>,
    %swap3A_23 = vector.shape_cast %swap3A_22 : vector<16xf32> to vector<16xf32>
    %swap3A_24 = vector.shape_cast %broadcast_in_dim3A_20 : vector<16xf32> to vector<16xf32>
    tpu.vector_store %arg6[%swap3A_21], %swap3A_24 {strides = array<i32>} : memref<128xf32, #tpu.memory_space<vmem>>, vector<16xf32>,
    %broadcast_in_dim3A_25 = arith.constant 1.000000e+00 : f32
    %broadcast_in_dim3A_26 = vector.broadcast %broadcast_in_dim3A_25 : f32 to vector<16xf32>
    %swap3A_27 = arith.constant 64 : index
    %swap3A_28 = tpu.vector_load %arg6[%swap3A_27] {strides = array<i32>} : memref<128xf32, #tpu.memory_space<vmem>>, vector<16xf32>,
    %swap3A_29 = vector.shape_cast %swap3A_28 : vector<16xf32> to vector<16xf32>
    %swap3A_30 = vector.shape_cast %broadcast_in_dim3A_26 : vector<16xf32> to vector<16xf32>
    tpu.vector_store %arg6[%swap3A_27], %swap3A_30 {strides = array<i32>} : memref<128xf32, #tpu.memory_space<vmem>>, vector<16xf32>,
    %broadcast_in_dim3A_31 = arith.constant 1.000000e+00 : f32
    %broadcast_in_dim3A_32 = vector.broadcast %broadcast_in_dim3A_31 : f32 to vector<16xf32>
    %swap3A_33 = arith.constant 80 : index
    %swap3A_34 = tpu.vector_load %arg6[%swap3A_33] {strides = array<i32>} : memref<128xf32, #tpu.memory_space<vmem>>, vector<16xf32>,
    %swap3A_35 = vector.shape_cast %swap3A_34 : vector<16xf32> to vector<16xf32>
    %swap3A_36 = vector.shape_cast %broadcast_in_dim3A_32 : vector<16xf32> to vector<16xf32>
    tpu.vector_store %arg6[%swap3A_33], %swap3A_36 {strides = array<i32>} : memref<128xf32, #tpu.memory_space<vmem>>, vector<16xf32>,
    %broadcast_in_dim3A_37 = arith.constant 1.000000e+00 : f32
    %broadcast_in_dim3A_38 = vector.broadcast %broadcast_in_dim3A_37 : f32 to vector<16xf32>
    %swap3A_39 = arith.constant 96 : index
    %swap3A_40 = tpu.vector_load %arg6[%swap3A_39] {strides = array<i32>} : memref<128xf32, #tpu.memory_space<vmem>>, vector<16xf32>,
    %swap3A_41 = vector.shape_cast %swap3A_40 : vector<16xf32> to vector<16xf32>
    %swap3A_42 = vector.shape_cast %broadcast_in_dim3A_38 : vector<16xf32> to vector<16xf32>
    tpu.vector_store %arg6[%swap3A_39], %swap3A_42 {strides = array<i32>} : memref<128xf32, #tpu.memory_space<vmem>>, vector<16xf32>,
    %broadcast_in_dim3A_43 = arith.constant 1.000000e+00 : f32
    %broadcast_in_dim3A_44 = vector.broadcast %broadcast_in_dim3A_43 : f32 to vector<16xf32>
    %swap3A_45 = arith.constant 112 : index
    %swap3A_46 = tpu.vector_load %arg6[%swap3A_45] {strides = array<i32>} : memref<128xf32, #tpu.memory_space<vmem>>, vector<16xf32>,
    %swap3A_47 = vector.shape_cast %swap3A_46 : vector<16xf32> to vector<16xf32>
    %swap3A_48 = vector.shape_cast %broadcast_in_dim3A_44 : vector<16xf32> to vector<16xf32>
    tpu.vector_store %arg6[%swap3A_45], %swap3A_48 {strides = array<i32>} : memref<128xf32, #tpu.memory_space<vmem>>, vector<16xf32>,
    %mul3A_49 = arith.constant 160 : i32
    %mul3A_50 = arith.muli %arg1, %mul3A_49 : i32
    "tpu.region"() ({
      %run_scoped3A = tpu.sem_alloc : memref<!tpu.dma_semaphore, #tpu.memory_space<semaphore_mem>>
      %dma_start3A = arith.constant 0 : i32
      %dma_start3A_60 = tpu.memref_slice %arg2[%arg0, %mul3A_50, %dma_start3A] : memref<2x2560x128xi32, #tpu.memory_space<hbm>> -> memref<1x160x128xi32, #tpu.memory_space<hbm>>
      %dma_start3A_61 = tpu.memref_squeeze %dma_start3A_60 : memref<1x160x128xi32, #tpu.memory_space<hbm>> -> memref<160x128xi32, #tpu.memory_space<hbm>>
      %dma_start3A_62 = arith.constant 0 : i32
      %dma_start3A_63 = tpu.memref_slice %arg2[%arg0, %mul3A_50, %dma_start3A_62] : memref<2x2560x128xi32, #tpu.memory_space<hbm>> -> memref<1x160x128xi32, #tpu.memory_space<hbm>>
      %dma_start3A_64 = tpu.memref_squeeze %dma_start3A_63 : memref<1x160x128xi32, #tpu.memory_space<hbm>> -> memref<160x128xi32, #tpu.memory_space<hbm>>
      tpu.enqueue_dma source(%dma_start3A_64 : memref<160x128xi32, #tpu.memory_space<hbm>>) target(%arg5 : memref<160x128xi32, #tpu.memory_space<vmem>>) target_semaphore(%run_scoped3A : memref<!tpu.dma_semaphore, #tpu.memory_space<semaphore_mem>>)
      %dma_wait3A = arith.constant 0 : i32
      %dma_wait3A_65 = tpu.memref_slice %arg2[%arg0, %mul3A_50, %dma_wait3A] : memref<2x2560x128xi32, #tpu.memory_space<hbm>> -> memref<1x160x128xi32, #tpu.memory_space<hbm>>
      %dma_wait3A_66 = tpu.memref_squeeze %dma_wait3A_65 : memref<1x160x128xi32, #tpu.memory_space<hbm>> -> memref<160x128xi32, #tpu.memory_space<hbm>>
      %dma_wait3A_67 = arith.constant 0 : i32
      %dma_wait3A_68 = tpu.memref_slice %arg2[%arg0, %mul3A_50, %dma_wait3A_67] : memref<2x2560x128xi32, #tpu.memory_space<hbm>> -> memref<1x160x128xi32, #tpu.memory_space<hbm>>
      %dma_wait3A_69 = tpu.memref_squeeze %dma_wait3A_68 : memref<1x160x128xi32, #tpu.memory_space<hbm>> -> memref<160x128xi32, #tpu.memory_space<hbm>>
      tpu.wait_dma2 semaphore(%run_scoped3A : memref<!tpu.dma_semaphore, #tpu.memory_space<semaphore_mem>>) src(%dma_wait3A_69 : memref<160x128xi32, #tpu.memory_space<hbm>>) dst(%arg5 : memref<160x128xi32, #tpu.memory_space<vmem>>)
      tpu.yield
    }) : () -> ()
    %barrier3A = arith.constant 0 : index
    tpu.barrier barrier_id(%barrier3A)
    %scan3A = arith.constant 0 : i32
    %scan3A_51 = arith.constant 10 : i32
    %scan3A_52 = arith.addi %scan3A, %scan3A_51 : i32
    %scan3A_53 = arith.constant 1 : i32
    scf.for %scan3A_60 = %scan3A to %scan3A_52 step %scan3A_53  : i32 {
      %mul3A_61 = arith.constant 1 : i32
      %mul3A_62 = arith.muli %scan3A_60, %mul3A_61 : i32
      %add3A = arith.constant 0 : i32
      %add3A_63 = arith.addi %add3A, %mul3A_62 : i32
      %mul3A_64 = arith.constant 16 : i32
      %mul3A_65 = arith.muli %add3A_63, %mul3A_64 : i32
      %add3A_66 = arith.constant 0 : i32
      %add3A_67 = arith.addi %mul3A_65, %add3A_66 : i32
      %dma_start3A = arith.constant 0 : i32
      %dma_start3A_68 = tpu.memref_slice %arg5[%add3A_67, %dma_start3A] : memref<160x128xi32, #tpu.memory_space<vmem>> -> memref<1x128xi32, #tpu.memory_space<vmem>>
      %dma_start3A_69 = tpu.memref_squeeze %dma_start3A_68 : memref<1x128xi32, #tpu.memory_space<vmem>> -> memref<128xi32, #tpu.memory_space<vmem>>
      %dma_start3A_70 = arith.constant 0 : i32
      %dma_start3A_71 = tpu.memref_slice %arg7[%dma_start3A_70] : memref<10240xf32, #tpu.memory_space<vmem_shared>> -> memref<10240xf32, #tpu.memory_space<vmem_shared>>
      tpu.enqueue_indirect_dma source(%arg6 : memref<128xf32, #tpu.memory_space<vmem>>) target(%dma_start3A_71 : memref<10240xf32, #tpu.memory_space<vmem_shared>>) offsets(%dma_start3A_69 : memref<128xi32, #tpu.memory_space<vmem>>) semaphore(%arg8 : memref<!tpu.dma_semaphore, #tpu.memory_space<semaphore_mem>>) {add = true}
      %mul3A_72 = arith.constant 16 : i32
      %mul3A_73 = arith.muli %add3A_63, %mul3A_72 : i32
      %add3A_74 = arith.constant 1 : i32
      %add3A_75 = arith.addi %mul3A_73, %add3A_74 : i32
      %dma_start3A_76 = arith.constant 0 : i32
      %dma_start3A_77 = tpu.memref_slice %arg5[%add3A_75, %dma_start3A_76] : memref<160x128xi32, #tpu.memory_space<vmem>> -> memref<1x128xi32, #tpu.memory_space<vmem>>
      %dma_start3A_78 = tpu.memref_squeeze %dma_start3A_77 : memref<1x128xi32, #tpu.memory_space<vmem>> -> memref<128xi32, #tpu.memory_space<vmem>>
      %dma_start3A_79 = arith.constant 0 : i32
      %dma_start3A_80 = tpu.memref_slice %arg7[%dma_start3A_79] : memref<10240xf32, #tpu.memory_space<vmem_shared>> -> memref<10240xf32, #tpu.memory_space<vmem_shared>>
      tpu.enqueue_indirect_dma source(%arg6 : memref<128xf32, #tpu.memory_space<vmem>>) target(%dma_start3A_80 : memref<10240xf32, #tpu.memory_space<vmem_shared>>) offsets(%dma_start3A_78 : memref<128xi32, #tpu.memory_space<vmem>>) semaphore(%arg8 : memref<!tpu.dma_semaphore, #tpu.memory_space<semaphore_mem>>) {add = true}
      %mul3A_81 = arith.constant 16 : i32
      %mul3A_82 = arith.muli %add3A_63, %mul3A_81 : i32
      %add3A_83 = arith.constant 2 : i32
      %add3A_84 = arith.addi %mul3A_82, %add3A_83 : i32
      %dma_start3A_85 = arith.constant 0 : i32
      %dma_start3A_86 = tpu.memref_slice %arg5[%add3A_84, %dma_start3A_85] : memref<160x128xi32, #tpu.memory_space<vmem>> -> memref<1x128xi32, #tpu.memory_space<vmem>>
      %dma_start3A_87 = tpu.memref_squeeze %dma_start3A_86 : memref<1x128xi32, #tpu.memory_space<vmem>> -> memref<128xi32, #tpu.memory_space<vmem>>
      %dma_start3A_88 = arith.constant 0 : i32
      %dma_start3A_89 = tpu.memref_slice %arg7[%dma_start3A_88] : memref<10240xf32, #tpu.memory_space<vmem_shared>> -> memref<10240xf32, #tpu.memory_space<vmem_shared>>
      tpu.enqueue_indirect_dma source(%arg6 : memref<128xf32, #tpu.memory_space<vmem>>) target(%dma_start3A_89 : memref<10240xf32, #tpu.memory_space<vmem_shared>>) offsets(%dma_start3A_87 : memref<128xi32, #tpu.memory_space<vmem>>) semaphore(%arg8 : memref<!tpu.dma_semaphore, #tpu.memory_space<semaphore_mem>>) {add = true}
      %mul3A_90 = arith.constant 16 : i32
      %mul3A_91 = arith.muli %add3A_63, %mul3A_90 : i32
      %add3A_92 = arith.constant 3 : i32
      %add3A_93 = arith.addi %mul3A_91, %add3A_92 : i32
      %dma_start3A_94 = arith.constant 0 : i32
      %dma_start3A_95 = tpu.memref_slice %arg5[%add3A_93, %dma_start3A_94] : memref<160x128xi32, #tpu.memory_space<vmem>> -> memref<1x128xi32, #tpu.memory_space<vmem>>
      %dma_start3A_96 = tpu.memref_squeeze %dma_start3A_95 : memref<1x128xi32, #tpu.memory_space<vmem>> -> memref<128xi32, #tpu.memory_space<vmem>>
      %dma_start3A_97 = arith.constant 0 : i32
      %dma_start3A_98 = tpu.memref_slice %arg7[%dma_start3A_97] : memref<10240xf32, #tpu.memory_space<vmem_shared>> -> memref<10240xf32, #tpu.memory_space<vmem_shared>>
      tpu.enqueue_indirect_dma source(%arg6 : memref<128xf32, #tpu.memory_space<vmem>>) target(%dma_start3A_98 : memref<10240xf32, #tpu.memory_space<vmem_shared>>) offsets(%dma_start3A_96 : memref<128xi32, #tpu.memory_space<vmem>>) semaphore(%arg8 : memref<!tpu.dma_semaphore, #tpu.memory_space<semaphore_mem>>) {add = true}
      %mul3A_99 = arith.constant 16 : i32
      %mul3A_100 = arith.muli %add3A_63, %mul3A_99 : i32
      %add3A_101 = arith.constant 4 : i32
      %add3A_102 = arith.addi %mul3A_100, %add3A_101 : i32
      %dma_start3A_103 = arith.constant 0 : i32
      %dma_start3A_104 = tpu.memref_slice %arg5[%add3A_102, %dma_start3A_103] : memref<160x128xi32, #tpu.memory_space<vmem>> -> memref<1x128xi32, #tpu.memory_space<vmem>>
      %dma_start3A_105 = tpu.memref_squeeze %dma_start3A_104 : memref<1x128xi32, #tpu.memory_space<vmem>> -> memref<128xi32, #tpu.memory_space<vmem>>
      %dma_start3A_106 = arith.constant 0 : i32
      %dma_start3A_107 = tpu.memref_slice %arg7[%dma_start3A_106] : memref<10240xf32, #tpu.memory_space<vmem_shared>> -> memref<10240xf32, #tpu.memory_space<vmem_shared>>
      tpu.enqueue_indirect_dma source(%arg6 : memref<128xf32, #tpu.memory_space<vmem>>) target(%dma_start3A_107 : memref<10240xf32, #tpu.memory_space<vmem_shared>>) offsets(%dma_start3A_105 : memref<128xi32, #tpu.memory_space<vmem>>) semaphore(%arg8 : memref<!tpu.dma_semaphore, #tpu.memory_space<semaphore_mem>>) {add = true}
      %mul3A_108 = arith.constant 16 : i32
      %mul3A_109 = arith.muli %add3A_63, %mul3A_108 : i32
      %add3A_110 = arith.constant 5 : i32
      %add3A_111 = arith.addi %mul3A_109, %add3A_110 : i32
      %dma_start3A_112 = arith.constant 0 : i32
      %dma_start3A_113 = tpu.memref_slice %arg5[%add3A_111, %dma_start3A_112] : memref<160x128xi32, #tpu.memory_space<vmem>> -> memref<1x128xi32, #tpu.memory_space<vmem>>
      %dma_start3A_114 = tpu.memref_squeeze %dma_start3A_113 : memref<1x128xi32, #tpu.memory_space<vmem>> -> memref<128xi32, #tpu.memory_space<vmem>>
      %dma_start3A_115 = arith.constant 0 : i32
      %dma_start3A_116 = tpu.memref_slice %arg7[%dma_start3A_115] : memref<10240xf32, #tpu.memory_space<vmem_shared>> -> memref<10240xf32, #tpu.memory_space<vmem_shared>>
      tpu.enqueue_indirect_dma source(%arg6 : memref<128xf32, #tpu.memory_space<vmem>>) target(%dma_start3A_116 : memref<10240xf32, #tpu.memory_space<vmem_shared>>) offsets(%dma_start3A_114 : memref<128xi32, #tpu.memory_space<vmem>>) semaphore(%arg8 : memref<!tpu.dma_semaphore, #tpu.memory_space<semaphore_mem>>) {add = true}
      %mul3A_117 = arith.constant 16 : i32
      %mul3A_118 = arith.muli %add3A_63, %mul3A_117 : i32
      %add3A_119 = arith.constant 6 : i32
      %add3A_120 = arith.addi %mul3A_118, %add3A_119 : i32
      %dma_start3A_121 = arith.constant 0 : i32
      %dma_start3A_122 = tpu.memref_slice %arg5[%add3A_120, %dma_start3A_121] : memref<160x128xi32, #tpu.memory_space<vmem>> -> memref<1x128xi32, #tpu.memory_space<vmem>>
      %dma_start3A_123 = tpu.memref_squeeze %dma_start3A_122 : memref<1x128xi32, #tpu.memory_space<vmem>> -> memref<128xi32, #tpu.memory_space<vmem>>
      %dma_start3A_124 = arith.constant 0 : i32
      %dma_start3A_125 = tpu.memref_slice %arg7[%dma_start3A_124] : memref<10240xf32, #tpu.memory_space<vmem_shared>> -> memref<10240xf32, #tpu.memory_space<vmem_shared>>
      tpu.enqueue_indirect_dma source(%arg6 : memref<128xf32, #tpu.memory_space<vmem>>) target(%dma_start3A_125 : memref<10240xf32, #tpu.memory_space<vmem_shared>>) offsets(%dma_start3A_123 : memref<128xi32, #tpu.memory_space<vmem>>) semaphore(%arg8 : memref<!tpu.dma_semaphore, #tpu.memory_space<semaphore_mem>>) {add = true}
      %mul3A_126 = arith.constant 16 : i32
      %mul3A_127 = arith.muli %add3A_63, %mul3A_126 : i32
      %add3A_128 = arith.constant 7 : i32
      %add3A_129 = arith.addi %mul3A_127, %add3A_128 : i32
      %dma_start3A_130 = arith.constant 0 : i32
      %dma_start3A_131 = tpu.memref_slice %arg5[%add3A_129, %dma_start3A_130] : memref<160x128xi32, #tpu.memory_space<vmem>> -> memref<1x128xi32, #tpu.memory_space<vmem>>
      %dma_start3A_132 = tpu.memref_squeeze %dma_start3A_131 : memref<1x128xi32, #tpu.memory_space<vmem>> -> memref<128xi32, #tpu.memory_space<vmem>>
      %dma_start3A_133 = arith.constant 0 : i32
      %dma_start3A_134 = tpu.memref_slice %arg7[%dma_start3A_133] : memref<10240xf32, #tpu.memory_space<vmem_shared>> -> memref<10240xf32, #tpu.memory_space<vmem_shared>>
      tpu.enqueue_indirect_dma source(%arg6 : memref<128xf32, #tpu.memory_space<vmem>>) target(%dma_start3A_134 : memref<10240xf32, #tpu.memory_space<vmem_shared>>) offsets(%dma_start3A_132 : memref<128xi32, #tpu.memory_space<vmem>>) semaphore(%arg8 : memref<!tpu.dma_semaphore, #tpu.memory_space<semaphore_mem>>) {add = true}
      %mul3A_135 = arith.constant 16 : i32
      %mul3A_136 = arith.muli %add3A_63, %mul3A_135 : i32
      %add3A_137 = arith.constant 8 : i32
      %add3A_138 = arith.addi %mul3A_136, %add3A_137 : i32
      %dma_start3A_139 = arith.constant 0 : i32
      %dma_start3A_140 = tpu.memref_slice %arg5[%add3A_138, %dma_start3A_139] : memref<160x128xi32, #tpu.memory_space<vmem>> -> memref<1x128xi32, #tpu.memory_space<vmem>>
      %dma_start3A_141 = tpu.memref_squeeze %dma_start3A_140 : memref<1x128xi32, #tpu.memory_space<vmem>> -> memref<128xi32, #tpu.memory_space<vmem>>
      %dma_start3A_142 = arith.constant 0 : i32
      %dma_start3A_143 = tpu.memref_slice %arg7[%dma_start3A_142] : memref<10240xf32, #tpu.memory_space<vmem_shared>> -> memref<10240xf32, #tpu.memory_space<vmem_shared>>
      tpu.enqueue_indirect_dma source(%arg6 : memref<128xf32, #tpu.memory_space<vmem>>) target(%dma_start3A_143 : memref<10240xf32, #tpu.memory_space<vmem_shared>>) offsets(%dma_start3A_141 : memref<128xi32, #tpu.memory_space<vmem>>) semaphore(%arg8 : memref<!tpu.dma_semaphore, #tpu.memory_space<semaphore_mem>>) {add = true}
      %mul3A_144 = arith.constant 16 : i32
      %mul3A_145 = arith.muli %add3A_63, %mul3A_144 : i32
      %add3A_146 = arith.constant 9 : i32
      %add3A_147 = arith.addi %mul3A_145, %add3A_146 : i32
      %dma_start3A_148 = arith.constant 0 : i32
      %dma_start3A_149 = tpu.memref_slice %arg5[%add3A_147, %dma_start3A_148] : memref<160x128xi32, #tpu.memory_space<vmem>> -> memref<1x128xi32, #tpu.memory_space<vmem>>
      %dma_start3A_150 = tpu.memref_squeeze %dma_start3A_149 : memref<1x128xi32, #tpu.memory_space<vmem>> -> memref<128xi32, #tpu.memory_space<vmem>>
      %dma_start3A_151 = arith.constant 0 : i32
      %dma_start3A_152 = tpu.memref_slice %arg7[%dma_start3A_151] : memref<10240xf32, #tpu.memory_space<vmem_shared>> -> memref<10240xf32, #tpu.memory_space<vmem_shared>>
      tpu.enqueue_indirect_dma source(%arg6 : memref<128xf32, #tpu.memory_space<vmem>>) target(%dma_start3A_152 : memref<10240xf32, #tpu.memory_space<vmem_shared>>) offsets(%dma_start3A_150 : memref<128xi32, #tpu.memory_space<vmem>>) semaphore(%arg8 : memref<!tpu.dma_semaphore, #tpu.memory_space<semaphore_mem>>) {add = true}
      %mul3A_153 = arith.constant 16 : i32
      %mul3A_154 = arith.muli %add3A_63, %mul3A_153 : i32
      %add3A_155 = arith.constant 10 : i32
      %add3A_156 = arith.addi %mul3A_154, %add3A_155 : i32
      %dma_start3A_157 = arith.constant 0 : i32
      %dma_start3A_158 = tpu.memref_slice %arg5[%add3A_156, %dma_start3A_157] : memref<160x128xi32, #tpu.memory_space<vmem>> -> memref<1x128xi32, #tpu.memory_space<vmem>>
      %dma_start3A_159 = tpu.memref_squeeze %dma_start3A_158 : memref<1x128xi32, #tpu.memory_space<vmem>> -> memref<128xi32, #tpu.memory_space<vmem>>
      %dma_start3A_160 = arith.constant 0 : i32
      %dma_start3A_161 = tpu.memref_slice %arg7[%dma_start3A_160] : memref<10240xf32, #tpu.memory_space<vmem_shared>> -> memref<10240xf32, #tpu.memory_space<vmem_shared>>
      tpu.enqueue_indirect_dma source(%arg6 : memref<128xf32, #tpu.memory_space<vmem>>) target(%dma_start3A_161 : memref<10240xf32, #tpu.memory_space<vmem_shared>>) offsets(%dma_start3A_159 : memref<128xi32, #tpu.memory_space<vmem>>) semaphore(%arg8 : memref<!tpu.dma_semaphore, #tpu.memory_space<semaphore_mem>>) {add = true}
      %mul3A_162 = arith.constant 16 : i32
      %mul3A_163 = arith.muli %add3A_63, %mul3A_162 : i32
      %add3A_164 = arith.constant 11 : i32
      %add3A_165 = arith.addi %mul3A_163, %add3A_164 : i32
      %dma_start3A_166 = arith.constant 0 : i32
      %dma_start3A_167 = tpu.memref_slice %arg5[%add3A_165, %dma_start3A_166] : memref<160x128xi32, #tpu.memory_space<vmem>> -> memref<1x128xi32, #tpu.memory_space<vmem>>
      %dma_start3A_168 = tpu.memref_squeeze %dma_start3A_167 : memref<1x128xi32, #tpu.memory_space<vmem>> -> memref<128xi32, #tpu.memory_space<vmem>>
      %dma_start3A_169 = arith.constant 0 : i32
      %dma_start3A_170 = tpu.memref_slice %arg7[%dma_start3A_169] : memref<10240xf32, #tpu.memory_space<vmem_shared>> -> memref<10240xf32, #tpu.memory_space<vmem_shared>>
      tpu.enqueue_indirect_dma source(%arg6 : memref<128xf32, #tpu.memory_space<vmem>>) target(%dma_start3A_170 : memref<10240xf32, #tpu.memory_space<vmem_shared>>) offsets(%dma_start3A_168 : memref<128xi32, #tpu.memory_space<vmem>>) semaphore(%arg8 : memref<!tpu.dma_semaphore, #tpu.memory_space<semaphore_mem>>) {add = true}
      %mul3A_171 = arith.constant 16 : i32
      %mul3A_172 = arith.muli %add3A_63, %mul3A_171 : i32
      %add3A_173 = arith.constant 12 : i32
      %add3A_174 = arith.addi %mul3A_172, %add3A_173 : i32
      %dma_start3A_175 = arith.constant 0 : i32
      %dma_start3A_176 = tpu.memref_slice %arg5[%add3A_174, %dma_start3A_175] : memref<160x128xi32, #tpu.memory_space<vmem>> -> memref<1x128xi32, #tpu.memory_space<vmem>>
      %dma_start3A_177 = tpu.memref_squeeze %dma_start3A_176 : memref<1x128xi32, #tpu.memory_space<vmem>> -> memref<128xi32, #tpu.memory_space<vmem>>
      %dma_start3A_178 = arith.constant 0 : i32
      %dma_start3A_179 = tpu.memref_slice %arg7[%dma_start3A_178] : memref<10240xf32, #tpu.memory_space<vmem_shared>> -> memref<10240xf32, #tpu.memory_space<vmem_shared>>
      tpu.enqueue_indirect_dma source(%arg6 : memref<128xf32, #tpu.memory_space<vmem>>) target(%dma_start3A_179 : memref<10240xf32, #tpu.memory_space<vmem_shared>>) offsets(%dma_start3A_177 : memref<128xi32, #tpu.memory_space<vmem>>) semaphore(%arg8 : memref<!tpu.dma_semaphore, #tpu.memory_space<semaphore_mem>>) {add = true}
      %mul3A_180 = arith.constant 16 : i32
      %mul3A_181 = arith.muli %add3A_63, %mul3A_180 : i32
      %add3A_182 = arith.constant 13 : i32
      %add3A_183 = arith.addi %mul3A_181, %add3A_182 : i32
      %dma_start3A_184 = arith.constant 0 : i32
      %dma_start3A_185 = tpu.memref_slice %arg5[%add3A_183, %dma_start3A_184] : memref<160x128xi32, #tpu.memory_space<vmem>> -> memref<1x128xi32, #tpu.memory_space<vmem>>
      %dma_start3A_186 = tpu.memref_squeeze %dma_start3A_185 : memref<1x128xi32, #tpu.memory_space<vmem>> -> memref<128xi32, #tpu.memory_space<vmem>>
      %dma_start3A_187 = arith.constant 0 : i32
      %dma_start3A_188 = tpu.memref_slice %arg7[%dma_start3A_187] : memref<10240xf32, #tpu.memory_space<vmem_shared>> -> memref<10240xf32, #tpu.memory_space<vmem_shared>>
      tpu.enqueue_indirect_dma source(%arg6 : memref<128xf32, #tpu.memory_space<vmem>>) target(%dma_start3A_188 : memref<10240xf32, #tpu.memory_space<vmem_shared>>) offsets(%dma_start3A_186 : memref<128xi32, #tpu.memory_space<vmem>>) semaphore(%arg8 : memref<!tpu.dma_semaphore, #tpu.memory_space<semaphore_mem>>) {add = true}
      %mul3A_189 = arith.constant 16 : i32
      %mul3A_190 = arith.muli %add3A_63, %mul3A_189 : i32
      %add3A_191 = arith.constant 14 : i32
      %add3A_192 = arith.addi %mul3A_190, %add3A_191 : i32
      %dma_start3A_193 = arith.constant 0 : i32
      %dma_start3A_194 = tpu.memref_slice %arg5[%add3A_192, %dma_start3A_193] : memref<160x128xi32, #tpu.memory_space<vmem>> -> memref<1x128xi32, #tpu.memory_space<vmem>>
      %dma_start3A_195 = tpu.memref_squeeze %dma_start3A_194 : memref<1x128xi32, #tpu.memory_space<vmem>> -> memref<128xi32, #tpu.memory_space<vmem>>
      %dma_start3A_196 = arith.constant 0 : i32
      %dma_start3A_197 = tpu.memref_slice %arg7[%dma_start3A_196] : memref<10240xf32, #tpu.memory_space<vmem_shared>> -> memref<10240xf32, #tpu.memory_space<vmem_shared>>
      tpu.enqueue_indirect_dma source(%arg6 : memref<128xf32, #tpu.memory_space<vmem>>) target(%dma_start3A_197 : memref<10240xf32, #tpu.memory_space<vmem_shared>>) offsets(%dma_start3A_195 : memref<128xi32, #tpu.memory_space<vmem>>) semaphore(%arg8 : memref<!tpu.dma_semaphore, #tpu.memory_space<semaphore_mem>>) {add = true}
      %mul3A_198 = arith.constant 16 : i32
      %mul3A_199 = arith.muli %add3A_63, %mul3A_198 : i32
      %add3A_200 = arith.constant 15 : i32
      %add3A_201 = arith.addi %mul3A_199, %add3A_200 : i32
      %dma_start3A_202 = arith.constant 0 : i32
      %dma_start3A_203 = tpu.memref_slice %arg5[%add3A_201, %dma_start3A_202] : memref<160x128xi32, #tpu.memory_space<vmem>> -> memref<1x128xi32, #tpu.memory_space<vmem>>
      %dma_start3A_204 = tpu.memref_squeeze %dma_start3A_203 : memref<1x128xi32, #tpu.memory_space<vmem>> -> memref<128xi32, #tpu.memory_space<vmem>>
      %dma_start3A_205 = arith.constant 0 : i32
      %dma_start3A_206 = tpu.memref_slice %arg7[%dma_start3A_205] : memref<10240xf32, #tpu.memory_space<vmem_shared>> -> memref<10240xf32, #tpu.memory_space<vmem_shared>>
      tpu.enqueue_indirect_dma source(%arg6 : memref<128xf32, #tpu.memory_space<vmem>>) target(%dma_start3A_206 : memref<10240xf32, #tpu.memory_space<vmem_shared>>) offsets(%dma_start3A_204 : memref<128xi32, #tpu.memory_space<vmem>>) semaphore(%arg8 : memref<!tpu.dma_semaphore, #tpu.memory_space<semaphore_mem>>) {add = true}
      %mul3A_207 = arith.constant 16 : i32
      %mul3A_208 = arith.muli %add3A_63, %mul3A_207 : i32
      %add3A_209 = arith.constant 0 : i32
      %add3A_210 = arith.addi %mul3A_208, %add3A_209 : i32
      %dma_wait3A = arith.constant 0 : i32
      %dma_wait3A_211 = tpu.memref_slice %arg5[%add3A_210, %dma_wait3A] : memref<160x128xi32, #tpu.memory_space<vmem>> -> memref<1x128xi32, #tpu.memory_space<vmem>>
      %dma_wait3A_212 = tpu.memref_squeeze %dma_wait3A_211 : memref<1x128xi32, #tpu.memory_space<vmem>> -> memref<128xi32, #tpu.memory_space<vmem>>
      %dma_wait3A_213 = arith.constant 0 : i32
      %dma_wait3A_214 = tpu.memref_slice %arg7[%dma_wait3A_213] : memref<10240xf32, #tpu.memory_space<vmem_shared>> -> memref<10240xf32, #tpu.memory_space<vmem_shared>>
      tpu.wait_indirect_dma semaphore(%arg8 : memref<!tpu.dma_semaphore, #tpu.memory_space<semaphore_mem>>) src(%arg6 : memref<128xf32, #tpu.memory_space<vmem>>) dst(%dma_wait3A_214 : memref<10240xf32, #tpu.memory_space<vmem_shared>>)
      %mul3A_215 = arith.constant 16 : i32
      %mul3A_216 = arith.muli %add3A_63, %mul3A_215 : i32
      %add3A_217 = arith.constant 1 : i32
      %add3A_218 = arith.addi %mul3A_216, %add3A_217 : i32
      %dma_wait3A_219 = arith.constant 0 : i32
      %dma_wait3A_220 = tpu.memref_slice %arg5[%add3A_218, %dma_wait3A_219] : memref<160x128xi32, #tpu.memory_space<vmem>> -> memref<1x128xi32, #tpu.memory_space<vmem>>
      %dma_wait3A_221 = tpu.memref_squeeze %dma_wait3A_220 : memref<1x128xi32, #tpu.memory_space<vmem>> -> memref<128xi32, #tpu.memory_space<vmem>>
      %dma_wait3A_222 = arith.constant 0 : i32
      %dma_wait3A_223 = tpu.memref_slice %arg7[%dma_wait3A_222] : memref<10240xf32, #tpu.memory_space<vmem_shared>> -> memref<10240xf32, #tpu.memory_space<vmem_shared>>
      tpu.wait_indirect_dma semaphore(%arg8 : memref<!tpu.dma_semaphore, #tpu.memory_space<semaphore_mem>>) src(%arg6 : memref<128xf32, #tpu.memory_space<vmem>>) dst(%dma_wait3A_223 : memref<10240xf32, #tpu.memory_space<vmem_shared>>)
      %mul3A_224 = arith.constant 16 : i32
      %mul3A_225 = arith.muli %add3A_63, %mul3A_224 : i32
      %add3A_226 = arith.constant 2 : i32
      %add3A_227 = arith.addi %mul3A_225, %add3A_226 : i32
      %dma_wait3A_228 = arith.constant 0 : i32
      %dma_wait3A_229 = tpu.memref_slice %arg5[%add3A_227, %dma_wait3A_228] : memref<160x128xi32, #tpu.memory_space<vmem>> -> memref<1x128xi32, #tpu.memory_space<vmem>>
      %dma_wait3A_230 = tpu.memref_squeeze %dma_wait3A_229 : memref<1x128xi32, #tpu.memory_space<vmem>> -> memref<128xi32, #tpu.memory_space<vmem>>
      %dma_wait3A_231 = arith.constant 0 : i32
      %dma_wait3A_232 = tpu.memref_slice %arg7[%dma_wait3A_231] : memref<10240xf32, #tpu.memory_space<vmem_shared>> -> memref<10240xf32, #tpu.memory_space<vmem_shared>>
      tpu.wait_indirect_dma semaphore(%arg8 : memref<!tpu.dma_semaphore, #tpu.memory_space<semaphore_mem>>) src(%arg6 : memref<128xf32, #tpu.memory_space<vmem>>) dst(%dma_wait3A_232 : memref<10240xf32, #tpu.memory_space<vmem_shared>>)
      %mul3A_233 = arith.constant 16 : i32
      %mul3A_234 = arith.muli %add3A_63, %mul3A_233 : i32
      %add3A_235 = arith.constant 3 : i32
      %add3A_236 = arith.addi %mul3A_234, %add3A_235 : i32
      %dma_wait3A_237 = arith.constant 0 : i32
      %dma_wait3A_238 = tpu.memref_slice %arg5[%add3A_236, %dma_wait3A_237] : memref<160x128xi32, #tpu.memory_space<vmem>> -> memref<1x128xi32, #tpu.memory_space<vmem>>
      %dma_wait3A_239 = tpu.memref_squeeze %dma_wait3A_238 : memref<1x128xi32, #tpu.memory_space<vmem>> -> memref<128xi32, #tpu.memory_space<vmem>>
      %dma_wait3A_240 = arith.constant 0 : i32
      %dma_wait3A_241 = tpu.memref_slice %arg7[%dma_wait3A_240] : memref<10240xf32, #tpu.memory_space<vmem_shared>> -> memref<10240xf32, #tpu.memory_space<vmem_shared>>
      tpu.wait_indirect_dma semaphore(%arg8 : memref<!tpu.dma_semaphore, #tpu.memory_space<semaphore_mem>>) src(%arg6 : memref<128xf32, #tpu.memory_space<vmem>>) dst(%dma_wait3A_241 : memref<10240xf32, #tpu.memory_space<vmem_shared>>)
      %mul3A_242 = arith.constant 16 : i32
      %mul3A_243 = arith.muli %add3A_63, %mul3A_242 : i32
      %add3A_244 = arith.constant 4 : i32
      %add3A_245 = arith.addi %mul3A_243, %add3A_244 : i32
      %dma_wait3A_246 = arith.constant 0 : i32
      %dma_wait3A_247 = tpu.memref_slice %arg5[%add3A_245, %dma_wait3A_246] : memref<160x128xi32, #tpu.memory_space<vmem>> -> memref<1x128xi32, #tpu.memory_space<vmem>>
      %dma_wait3A_248 = tpu.memref_squeeze %dma_wait3A_247 : memref<1x128xi32, #tpu.memory_space<vmem>> -> memref<128xi32, #tpu.memory_space<vmem>>
      %dma_wait3A_249 = arith.constant 0 : i32
      %dma_wait3A_250 = tpu.memref_slice %arg7[%dma_wait3A_249] : memref<10240xf32, #tpu.memory_space<vmem_shared>> -> memref<10240xf32, #tpu.memory_space<vmem_shared>>
      tpu.wait_indirect_dma semaphore(%arg8 : memref<!tpu.dma_semaphore, #tpu.memory_space<semaphore_mem>>) src(%arg6 : memref<128xf32, #tpu.memory_space<vmem>>) dst(%dma_wait3A_250 : memref<10240xf32, #tpu.memory_space<vmem_shared>>)
      %mul3A_251 = arith.constant 16 : i32
      %mul3A_252 = arith.muli %add3A_63, %mul3A_251 : i32
      %add3A_253 = arith.constant 5 : i32
      %add3A_254 = arith.addi %mul3A_252, %add3A_253 : i32
      %dma_wait3A_255 = arith.constant 0 : i32
      %dma_wait3A_256 = tpu.memref_slice %arg5[%add3A_254, %dma_wait3A_255] : memref<160x128xi32, #tpu.memory_space<vmem>> -> memref<1x128xi32, #tpu.memory_space<vmem>>
      %dma_wait3A_257 = tpu.memref_squeeze %dma_wait3A_256 : memref<1x128xi32, #tpu.memory_space<vmem>> -> memref<128xi32, #tpu.memory_space<vmem>>
      %dma_wait3A_258 = arith.constant 0 : i32
      %dma_wait3A_259 = tpu.memref_slice %arg7[%dma_wait3A_258] : memref<10240xf32, #tpu.memory_space<vmem_shared>> -> memref<10240xf32, #tpu.memory_space<vmem_shared>>
      tpu.wait_indirect_dma semaphore(%arg8 : memref<!tpu.dma_semaphore, #tpu.memory_space<semaphore_mem>>) src(%arg6 : memref<128xf32, #tpu.memory_space<vmem>>) dst(%dma_wait3A_259 : memref<10240xf32, #tpu.memory_space<vmem_shared>>)
      %mul3A_260 = arith.constant 16 : i32
      %mul3A_261 = arith.muli %add3A_63, %mul3A_260 : i32
      %add3A_262 = arith.constant 6 : i32
      %add3A_263 = arith.addi %mul3A_261, %add3A_262 : i32
      %dma_wait3A_264 = arith.constant 0 : i32
      %dma_wait3A_265 = tpu.memref_slice %arg5[%add3A_263, %dma_wait3A_264] : memref<160x128xi32, #tpu.memory_space<vmem>> -> memref<1x128xi32, #tpu.memory_space<vmem>>
      %dma_wait3A_266 = tpu.memref_squeeze %dma_wait3A_265 : memref<1x128xi32, #tpu.memory_space<vmem>> -> memref<128xi32, #tpu.memory_space<vmem>>
      %dma_wait3A_267 = arith.constant 0 : i32
      %dma_wait3A_268 = tpu.memref_slice %arg7[%dma_wait3A_267] : memref<10240xf32, #tpu.memory_space<vmem_shared>> -> memref<10240xf32, #tpu.memory_space<vmem_shared>>
      tpu.wait_indirect_dma semaphore(%arg8 : memref<!tpu.dma_semaphore, #tpu.memory_space<semaphore_mem>>) src(%arg6 : memref<128xf32, #tpu.memory_space<vmem>>) dst(%dma_wait3A_268 : memref<10240xf32, #tpu.memory_space<vmem_shared>>)
      %mul3A_269 = arith.constant 16 : i32
      %mul3A_270 = arith.muli %add3A_63, %mul3A_269 : i32
      %add3A_271 = arith.constant 7 : i32
      %add3A_272 = arith.addi %mul3A_270, %add3A_271 : i32
      %dma_wait3A_273 = arith.constant 0 : i32
      %dma_wait3A_274 = tpu.memref_slice %arg5[%add3A_272, %dma_wait3A_273] : memref<160x128xi32, #tpu.memory_space<vmem>> -> memref<1x128xi32, #tpu.memory_space<vmem>>
      %dma_wait3A_275 = tpu.memref_squeeze %dma_wait3A_274 : memref<1x128xi32, #tpu.memory_space<vmem>> -> memref<128xi32, #tpu.memory_space<vmem>>
      %dma_wait3A_276 = arith.constant 0 : i32
      %dma_wait3A_277 = tpu.memref_slice %arg7[%dma_wait3A_276] : memref<10240xf32, #tpu.memory_space<vmem_shared>> -> memref<10240xf32, #tpu.memory_space<vmem_shared>>
      tpu.wait_indirect_dma semaphore(%arg8 : memref<!tpu.dma_semaphore, #tpu.memory_space<semaphore_mem>>) src(%arg6 : memref<128xf32, #tpu.memory_space<vmem>>) dst(%dma_wait3A_277 : memref<10240xf32, #tpu.memory_space<vmem_shared>>)
      %mul3A_278 = arith.constant 16 : i32
      %mul3A_279 = arith.muli %add3A_63, %mul3A_278 : i32
      %add3A_280 = arith.constant 8 : i32
      %add3A_281 = arith.addi %mul3A_279, %add3A_280 : i32
      %dma_wait3A_282 = arith.constant 0 : i32
      %dma_wait3A_283 = tpu.memref_slice %arg5[%add3A_281, %dma_wait3A_282] : memref<160x128xi32, #tpu.memory_space<vmem>> -> memref<1x128xi32, #tpu.memory_space<vmem>>
      %dma_wait3A_284 = tpu.memref_squeeze %dma_wait3A_283 : memref<1x128xi32, #tpu.memory_space<vmem>> -> memref<128xi32, #tpu.memory_space<vmem>>
      %dma_wait3A_285 = arith.constant 0 : i32
      %dma_wait3A_286 = tpu.memref_slice %arg7[%dma_wait3A_285] : memref<10240xf32, #tpu.memory_space<vmem_shared>> -> memref<10240xf32, #tpu.memory_space<vmem_shared>>
      tpu.wait_indirect_dma semaphore(%arg8 : memref<!tpu.dma_semaphore, #tpu.memory_space<semaphore_mem>>) src(%arg6 : memref<128xf32, #tpu.memory_space<vmem>>) dst(%dma_wait3A_286 : memref<10240xf32, #tpu.memory_space<vmem_shared>>)
      %mul3A_287 = arith.constant 16 : i32
      %mul3A_288 = arith.muli %add3A_63, %mul3A_287 : i32
      %add3A_289 = arith.constant 9 : i32
      %add3A_290 = arith.addi %mul3A_288, %add3A_289 : i32
      %dma_wait3A_291 = arith.constant 0 : i32
      %dma_wait3A_292 = tpu.memref_slice %arg5[%add3A_290, %dma_wait3A_291] : memref<160x128xi32, #tpu.memory_space<vmem>> -> memref<1x128xi32, #tpu.memory_space<vmem>>
      %dma_wait3A_293 = tpu.memref_squeeze %dma_wait3A_292 : memref<1x128xi32, #tpu.memory_space<vmem>> -> memref<128xi32, #tpu.memory_space<vmem>>
      %dma_wait3A_294 = arith.constant 0 : i32
      %dma_wait3A_295 = tpu.memref_slice %arg7[%dma_wait3A_294] : memref<10240xf32, #tpu.memory_space<vmem_shared>> -> memref<10240xf32, #tpu.memory_space<vmem_shared>>
      tpu.wait_indirect_dma semaphore(%arg8 : memref<!tpu.dma_semaphore, #tpu.memory_space<semaphore_mem>>) src(%arg6 : memref<128xf32, #tpu.memory_space<vmem>>) dst(%dma_wait3A_295 : memref<10240xf32, #tpu.memory_space<vmem_shared>>)
      %mul3A_296 = arith.constant 16 : i32
      %mul3A_297 = arith.muli %add3A_63, %mul3A_296 : i32
      %add3A_298 = arith.constant 10 : i32
      %add3A_299 = arith.addi %mul3A_297, %add3A_298 : i32
      %dma_wait3A_300 = arith.constant 0 : i32
      %dma_wait3A_301 = tpu.memref_slice %arg5[%add3A_299, %dma_wait3A_300] : memref<160x128xi32, #tpu.memory_space<vmem>> -> memref<1x128xi32, #tpu.memory_space<vmem>>
      %dma_wait3A_302 = tpu.memref_squeeze %dma_wait3A_301 : memref<1x128xi32, #tpu.memory_space<vmem>> -> memref<128xi32, #tpu.memory_space<vmem>>
      %dma_wait3A_303 = arith.constant 0 : i32
      %dma_wait3A_304 = tpu.memref_slice %arg7[%dma_wait3A_303] : memref<10240xf32, #tpu.memory_space<vmem_shared>> -> memref<10240xf32, #tpu.memory_space<vmem_shared>>
      tpu.wait_indirect_dma semaphore(%arg8 : memref<!tpu.dma_semaphore, #tpu.memory_space<semaphore_mem>>) src(%arg6 : memref<128xf32, #tpu.memory_space<vmem>>) dst(%dma_wait3A_304 : memref<10240xf32, #tpu.memory_space<vmem_shared>>)
      %mul3A_305 = arith.constant 16 : i32
      %mul3A_306 = arith.muli %add3A_63, %mul3A_305 : i32
      %add3A_307 = arith.constant 11 : i32
      %add3A_308 = arith.addi %mul3A_306, %add3A_307 : i32
      %dma_wait3A_309 = arith.constant 0 : i32
      %dma_wait3A_310 = tpu.memref_slice %arg5[%add3A_308, %dma_wait3A_309] : memref<160x128xi32, #tpu.memory_space<vmem>> -> memref<1x128xi32, #tpu.memory_space<vmem>>
      %dma_wait3A_311 = tpu.memref_squeeze %dma_wait3A_310 : memref<1x128xi32, #tpu.memory_space<vmem>> -> memref<128xi32, #tpu.memory_space<vmem>>
      %dma_wait3A_312 = arith.constant 0 : i32
      %dma_wait3A_313 = tpu.memref_slice %arg7[%dma_wait3A_312] : memref<10240xf32, #tpu.memory_space<vmem_shared>> -> memref<10240xf32, #tpu.memory_space<vmem_shared>>
      tpu.wait_indirect_dma semaphore(%arg8 : memref<!tpu.dma_semaphore, #tpu.memory_space<semaphore_mem>>) src(%arg6 : memref<128xf32, #tpu.memory_space<vmem>>) dst(%dma_wait3A_313 : memref<10240xf32, #tpu.memory_space<vmem_shared>>)
      %mul3A_314 = arith.constant 16 : i32
      %mul3A_315 = arith.muli %add3A_63, %mul3A_314 : i32
      %add3A_316 = arith.constant 12 : i32
      %add3A_317 = arith.addi %mul3A_315, %add3A_316 : i32
      %dma_wait3A_318 = arith.constant 0 : i32
      %dma_wait3A_319 = tpu.memref_slice %arg5[%add3A_317, %dma_wait3A_318] : memref<160x128xi32, #tpu.memory_space<vmem>> -> memref<1x128xi32, #tpu.memory_space<vmem>>
      %dma_wait3A_320 = tpu.memref_squeeze %dma_wait3A_319 : memref<1x128xi32, #tpu.memory_space<vmem>> -> memref<128xi32, #tpu.memory_space<vmem>>
      %dma_wait3A_321 = arith.constant 0 : i32
      %dma_wait3A_322 = tpu.memref_slice %arg7[%dma_wait3A_321] : memref<10240xf32, #tpu.memory_space<vmem_shared>> -> memref<10240xf32, #tpu.memory_space<vmem_shared>>
      tpu.wait_indirect_dma semaphore(%arg8 : memref<!tpu.dma_semaphore, #tpu.memory_space<semaphore_mem>>) src(%arg6 : memref<128xf32, #tpu.memory_space<vmem>>) dst(%dma_wait3A_322 : memref<10240xf32, #tpu.memory_space<vmem_shared>>)
      %mul3A_323 = arith.constant 16 : i32
      %mul3A_324 = arith.muli %add3A_63, %mul3A_323 : i32
      %add3A_325 = arith.constant 13 : i32
      %add3A_326 = arith.addi %mul3A_324, %add3A_325 : i32
      %dma_wait3A_327 = arith.constant 0 : i32
      %dma_wait3A_328 = tpu.memref_slice %arg5[%add3A_326, %dma_wait3A_327] : memref<160x128xi32, #tpu.memory_space<vmem>> -> memref<1x128xi32, #tpu.memory_space<vmem>>
      %dma_wait3A_329 = tpu.memref_squeeze %dma_wait3A_328 : memref<1x128xi32, #tpu.memory_space<vmem>> -> memref<128xi32, #tpu.memory_space<vmem>>
      %dma_wait3A_330 = arith.constant 0 : i32
      %dma_wait3A_331 = tpu.memref_slice %arg7[%dma_wait3A_330] : memref<10240xf32, #tpu.memory_space<vmem_shared>> -> memref<10240xf32, #tpu.memory_space<vmem_shared>>
      tpu.wait_indirect_dma semaphore(%arg8 : memref<!tpu.dma_semaphore, #tpu.memory_space<semaphore_mem>>) src(%arg6 : memref<128xf32, #tpu.memory_space<vmem>>) dst(%dma_wait3A_331 : memref<10240xf32, #tpu.memory_space<vmem_shared>>)
      %mul3A_332 = arith.constant 16 : i32
      %mul3A_333 = arith.muli %add3A_63, %mul3A_332 : i32
      %add3A_334 = arith.constant 14 : i32
      %add3A_335 = arith.addi %mul3A_333, %add3A_334 : i32
      %dma_wait3A_336 = arith.constant 0 : i32
      %dma_wait3A_337 = tpu.memref_slice %arg5[%add3A_335, %dma_wait3A_336] : memref<160x128xi32, #tpu.memory_space<vmem>> -> memref<1x128xi32, #tpu.memory_space<vmem>>
      %dma_wait3A_338 = tpu.memref_squeeze %dma_wait3A_337 : memref<1x128xi32, #tpu.memory_space<vmem>> -> memref<128xi32, #tpu.memory_space<vmem>>
      %dma_wait3A_339 = arith.constant 0 : i32
      %dma_wait3A_340 = tpu.memref_slice %arg7[%dma_wait3A_339] : memref<10240xf32, #tpu.memory_space<vmem_shared>> -> memref<10240xf32, #tpu.memory_space<vmem_shared>>
      tpu.wait_indirect_dma semaphore(%arg8 : memref<!tpu.dma_semaphore, #tpu.memory_space<semaphore_mem>>) src(%arg6 : memref<128xf32, #tpu.memory_space<vmem>>) dst(%dma_wait3A_340 : memref<10240xf32, #tpu.memory_space<vmem_shared>>)
      %mul3A_341 = arith.constant 16 : i32
      %mul3A_342 = arith.muli %add3A_63, %mul3A_341 : i32
      %add3A_343 = arith.constant 15 : i32
      %add3A_344 = arith.addi %mul3A_342, %add3A_343 : i32
      %dma_wait3A_345 = arith.constant 0 : i32
      %dma_wait3A_346 = tpu.memref_slice %arg5[%add3A_344, %dma_wait3A_345] : memref<160x128xi32, #tpu.memory_space<vmem>> -> memref<1x128xi32, #tpu.memory_space<vmem>>
      %dma_wait3A_347 = tpu.memref_squeeze %dma_wait3A_346 : memref<1x128xi32, #tpu.memory_space<vmem>> -> memref<128xi32, #tpu.memory_space<vmem>>
      %dma_wait3A_348 = arith.constant 0 : i32
      %dma_wait3A_349 = tpu.memref_slice %arg7[%dma_wait3A_348] : memref<10240xf32, #tpu.memory_space<vmem_shared>> -> memref<10240xf32, #tpu.memory_space<vmem_shared>>
      tpu.wait_indirect_dma semaphore(%arg8 : memref<!tpu.dma_semaphore, #tpu.memory_space<semaphore_mem>>) src(%arg6 : memref<128xf32, #tpu.memory_space<vmem>>) dst(%dma_wait3A_349 : memref<10240xf32, #tpu.memory_space<vmem_shared>>)
    }
    %scan3A_54 = arith.constant 10 : i32
    %barrier3A_55 = arith.constant 0 : index
    tpu.barrier barrier_id(%barrier3A_55)
    %mul3A_56 = arith.constant 640 : i32
    %mul3A_57 = arith.muli %arg1, %mul3A_56 : i32
    %mul3A_58 = arith.constant 640 : i32
    %mul3A_59 = arith.muli %arg1, %mul3A_58 : i32
    "tpu.region"() ({
      %run_scoped3A = tpu.sem_alloc : memref<!tpu.dma_semaphore, #tpu.memory_space<semaphore_mem>>
      %dma_start3A = tpu.memref_slice %arg4[%arg0, %mul3A_59] : memref<2x10240xf32, #tpu.memory_space<hbm>> -> memref<1x640xf32, #tpu.memory_space<hbm>>
      %dma_start3A_60 = tpu.memref_squeeze %dma_start3A : memref<1x640xf32, #tpu.memory_space<hbm>> -> memref<640xf32, #tpu.memory_space<hbm>>
      %dma_start3A_61 = tpu.memref_slice %arg7[%mul3A_57] : memref<10240xf32, #tpu.memory_space<vmem_shared>> -> memref<640xf32, #tpu.memory_space<vmem_shared>>
      tpu.enqueue_dma source(%dma_start3A_61 : memref<640xf32, #tpu.memory_space<vmem_shared>>) target(%dma_start3A_60 : memref<640xf32, #tpu.memory_space<hbm>>) target_semaphore(%run_scoped3A : memref<!tpu.dma_semaphore, #tpu.memory_space<semaphore_mem>>)
      %dma_wait3A = tpu.memref_slice %arg4[%arg0, %mul3A_59] : memref<2x10240xf32, #tpu.memory_space<hbm>> -> memref<1x640xf32, #tpu.memory_space<hbm>>
      %dma_wait3A_62 = tpu.memref_squeeze %dma_wait3A : memref<1x640xf32, #tpu.memory_space<hbm>> -> memref<640xf32, #tpu.memory_space<hbm>>
      %dma_wait3A_63 = tpu.memref_slice %arg7[%mul3A_57] : memref<10240xf32, #tpu.memory_space<vmem_shared>> -> memref<640xf32, #tpu.memory_space<vmem_shared>>
      tpu.wait_dma2 semaphore(%run_scoped3A : memref<!tpu.dma_semaphore, #tpu.memory_space<semaphore_mem>>) src(%dma_wait3A_63 : memref<640xf32, #tpu.memory_space<vmem_shared>>) dst(%dma_wait3A_62 : memref<640xf32, #tpu.memory_space<hbm>>)
      tpu.yield
    }) : () -> ()
    return
  }
}

#map = affine_map<(d0, d1) -> (0, 0)>
#map1 = affine_map<(d0, d1) -> (0, 0, 0)>
module attributes {stable_mosaic.version = 14 : i64} {
  func.func @_prop_body(%arg0: i32, %arg1: i32, %arg2: memref<10240x128xf32, #tpu.memory_space<hbm>>, %arg3: memref<2x5120x64xi32, #tpu.memory_space<hbm>>, %arg4: memref<10240x128xf32, #tpu.memory_space<hbm>>, %arg5: memref<2x10240x128xf32, #tpu.memory_space<hbm>>, %arg6: memref<40x64xi32, #tpu.memory_space<vmem>>, %arg7: memref<40x64xi32, #tpu.memory_space<vmem>>, %arg8: memref<4x64x128xf32, #tpu.memory_space<vmem>>, %arg9: memref<10240x128xf32, #tpu.memory_space<vmem_shared>>, %arg10: memref<4x!tpu.dma_semaphore, #tpu.memory_space<semaphore_mem>>, %arg11: memref<4x!tpu.dma_semaphore, #tpu.memory_space<semaphore_mem>>) attributes {dimension_semantics = [#tpu.dimension_semantics<core_parallel>, #tpu.dimension_semantics<subcore_parallel>], iteration_bounds = array<i64: 2, 16>, scalar_prefetch = 0 : i64, scratch_operands = 6 : i64, tpu.core_type = #tpu.core_type<sc_vector_subcore>, window_params = [{transform_indices = #map}, {transform_indices = #map1}, {transform_indices = #map}, {transform_indices = #map1}]} {
    %mul3A = arith.constant 640 : i32
    %mul3A_0 = arith.muli %arg1, %mul3A : i32
    %mul3A_1 = arith.constant 640 : i32
    %mul3A_2 = arith.muli %arg1, %mul3A_1 : i32
    %dma_start3A = arith.constant 0 : i32
    %dma_start3A_3 = tpu.memref_slice %arg10[%dma_start3A] : memref<4x!tpu.dma_semaphore, #tpu.memory_space<semaphore_mem>> -> memref<1x!tpu.dma_semaphore, #tpu.memory_space<semaphore_mem>>
    %dma_start3A_4 = tpu.memref_squeeze %dma_start3A_3 : memref<1x!tpu.dma_semaphore, #tpu.memory_space<semaphore_mem>> -> memref<!tpu.dma_semaphore, #tpu.memory_space<semaphore_mem>>
    %dma_start3A_5 = arith.constant 0 : i32
    %dma_start3A_6 = tpu.memref_slice %arg9[%mul3A_2, %dma_start3A_5] : memref<10240x128xf32, #tpu.memory_space<vmem_shared>> -> memref<640x128xf32, #tpu.memory_space<vmem_shared>>
    %dma_start3A_7 = arith.constant 0 : i32
    %dma_start3A_8 = tpu.memref_slice %arg4[%mul3A_0, %dma_start3A_7] : memref<10240x128xf32, #tpu.memory_space<hbm>> -> memref<640x128xf32, #tpu.memory_space<hbm>>
    tpu.enqueue_dma source(%dma_start3A_8 : memref<640x128xf32, #tpu.memory_space<hbm>>) target(%dma_start3A_6 : memref<640x128xf32, #tpu.memory_space<vmem_shared>>) target_semaphore(%dma_start3A_4 : memref<!tpu.dma_semaphore, #tpu.memory_space<semaphore_mem>>)
    %mul3A_9 = arith.constant 2560 : i32
    %mul3A_10 = arith.muli %arg0, %mul3A_9 : i32
    %mul3A_11 = arith.constant 160 : i32
    %mul3A_12 = arith.muli %arg1, %mul3A_11 : i32
    %add3A = arith.addi %mul3A_10, %mul3A_12 : i32
    %scan3A = arith.constant 0 : i32
    %scan3A_13 = arith.constant 0 : i32
    %scan3A_14 = arith.constant 4 : i32
    %scan3A_15 = arith.addi %scan3A_13, %scan3A_14 : i32
    %scan3A_16 = arith.constant 1 : i32
    scf.for %scan3A_22 = %scan3A_13 to %scan3A_15 step %scan3A_16  : i32 {
      %mul3A_23 = arith.constant 1 : i32
      %mul3A_24 = arith.muli %scan3A_22, %mul3A_23 : i32
      %add3A_25 = arith.constant 0 : i32
      %add3A_26 = arith.addi %add3A_25, %mul3A_24 : i32
      %mul3A_27 = arith.constant 40 : i32
      %mul3A_28 = arith.muli %add3A_26, %mul3A_27 : i32
      %add3A_29 = arith.addi %add3A, %mul3A_28 : i32
      %run_scoped3A = arith.constant 0 : i32
      "tpu.region"() ({
        %run_scoped3A_115 = tpu.sem_alloc : memref<!tpu.dma_semaphore, #tpu.memory_space<semaphore_mem>>
        %dma_start3A_116 = arith.constant 0 : i32
        %dma_start3A_117 = tpu.memref_slice %arg3[%run_scoped3A, %add3A_29, %dma_start3A_116] : memref<2x5120x64xi32, #tpu.memory_space<hbm>> -> memref<1x40x64xi32, #tpu.memory_space<hbm>>
        %dma_start3A_118 = tpu.memref_squeeze %dma_start3A_117 : memref<1x40x64xi32, #tpu.memory_space<hbm>> -> memref<40x64xi32, #tpu.memory_space<hbm>>
        %dma_start3A_119 = arith.constant 0 : i32
        %dma_start3A_120 = tpu.memref_slice %arg3[%run_scoped3A, %add3A_29, %dma_start3A_119] : memref<2x5120x64xi32, #tpu.memory_space<hbm>> -> memref<1x40x64xi32, #tpu.memory_space<hbm>>
        %dma_start3A_121 = tpu.memref_squeeze %dma_start3A_120 : memref<1x40x64xi32, #tpu.memory_space<hbm>> -> memref<40x64xi32, #tpu.memory_space<hbm>>
        tpu.enqueue_dma source(%dma_start3A_121 : memref<40x64xi32, #tpu.memory_space<hbm>>) target(%arg6 : memref<40x64xi32, #tpu.memory_space<vmem>>) target_semaphore(%run_scoped3A_115 : memref<!tpu.dma_semaphore, #tpu.memory_space<semaphore_mem>>)
        %dma_wait3A_122 = arith.constant 0 : i32
        %dma_wait3A_123 = tpu.memref_slice %arg3[%run_scoped3A, %add3A_29, %dma_wait3A_122] : memref<2x5120x64xi32, #tpu.memory_space<hbm>> -> memref<1x40x64xi32, #tpu.memory_space<hbm>>
        %dma_wait3A_124 = tpu.memref_squeeze %dma_wait3A_123 : memref<1x40x64xi32, #tpu.memory_space<hbm>> -> memref<40x64xi32, #tpu.memory_space<hbm>>
        %dma_wait3A_125 = arith.constant 0 : i32
        %dma_wait3A_126 = tpu.memref_slice %arg3[%run_scoped3A, %add3A_29, %dma_wait3A_125] : memref<2x5120x64xi32, #tpu.memory_space<hbm>> -> memref<1x40x64xi32, #tpu.memory_space<hbm>>
        %dma_wait3A_127 = tpu.memref_squeeze %dma_wait3A_126 : memref<1x40x64xi32, #tpu.memory_space<hbm>> -> memref<40x64xi32, #tpu.memory_space<hbm>>
        tpu.wait_dma2 semaphore(%run_scoped3A_115 : memref<!tpu.dma_semaphore, #tpu.memory_space<semaphore_mem>>) src(%dma_wait3A_127 : memref<40x64xi32, #tpu.memory_space<hbm>>) dst(%arg6 : memref<40x64xi32, #tpu.memory_space<vmem>>)
        tpu.yield
      }) : () -> ()
      %mul3A_30 = arith.constant 40 : i32
      %mul3A_31 = arith.muli %add3A_26, %mul3A_30 : i32
      %add3A_32 = arith.addi %add3A, %mul3A_31 : i32
      %run_scoped3A_33 = arith.constant 1 : i32
      "tpu.region"() ({
        %run_scoped3A_115 = tpu.sem_alloc : memref<!tpu.dma_semaphore, #tpu.memory_space<semaphore_mem>>
        %dma_start3A_116 = arith.constant 0 : i32
        %dma_start3A_117 = tpu.memref_slice %arg3[%run_scoped3A_33, %add3A_32, %dma_start3A_116] : memref<2x5120x64xi32, #tpu.memory_space<hbm>> -> memref<1x40x64xi32, #tpu.memory_space<hbm>>
        %dma_start3A_118 = tpu.memref_squeeze %dma_start3A_117 : memref<1x40x64xi32, #tpu.memory_space<hbm>> -> memref<40x64xi32, #tpu.memory_space<hbm>>
        %dma_start3A_119 = arith.constant 0 : i32
        %dma_start3A_120 = tpu.memref_slice %arg3[%run_scoped3A_33, %add3A_32, %dma_start3A_119] : memref<2x5120x64xi32, #tpu.memory_space<hbm>> -> memref<1x40x64xi32, #tpu.memory_space<hbm>>
        %dma_start3A_121 = tpu.memref_squeeze %dma_start3A_120 : memref<1x40x64xi32, #tpu.memory_space<hbm>> -> memref<40x64xi32, #tpu.memory_space<hbm>>
        tpu.enqueue_dma source(%dma_start3A_121 : memref<40x64xi32, #tpu.memory_space<hbm>>) target(%arg7 : memref<40x64xi32, #tpu.memory_space<vmem>>) target_semaphore(%run_scoped3A_115 : memref<!tpu.dma_semaphore, #tpu.memory_space<semaphore_mem>>)
        %dma_wait3A_122 = arith.constant 0 : i32
        %dma_wait3A_123 = tpu.memref_slice %arg3[%run_scoped3A_33, %add3A_32, %dma_wait3A_122] : memref<2x5120x64xi32, #tpu.memory_space<hbm>> -> memref<1x40x64xi32, #tpu.memory_space<hbm>>
        %dma_wait3A_124 = tpu.memref_squeeze %dma_wait3A_123 : memref<1x40x64xi32, #tpu.memory_space<hbm>> -> memref<40x64xi32, #tpu.memory_space<hbm>>
        %dma_wait3A_125 = arith.constant 0 : i32
        %dma_wait3A_126 = tpu.memref_slice %arg3[%run_scoped3A_33, %add3A_32, %dma_wait3A_125] : memref<2x5120x64xi32, #tpu.memory_space<hbm>> -> memref<1x40x64xi32, #tpu.memory_space<hbm>>
        %dma_wait3A_127 = tpu.memref_squeeze %dma_wait3A_126 : memref<1x40x64xi32, #tpu.memory_space<hbm>> -> memref<40x64xi32, #tpu.memory_space<hbm>>
        tpu.wait_dma2 semaphore(%run_scoped3A_115 : memref<!tpu.dma_semaphore, #tpu.memory_space<semaphore_mem>>) src(%dma_wait3A_127 : memref<40x64xi32, #tpu.memory_space<hbm>>) dst(%arg7 : memref<40x64xi32, #tpu.memory_space<vmem>>)
        tpu.yield
      }) : () -> ()
      %eq3A = arith.constant 0 : i32
      %eq3A_34 = arith.cmpi eq, %add3A_26, %eq3A : i32
      %convert_element_type3A = arith.extui %eq3A_34 : i1 to i32
      %cond3A = arith.constant 0 : i32
      %cond3A_35 = arith.cmpi ne, %convert_element_type3A, %cond3A : i32
      scf.if %cond3A_35 {
        %dma_wait3A_115 = tpu.memref_slice %arg10[%scan3A] : memref<4x!tpu.dma_semaphore, #tpu.memory_space<semaphore_mem>> -> memref<1x!tpu.dma_semaphore, #tpu.memory_space<semaphore_mem>>
        %dma_wait3A_116 = tpu.memref_squeeze %dma_wait3A_115 : memref<1x!tpu.dma_semaphore, #tpu.memory_space<semaphore_mem>> -> memref<!tpu.dma_semaphore, #tpu.memory_space<semaphore_mem>>
        %dma_wait3A_117 = arith.constant 0 : i32
        %dma_wait3A_118 = tpu.memref_slice %arg9[%mul3A_2, %dma_wait3A_117] : memref<10240x128xf32, #tpu.memory_space<vmem_shared>> -> memref<640x128xf32, #tpu.memory_space<vmem_shared>>
        %dma_wait3A_119 = arith.constant 0 : i32
        %dma_wait3A_120 = tpu.memref_slice %arg4[%mul3A_0, %dma_wait3A_119] : memref<10240x128xf32, #tpu.memory_space<hbm>> -> memref<640x128xf32, #tpu.memory_space<hbm>>
        tpu.wait_dma2 semaphore(%dma_wait3A_116 : memref<!tpu.dma_semaphore, #tpu.memory_space<semaphore_mem>>) src(%dma_wait3A_120 : memref<640x128xf32, #tpu.memory_space<hbm>>) dst(%dma_wait3A_118 : memref<640x128xf32, #tpu.memory_space<vmem_shared>>)
        %barrier3A_121 = arith.constant 0 : index
        tpu.barrier barrier_id(%barrier3A_121)
      } else {
      }
      %dma_start3A_36 = arith.constant 0 : i32
      %dma_start3A_37 = arith.constant 0 : i32
      %dma_start3A_38 = arith.constant 0 : i32
      %dma_start3A_39 = arith.constant 0 : i32
      %dma_start3A_40 = arith.constant 0 : i32
      %dma_start3A_41 = tpu.memref_slice %arg8[%dma_start3A_37, %dma_start3A_39, %dma_start3A_40] : memref<4x64x128xf32, #tpu.memory_space<vmem>> -> memref<1x64x128xf32, #tpu.memory_space<vmem>>
      %dma_start3A_42 = tpu.memref_squeeze %dma_start3A_41 : memref<1x64x128xf32, #tpu.memory_space<vmem>> -> memref<64x128xf32, #tpu.memory_space<vmem>>
      %dma_start3A_43 = arith.constant 0 : i32
      %dma_start3A_44 = tpu.memref_slice %arg6[%dma_start3A_36, %dma_start3A_43] : memref<40x64xi32, #tpu.memory_space<vmem>> -> memref<1x64xi32, #tpu.memory_space<vmem>>
      %dma_start3A_45 = tpu.memref_squeeze %dma_start3A_44 : memref<1x64xi32, #tpu.memory_space<vmem>> -> memref<64xi32, #tpu.memory_space<vmem>>
      %dma_start3A_46 = arith.constant 0 : i32
      %dma_start3A_47 = arith.constant 0 : i32
      %dma_start3A_48 = tpu.memref_slice %arg2[%dma_start3A_46, %dma_start3A_47] : memref<10240x128xf32, #tpu.memory_space<hbm>> -> memref<10240x128xf32, #tpu.memory_space<hbm>>
      %dma_start3A_49 = tpu.memref_slice %arg10[%dma_start3A_38] : memref<4x!tpu.dma_semaphore, #tpu.memory_space<semaphore_mem>> -> memref<1x!tpu.dma_semaphore, #tpu.memory_space<semaphore_mem>>
      %dma_start3A_50 = tpu.memref_squeeze %dma_start3A_49 : memref<1x!tpu.dma_semaphore, #tpu.memory_space<semaphore_mem>> -> memref<!tpu.dma_semaphore, #tpu.memory_space<semaphore_mem>>
      tpu.enqueue_indirect_dma source(%dma_start3A_48 : memref<10240x128xf32, #tpu.memory_space<hbm>>) target(%dma_start3A_42 : memref<64x128xf32, #tpu.memory_space<vmem>>) offsets(%dma_start3A_45 : memref<64xi32, #tpu.memory_space<vmem>>) semaphore(%dma_start3A_50 : memref<!tpu.dma_semaphore, #tpu.memory_space<semaphore_mem>>)
      %dma_start3A_51 = arith.constant 1 : i32
      %dma_start3A_52 = arith.constant 1 : i32
      %dma_start3A_53 = arith.constant 1 : i32
      %dma_start3A_54 = arith.constant 0 : i32
      %dma_start3A_55 = arith.constant 0 : i32
      %dma_start3A_56 = tpu.memref_slice %arg8[%dma_start3A_52, %dma_start3A_54, %dma_start3A_55] : memref<4x64x128xf32, #tpu.memory_space<vmem>> -> memref<1x64x128xf32, #tpu.memory_space<vmem>>
      %dma_start3A_57 = tpu.memref_squeeze %dma_start3A_56 : memref<1x64x128xf32, #tpu.memory_space<vmem>> -> memref<64x128xf32, #tpu.memory_space<vmem>>
      %dma_start3A_58 = arith.constant 0 : i32
      %dma_start3A_59 = tpu.memref_slice %arg6[%dma_start3A_51, %dma_start3A_58] : memref<40x64xi32, #tpu.memory_space<vmem>> -> memref<1x64xi32, #tpu.memory_space<vmem>>
      %dma_start3A_60 = tpu.memref_squeeze %dma_start3A_59 : memref<1x64xi32, #tpu.memory_space<vmem>> -> memref<64xi32, #tpu.memory_space<vmem>>
      %dma_start3A_61 = arith.constant 0 : i32
      %dma_start3A_62 = arith.constant 0 : i32
      %dma_start3A_63 = tpu.memref_slice %arg2[%dma_start3A_61, %dma_start3A_62] : memref<10240x128xf32, #tpu.memory_space<hbm>> -> memref<10240x128xf32, #tpu.memory_space<hbm>>
      %dma_start3A_64 = tpu.memref_slice %arg10[%dma_start3A_53] : memref<4x!tpu.dma_semaphore, #tpu.memory_space<semaphore_mem>> -> memref<1x!tpu.dma_semaphore, #tpu.memory_space<semaphore_mem>>
      %dma_start3A_65 = tpu.memref_squeeze %dma_start3A_64 : memref<1x!tpu.dma_semaphore, #tpu.memory_space<semaphore_mem>> -> memref<!tpu.dma_semaphore, #tpu.memory_space<semaphore_mem>>
      tpu.enqueue_indirect_dma source(%dma_start3A_63 : memref<10240x128xf32, #tpu.memory_space<hbm>>) target(%dma_start3A_57 : memref<64x128xf32, #tpu.memory_space<vmem>>) offsets(%dma_start3A_60 : memref<64xi32, #tpu.memory_space<vmem>>) semaphore(%dma_start3A_65 : memref<!tpu.dma_semaphore, #tpu.memory_space<semaphore_mem>>)
      %dma_start3A_66 = arith.constant 2 : i32
      %dma_start3A_67 = arith.constant 2 : i32
      %dma_start3A_68 = arith.constant 2 : i32
      %dma_start3A_69 = arith.constant 0 : i32
      %dma_start3A_70 = arith.constant 0 : i32
      %dma_start3A_71 = tpu.memref_slice %arg8[%dma_start3A_67, %dma_start3A_69, %dma_start3A_70] : memref<4x64x128xf32, #tpu.memory_space<vmem>> -> memref<1x64x128xf32, #tpu.memory_space<vmem>>
      %dma_start3A_72 = tpu.memref_squeeze %dma_start3A_71 : memref<1x64x128xf32, #tpu.memory_space<vmem>> -> memref<64x128xf32, #tpu.memory_space<vmem>>
      %dma_start3A_73 = arith.constant 0 : i32
      %dma_start3A_74 = tpu.memref_slice %arg6[%dma_start3A_66, %dma_start3A_73] : memref<40x64xi32, #tpu.memory_space<vmem>> -> memref<1x64xi32, #tpu.memory_space<vmem>>
      %dma_start3A_75 = tpu.memref_squeeze %dma_start3A_74 : memref<1x64xi32, #tpu.memory_space<vmem>> -> memref<64xi32, #tpu.memory_space<vmem>>
      %dma_start3A_76 = arith.constant 0 : i32
      %dma_start3A_77 = arith.constant 0 : i32
      %dma_start3A_78 = tpu.memref_slice %arg2[%dma_start3A_76, %dma_start3A_77] : memref<10240x128xf32, #tpu.memory_space<hbm>> -> memref<10240x128xf32, #tpu.memory_space<hbm>>
      %dma_start3A_79 = tpu.memref_slice %arg10[%dma_start3A_68] : memref<4x!tpu.dma_semaphore, #tpu.memory_space<semaphore_mem>> -> memref<1x!tpu.dma_semaphore, #tpu.memory_space<semaphore_mem>>
      %dma_start3A_80 = tpu.memref_squeeze %dma_start3A_79 : memref<1x!tpu.dma_semaphore, #tpu.memory_space<semaphore_mem>> -> memref<!tpu.dma_semaphore, #tpu.memory_space<semaphore_mem>>
      tpu.enqueue_indirect_dma source(%dma_start3A_78 : memref<10240x128xf32, #tpu.memory_space<hbm>>) target(%dma_start3A_72 : memref<64x128xf32, #tpu.memory_space<vmem>>) offsets(%dma_start3A_75 : memref<64xi32, #tpu.memory_space<vmem>>) semaphore(%dma_start3A_80 : memref<!tpu.dma_semaphore, #tpu.memory_space<semaphore_mem>>)
      %dma_start3A_81 = arith.constant 3 : i32
      %dma_start3A_82 = arith.constant 3 : i32
      %dma_start3A_83 = arith.constant 3 : i32
      %dma_start3A_84 = arith.constant 0 : i32
      %dma_start3A_85 = arith.constant 0 : i32
      %dma_start3A_86 = tpu.memref_slice %arg8[%dma_start3A_82, %dma_start3A_84, %dma_start3A_85] : memref<4x64x128xf32, #tpu.memory_space<vmem>> -> memref<1x64x128xf32, #tpu.memory_space<vmem>>
      %dma_start3A_87 = tpu.memref_squeeze %dma_start3A_86 : memref<1x64x128xf32, #tpu.memory_space<vmem>> -> memref<64x128xf32, #tpu.memory_space<vmem>>
      %dma_start3A_88 = arith.constant 0 : i32
      %dma_start3A_89 = tpu.memref_slice %arg6[%dma_start3A_81, %dma_start3A_88] : memref<40x64xi32, #tpu.memory_space<vmem>> -> memref<1x64xi32, #tpu.memory_space<vmem>>
      %dma_start3A_90 = tpu.memref_squeeze %dma_start3A_89 : memref<1x64xi32, #tpu.memory_space<vmem>> -> memref<64xi32, #tpu.memory_space<vmem>>
      %dma_start3A_91 = arith.constant 0 : i32
      %dma_start3A_92 = arith.constant 0 : i32
      %dma_start3A_93 = tpu.memref_slice %arg2[%dma_start3A_91, %dma_start3A_92] : memref<10240x128xf32, #tpu.memory_space<hbm>> -> memref<10240x128xf32, #tpu.memory_space<hbm>>
      %dma_start3A_94 = tpu.memref_slice %arg10[%dma_start3A_83] : memref<4x!tpu.dma_semaphore, #tpu.memory_space<semaphore_mem>> -> memref<1x!tpu.dma_semaphore, #tpu.memory_space<semaphore_mem>>
      %dma_start3A_95 = tpu.memref_squeeze %dma_start3A_94 : memref<1x!tpu.dma_semaphore, #tpu.memory_space<semaphore_mem>> -> memref<!tpu.dma_semaphore, #tpu.memory_space<semaphore_mem>>
      tpu.enqueue_indirect_dma source(%dma_start3A_93 : memref<10240x128xf32, #tpu.memory_space<hbm>>) target(%dma_start3A_87 : memref<64x128xf32, #tpu.memory_space<vmem>>) offsets(%dma_start3A_90 : memref<64xi32, #tpu.memory_space<vmem>>) semaphore(%dma_start3A_95 : memref<!tpu.dma_semaphore, #tpu.memory_space<semaphore_mem>>)
      %scan3A_96 = arith.constant 0 : i32
      %scan3A_97 = arith.constant 10 : i32
      %scan3A_98 = arith.addi %scan3A_96, %scan3A_97 : i32
      %scan3A_99 = arith.constant 1 : i32
      scf.for %scan3A_115 = %scan3A_96 to %scan3A_98 step %scan3A_99  : i32 {
        %mul3A_116 = arith.constant 1 : i32
        %mul3A_117 = arith.muli %scan3A_115, %mul3A_116 : i32
        %add3A_118 = arith.constant 0 : i32
        %add3A_119 = arith.addi %add3A_118, %mul3A_117 : i32
        %mul3A_120 = arith.constant 4 : i32
        %mul3A_121 = arith.muli %add3A_119, %mul3A_120 : i32
        %add3A_122 = arith.constant 0 : i32
        %add3A_123 = arith.addi %mul3A_121, %add3A_122 : i32
        %dma_wait3A_124 = arith.constant 0 : i32
        %dma_wait3A_125 = arith.constant 0 : i32
        %dma_wait3A_126 = arith.constant 0 : i32
        %dma_wait3A_127 = arith.constant 0 : i32
        %dma_wait3A_128 = tpu.memref_slice %arg8[%dma_wait3A_124, %dma_wait3A_126, %dma_wait3A_127] : memref<4x64x128xf32, #tpu.memory_space<vmem>> -> memref<1x64x128xf32, #tpu.memory_space<vmem>>
        %dma_wait3A_129 = tpu.memref_squeeze %dma_wait3A_128 : memref<1x64x128xf32, #tpu.memory_space<vmem>> -> memref<64x128xf32, #tpu.memory_space<vmem>>
        %dma_wait3A_130 = arith.constant 0 : i32
        %dma_wait3A_131 = tpu.memref_slice %arg6[%add3A_123, %dma_wait3A_130] : memref<40x64xi32, #tpu.memory_space<vmem>> -> memref<1x64xi32, #tpu.memory_space<vmem>>
        %dma_wait3A_132 = tpu.memref_squeeze %dma_wait3A_131 : memref<1x64xi32, #tpu.memory_space<vmem>> -> memref<64xi32, #tpu.memory_space<vmem>>
        %dma_wait3A_133 = arith.constant 0 : i32
        %dma_wait3A_134 = arith.constant 0 : i32
        %dma_wait3A_135 = tpu.memref_slice %arg2[%dma_wait3A_133, %dma_wait3A_134] : memref<10240x128xf32, #tpu.memory_space<hbm>> -> memref<10240x128xf32, #tpu.memory_space<hbm>>
        %dma_wait3A_136 = tpu.memref_slice %arg10[%dma_wait3A_125] : memref<4x!tpu.dma_semaphore, #tpu.memory_space<semaphore_mem>> -> memref<1x!tpu.dma_semaphore, #tpu.memory_space<semaphore_mem>>
        %dma_wait3A_137 = tpu.memref_squeeze %dma_wait3A_136 : memref<1x!tpu.dma_semaphore, #tpu.memory_space<semaphore_mem>> -> memref<!tpu.dma_semaphore, #tpu.memory_space<semaphore_mem>>
        tpu.wait_indirect_dma semaphore(%dma_wait3A_137 : memref<!tpu.dma_semaphore, #tpu.memory_space<semaphore_mem>>) src(%dma_wait3A_135 : memref<10240x128xf32, #tpu.memory_space<hbm>>) dst(%dma_wait3A_129 : memref<64x128xf32, #tpu.memory_space<vmem>>)
        %gt3A = arith.constant 0 : i32
        %gt3A_138 = arith.cmpi sgt, %add3A_123, %gt3A : i32
        %convert_element_type3A_139 = arith.extui %gt3A_138 : i1 to i32
        %cond3A_140 = arith.constant 0 : i32
        %cond3A_141 = arith.cmpi ne, %convert_element_type3A_139, %cond3A_140 : i32
        scf.if %cond3A_141 {
          %sub3A_306 = arith.constant 1 : i32
          %sub3A_307 = arith.subi %add3A_123, %sub3A_306 : i32
          %dma_wait3A_308 = arith.constant 3 : i32
          %dma_wait3A_309 = arith.constant 3 : i32
          %dma_wait3A_310 = arith.constant 0 : i32
          %dma_wait3A_311 = arith.constant 0 : i32
          %dma_wait3A_312 = tpu.memref_slice %arg8[%dma_wait3A_308, %dma_wait3A_310, %dma_wait3A_311] : memref<4x64x128xf32, #tpu.memory_space<vmem>> -> memref<1x64x128xf32, #tpu.memory_space<vmem>>
          %dma_wait3A_313 = tpu.memref_squeeze %dma_wait3A_312 : memref<1x64x128xf32, #tpu.memory_space<vmem>> -> memref<64x128xf32, #tpu.memory_space<vmem>>
          %dma_wait3A_314 = arith.constant 0 : i32
          %dma_wait3A_315 = tpu.memref_slice %arg7[%sub3A_307, %dma_wait3A_314] : memref<40x64xi32, #tpu.memory_space<vmem>> -> memref<1x64xi32, #tpu.memory_space<vmem>>
          %dma_wait3A_316 = tpu.memref_squeeze %dma_wait3A_315 : memref<1x64xi32, #tpu.memory_space<vmem>> -> memref<64xi32, #tpu.memory_space<vmem>>
          %dma_wait3A_317 = arith.constant 0 : i32
          %dma_wait3A_318 = arith.constant 0 : i32
          %dma_wait3A_319 = tpu.memref_slice %arg9[%dma_wait3A_317, %dma_wait3A_318] : memref<10240x128xf32, #tpu.memory_space<vmem_shared>> -> memref<10240x128xf32, #tpu.memory_space<vmem_shared>>
          %dma_wait3A_320 = tpu.memref_slice %arg11[%dma_wait3A_309] : memref<4x!tpu.dma_semaphore, #tpu.memory_space<semaphore_mem>> -> memref<1x!tpu.dma_semaphore, #tpu.memory_space<semaphore_mem>>
          %dma_wait3A_321 = tpu.memref_squeeze %dma_wait3A_320 : memref<1x!tpu.dma_semaphore, #tpu.memory_space<semaphore_mem>> -> memref<!tpu.dma_semaphore, #tpu.memory_space<semaphore_mem>>
          tpu.wait_indirect_dma semaphore(%dma_wait3A_321 : memref<!tpu.dma_semaphore, #tpu.memory_space<semaphore_mem>>) src(%dma_wait3A_313 : memref<64x128xf32, #tpu.memory_space<vmem>>) dst(%dma_wait3A_319 : memref<10240x128xf32, #tpu.memory_space<vmem_shared>>)
        } else {
        }
        %dma_start3A_142 = arith.constant 0 : i32
        %dma_start3A_143 = arith.constant 0 : i32
        %dma_start3A_144 = arith.constant 0 : i32
        %dma_start3A_145 = arith.constant 0 : i32
        %dma_start3A_146 = tpu.memref_slice %arg8[%dma_start3A_142, %dma_start3A_144, %dma_start3A_145] : memref<4x64x128xf32, #tpu.memory_space<vmem>> -> memref<1x64x128xf32, #tpu.memory_space<vmem>>
        %dma_start3A_147 = tpu.memref_squeeze %dma_start3A_146 : memref<1x64x128xf32, #tpu.memory_space<vmem>> -> memref<64x128xf32, #tpu.memory_space<vmem>>
        %dma_start3A_148 = arith.constant 0 : i32
        %dma_start3A_149 = tpu.memref_slice %arg7[%add3A_123, %dma_start3A_148] : memref<40x64xi32, #tpu.memory_space<vmem>> -> memref<1x64xi32, #tpu.memory_space<vmem>>
        %dma_start3A_150 = tpu.memref_squeeze %dma_start3A_149 : memref<1x64xi32, #tpu.memory_space<vmem>> -> memref<64xi32, #tpu.memory_space<vmem>>
        %dma_start3A_151 = arith.constant 0 : i32
        %dma_start3A_152 = arith.constant 0 : i32
        %dma_start3A_153 = tpu.memref_slice %arg9[%dma_start3A_151, %dma_start3A_152] : memref<10240x128xf32, #tpu.memory_space<vmem_shared>> -> memref<10240x128xf32, #tpu.memory_space<vmem_shared>>
        %dma_start3A_154 = tpu.memref_slice %arg11[%dma_start3A_143] : memref<4x!tpu.dma_semaphore, #tpu.memory_space<semaphore_mem>> -> memref<1x!tpu.dma_semaphore, #tpu.memory_space<semaphore_mem>>
        %dma_start3A_155 = tpu.memref_squeeze %dma_start3A_154 : memref<1x!tpu.dma_semaphore, #tpu.memory_space<semaphore_mem>> -> memref<!tpu.dma_semaphore, #tpu.memory_space<semaphore_mem>>
        tpu.enqueue_indirect_dma source(%dma_start3A_147 : memref<64x128xf32, #tpu.memory_space<vmem>>) target(%dma_start3A_153 : memref<10240x128xf32, #tpu.memory_space<vmem_shared>>) offsets(%dma_start3A_150 : memref<64xi32, #tpu.memory_space<vmem>>) semaphore(%dma_start3A_155 : memref<!tpu.dma_semaphore, #tpu.memory_space<semaphore_mem>>) {add = true}
        %gt3A_156 = arith.constant 0 : i32
        %gt3A_157 = arith.cmpi sgt, %add3A_123, %gt3A_156 : i32
        %sub3A = arith.constant 1 : i32
        %sub3A_158 = arith.subi %add3A_123, %sub3A : i32
        %add3A_159 = arith.constant 4 : i32
        %add3A_160 = arith.addi %sub3A_158, %add3A_159 : i32
        %lt3A = arith.constant 40 : i32
        %lt3A_161 = arith.cmpi slt, %add3A_160, %lt3A : i32
        %and3A = arith.andi %gt3A_157, %lt3A_161 : i1
        %convert_element_type3A_162 = arith.extui %and3A : i1 to i32
        %cond3A_163 = arith.constant 0 : i32
        %cond3A_164 = arith.cmpi ne, %convert_element_type3A_162, %cond3A_163 : i32
        scf.if %cond3A_164 {
          %sub3A_306 = arith.constant 1 : i32
          %sub3A_307 = arith.subi %add3A_123, %sub3A_306 : i32
          %add3A_308 = arith.constant 4 : i32
          %add3A_309 = arith.addi %sub3A_307, %add3A_308 : i32
          %dma_start3A_310 = arith.constant 3 : i32
          %dma_start3A_311 = arith.constant 3 : i32
          %dma_start3A_312 = arith.constant 0 : i32
          %dma_start3A_313 = arith.constant 0 : i32
          %dma_start3A_314 = tpu.memref_slice %arg8[%dma_start3A_310, %dma_start3A_312, %dma_start3A_313] : memref<4x64x128xf32, #tpu.memory_space<vmem>> -> memref<1x64x128xf32, #tpu.memory_space<vmem>>
          %dma_start3A_315 = tpu.memref_squeeze %dma_start3A_314 : memref<1x64x128xf32, #tpu.memory_space<vmem>> -> memref<64x128xf32, #tpu.memory_space<vmem>>
          %dma_start3A_316 = arith.constant 0 : i32
          %dma_start3A_317 = tpu.memref_slice %arg6[%add3A_309, %dma_start3A_316] : memref<40x64xi32, #tpu.memory_space<vmem>> -> memref<1x64xi32, #tpu.memory_space<vmem>>
          %dma_start3A_318 = tpu.memref_squeeze %dma_start3A_317 : memref<1x64xi32, #tpu.memory_space<vmem>> -> memref<64xi32, #tpu.memory_space<vmem>>
          %dma_start3A_319 = arith.constant 0 : i32
          %dma_start3A_320 = arith.constant 0 : i32
          %dma_start3A_321 = tpu.memref_slice %arg2[%dma_start3A_319, %dma_start3A_320] : memref<10240x128xf32, #tpu.memory_space<hbm>> -> memref<10240x128xf32, #tpu.memory_space<hbm>>
          %dma_start3A_322 = tpu.memref_slice %arg10[%dma_start3A_311] : memref<4x!tpu.dma_semaphore, #tpu.memory_space<semaphore_mem>> -> memref<1x!tpu.dma_semaphore, #tpu.memory_space<semaphore_mem>>
          %dma_start3A_323 = tpu.memref_squeeze %dma_start3A_322 : memref<1x!tpu.dma_semaphore, #tpu.memory_space<semaphore_mem>> -> memref<!tpu.dma_semaphore, #tpu.memory_space<semaphore_mem>>
          tpu.enqueue_indirect_dma source(%dma_start3A_321 : memref<10240x128xf32, #tpu.memory_space<hbm>>) target(%dma_start3A_315 : memref<64x128xf32, #tpu.memory_space<vmem>>) offsets(%dma_start3A_318 : memref<64xi32, #tpu.memory_space<vmem>>) semaphore(%dma_start3A_323 : memref<!tpu.dma_semaphore, #tpu.memory_space<semaphore_mem>>)
        } else {
        }
        %add3A_165 = arith.constant 1 : i32
        %add3A_166 = arith.addi %mul3A_121, %add3A_165 : i32
        %dma_wait3A_167 = arith.constant 1 : i32
        %dma_wait3A_168 = arith.constant 1 : i32
        %dma_wait3A_169 = arith.constant 0 : i32
        %dma_wait3A_170 = arith.constant 0 : i32
        %dma_wait3A_171 = tpu.memref_slice %arg8[%dma_wait3A_167, %dma_wait3A_169, %dma_wait3A_170] : memref<4x64x128xf32, #tpu.memory_space<vmem>> -> memref<1x64x128xf32, #tpu.memory_space<vmem>>
        %dma_wait3A_172 = tpu.memref_squeeze %dma_wait3A_171 : memref<1x64x128xf32, #tpu.memory_space<vmem>> -> memref<64x128xf32, #tpu.memory_space<vmem>>
        %dma_wait3A_173 = arith.constant 0 : i32
        %dma_wait3A_174 = tpu.memref_slice %arg6[%add3A_166, %dma_wait3A_173] : memref<40x64xi32, #tpu.memory_space<vmem>> -> memref<1x64xi32, #tpu.memory_space<vmem>>
        %dma_wait3A_175 = tpu.memref_squeeze %dma_wait3A_174 : memref<1x64xi32, #tpu.memory_space<vmem>> -> memref<64xi32, #tpu.memory_space<vmem>>
        %dma_wait3A_176 = arith.constant 0 : i32
        %dma_wait3A_177 = arith.constant 0 : i32
        %dma_wait3A_178 = tpu.memref_slice %arg2[%dma_wait3A_176, %dma_wait3A_177] : memref<10240x128xf32, #tpu.memory_space<hbm>> -> memref<10240x128xf32, #tpu.memory_space<hbm>>
        %dma_wait3A_179 = tpu.memref_slice %arg10[%dma_wait3A_168] : memref<4x!tpu.dma_semaphore, #tpu.memory_space<semaphore_mem>> -> memref<1x!tpu.dma_semaphore, #tpu.memory_space<semaphore_mem>>
        %dma_wait3A_180 = tpu.memref_squeeze %dma_wait3A_179 : memref<1x!tpu.dma_semaphore, #tpu.memory_space<semaphore_mem>> -> memref<!tpu.dma_semaphore, #tpu.memory_space<semaphore_mem>>
        tpu.wait_indirect_dma semaphore(%dma_wait3A_180 : memref<!tpu.dma_semaphore, #tpu.memory_space<semaphore_mem>>) src(%dma_wait3A_178 : memref<10240x128xf32, #tpu.memory_space<hbm>>) dst(%dma_wait3A_172 : memref<64x128xf32, #tpu.memory_space<vmem>>)
        %gt3A_181 = arith.constant 0 : i32
        %gt3A_182 = arith.cmpi sgt, %add3A_166, %gt3A_181 : i32
        %convert_element_type3A_183 = arith.extui %gt3A_182 : i1 to i32
        %cond3A_184 = arith.constant 0 : i32
        %cond3A_185 = arith.cmpi ne, %convert_element_type3A_183, %cond3A_184 : i32
        scf.if %cond3A_185 {
          %sub3A_306 = arith.constant 1 : i32
          %sub3A_307 = arith.subi %add3A_166, %sub3A_306 : i32
          %dma_wait3A_308 = arith.constant 0 : i32
          %dma_wait3A_309 = arith.constant 0 : i32
          %dma_wait3A_310 = arith.constant 0 : i32
          %dma_wait3A_311 = arith.constant 0 : i32
          %dma_wait3A_312 = tpu.memref_slice %arg8[%dma_wait3A_308, %dma_wait3A_310, %dma_wait3A_311] : memref<4x64x128xf32, #tpu.memory_space<vmem>> -> memref<1x64x128xf32, #tpu.memory_space<vmem>>
          %dma_wait3A_313 = tpu.memref_squeeze %dma_wait3A_312 : memref<1x64x128xf32, #tpu.memory_space<vmem>> -> memref<64x128xf32, #tpu.memory_space<vmem>>
          %dma_wait3A_314 = arith.constant 0 : i32
          %dma_wait3A_315 = tpu.memref_slice %arg7[%sub3A_307, %dma_wait3A_314] : memref<40x64xi32, #tpu.memory_space<vmem>> -> memref<1x64xi32, #tpu.memory_space<vmem>>
          %dma_wait3A_316 = tpu.memref_squeeze %dma_wait3A_315 : memref<1x64xi32, #tpu.memory_space<vmem>> -> memref<64xi32, #tpu.memory_space<vmem>>
          %dma_wait3A_317 = arith.constant 0 : i32
          %dma_wait3A_318 = arith.constant 0 : i32
          %dma_wait3A_319 = tpu.memref_slice %arg9[%dma_wait3A_317, %dma_wait3A_318] : memref<10240x128xf32, #tpu.memory_space<vmem_shared>> -> memref<10240x128xf32, #tpu.memory_space<vmem_shared>>
          %dma_wait3A_320 = tpu.memref_slice %arg11[%dma_wait3A_309] : memref<4x!tpu.dma_semaphore, #tpu.memory_space<semaphore_mem>> -> memref<1x!tpu.dma_semaphore, #tpu.memory_space<semaphore_mem>>
          %dma_wait3A_321 = tpu.memref_squeeze %dma_wait3A_320 : memref<1x!tpu.dma_semaphore, #tpu.memory_space<semaphore_mem>> -> memref<!tpu.dma_semaphore, #tpu.memory_space<semaphore_mem>>
          tpu.wait_indirect_dma semaphore(%dma_wait3A_321 : memref<!tpu.dma_semaphore, #tpu.memory_space<semaphore_mem>>) src(%dma_wait3A_313 : memref<64x128xf32, #tpu.memory_space<vmem>>) dst(%dma_wait3A_319 : memref<10240x128xf32, #tpu.memory_space<vmem_shared>>)
        } else {
        }
        %dma_start3A_186 = arith.constant 1 : i32
        %dma_start3A_187 = arith.constant 1 : i32
        %dma_start3A_188 = arith.constant 0 : i32
        %dma_start3A_189 = arith.constant 0 : i32
        %dma_start3A_190 = tpu.memref_slice %arg8[%dma_start3A_186, %dma_start3A_188, %dma_start3A_189] : memref<4x64x128xf32, #tpu.memory_space<vmem>> -> memref<1x64x128xf32, #tpu.memory_space<vmem>>
        %dma_start3A_191 = tpu.memref_squeeze %dma_start3A_190 : memref<1x64x128xf32, #tpu.memory_space<vmem>> -> memref<64x128xf32, #tpu.memory_space<vmem>>
        %dma_start3A_192 = arith.constant 0 : i32
        %dma_start3A_193 = tpu.memref_slice %arg7[%add3A_166, %dma_start3A_192] : memref<40x64xi32, #tpu.memory_space<vmem>> -> memref<1x64xi32, #tpu.memory_space<vmem>>
        %dma_start3A_194 = tpu.memref_squeeze %dma_start3A_193 : memref<1x64xi32, #tpu.memory_space<vmem>> -> memref<64xi32, #tpu.memory_space<vmem>>
        %dma_start3A_195 = arith.constant 0 : i32
        %dma_start3A_196 = arith.constant 0 : i32
        %dma_start3A_197 = tpu.memref_slice %arg9[%dma_start3A_195, %dma_start3A_196] : memref<10240x128xf32, #tpu.memory_space<vmem_shared>> -> memref<10240x128xf32, #tpu.memory_space<vmem_shared>>
        %dma_start3A_198 = tpu.memref_slice %arg11[%dma_start3A_187] : memref<4x!tpu.dma_semaphore, #tpu.memory_space<semaphore_mem>> -> memref<1x!tpu.dma_semaphore, #tpu.memory_space<semaphore_mem>>
        %dma_start3A_199 = tpu.memref_squeeze %dma_start3A_198 : memref<1x!tpu.dma_semaphore, #tpu.memory_space<semaphore_mem>> -> memref<!tpu.dma_semaphore, #tpu.memory_space<semaphore_mem>>
        tpu.enqueue_indirect_dma source(%dma_start3A_191 : memref<64x128xf32, #tpu.memory_space<vmem>>) target(%dma_start3A_197 : memref<10240x128xf32, #tpu.memory_space<vmem_shared>>) offsets(%dma_start3A_194 : memref<64xi32, #tpu.memory_space<vmem>>) semaphore(%dma_start3A_199 : memref<!tpu.dma_semaphore, #tpu.memory_space<semaphore_mem>>) {add = true}
        %gt3A_200 = arith.constant 0 : i32
        %gt3A_201 = arith.cmpi sgt, %add3A_166, %gt3A_200 : i32
        %sub3A_202 = arith.constant 1 : i32
        %sub3A_203 = arith.subi %add3A_166, %sub3A_202 : i32
        %add3A_204 = arith.constant 4 : i32
        %add3A_205 = arith.addi %sub3A_203, %add3A_204 : i32
        %lt3A_206 = arith.constant 40 : i32
        %lt3A_207 = arith.cmpi slt, %add3A_205, %lt3A_206 : i32
        %and3A_208 = arith.andi %gt3A_201, %lt3A_207 : i1
        %convert_element_type3A_209 = arith.extui %and3A_208 : i1 to i32
        %cond3A_210 = arith.constant 0 : i32
        %cond3A_211 = arith.cmpi ne, %convert_element_type3A_209, %cond3A_210 : i32
        scf.if %cond3A_211 {
          %sub3A_306 = arith.constant 1 : i32
          %sub3A_307 = arith.subi %add3A_166, %sub3A_306 : i32
          %add3A_308 = arith.constant 4 : i32
          %add3A_309 = arith.addi %sub3A_307, %add3A_308 : i32
          %dma_start3A_310 = arith.constant 0 : i32
          %dma_start3A_311 = arith.constant 0 : i32
          %dma_start3A_312 = arith.constant 0 : i32
          %dma_start3A_313 = arith.constant 0 : i32
          %dma_start3A_314 = tpu.memref_slice %arg8[%dma_start3A_310, %dma_start3A_312, %dma_start3A_313] : memref<4x64x128xf32, #tpu.memory_space<vmem>> -> memref<1x64x128xf32, #tpu.memory_space<vmem>>
          %dma_start3A_315 = tpu.memref_squeeze %dma_start3A_314 : memref<1x64x128xf32, #tpu.memory_space<vmem>> -> memref<64x128xf32, #tpu.memory_space<vmem>>
          %dma_start3A_316 = arith.constant 0 : i32
          %dma_start3A_317 = tpu.memref_slice %arg6[%add3A_309, %dma_start3A_316] : memref<40x64xi32, #tpu.memory_space<vmem>> -> memref<1x64xi32, #tpu.memory_space<vmem>>
          %dma_start3A_318 = tpu.memref_squeeze %dma_start3A_317 : memref<1x64xi32, #tpu.memory_space<vmem>> -> memref<64xi32, #tpu.memory_space<vmem>>
          %dma_start3A_319 = arith.constant 0 : i32
          %dma_start3A_320 = arith.constant 0 : i32
          %dma_start3A_321 = tpu.memref_slice %arg2[%dma_start3A_319, %dma_start3A_320] : memref<10240x128xf32, #tpu.memory_space<hbm>> -> memref<10240x128xf32, #tpu.memory_space<hbm>>
          %dma_start3A_322 = tpu.memref_slice %arg10[%dma_start3A_311] : memref<4x!tpu.dma_semaphore, #tpu.memory_space<semaphore_mem>> -> memref<1x!tpu.dma_semaphore, #tpu.memory_space<semaphore_mem>>
          %dma_start3A_323 = tpu.memref_squeeze %dma_start3A_322 : memref<1x!tpu.dma_semaphore, #tpu.memory_space<semaphore_mem>> -> memref<!tpu.dma_semaphore, #tpu.memory_space<semaphore_mem>>
          tpu.enqueue_indirect_dma source(%dma_start3A_321 : memref<10240x128xf32, #tpu.memory_space<hbm>>) target(%dma_start3A_315 : memref<64x128xf32, #tpu.memory_space<vmem>>) offsets(%dma_start3A_318 : memref<64xi32, #tpu.memory_space<vmem>>) semaphore(%dma_start3A_323 : memref<!tpu.dma_semaphore, #tpu.memory_space<semaphore_mem>>)
        } else {
        }
        %add3A_212 = arith.constant 2 : i32
        %add3A_213 = arith.addi %mul3A_121, %add3A_212 : i32
        %dma_wait3A_214 = arith.constant 2 : i32
        %dma_wait3A_215 = arith.constant 2 : i32
        %dma_wait3A_216 = arith.constant 0 : i32
        %dma_wait3A_217 = arith.constant 0 : i32
        %dma_wait3A_218 = tpu.memref_slice %arg8[%dma_wait3A_214, %dma_wait3A_216, %dma_wait3A_217] : memref<4x64x128xf32, #tpu.memory_space<vmem>> -> memref<1x64x128xf32, #tpu.memory_space<vmem>>
        %dma_wait3A_219 = tpu.memref_squeeze %dma_wait3A_218 : memref<1x64x128xf32, #tpu.memory_space<vmem>> -> memref<64x128xf32, #tpu.memory_space<vmem>>
        %dma_wait3A_220 = arith.constant 0 : i32
        %dma_wait3A_221 = tpu.memref_slice %arg6[%add3A_213, %dma_wait3A_220] : memref<40x64xi32, #tpu.memory_space<vmem>> -> memref<1x64xi32, #tpu.memory_space<vmem>>
        %dma_wait3A_222 = tpu.memref_squeeze %dma_wait3A_221 : memref<1x64xi32, #tpu.memory_space<vmem>> -> memref<64xi32, #tpu.memory_space<vmem>>
        %dma_wait3A_223 = arith.constant 0 : i32
        %dma_wait3A_224 = arith.constant 0 : i32
        %dma_wait3A_225 = tpu.memref_slice %arg2[%dma_wait3A_223, %dma_wait3A_224] : memref<10240x128xf32, #tpu.memory_space<hbm>> -> memref<10240x128xf32, #tpu.memory_space<hbm>>
        %dma_wait3A_226 = tpu.memref_slice %arg10[%dma_wait3A_215] : memref<4x!tpu.dma_semaphore, #tpu.memory_space<semaphore_mem>> -> memref<1x!tpu.dma_semaphore, #tpu.memory_space<semaphore_mem>>
        %dma_wait3A_227 = tpu.memref_squeeze %dma_wait3A_226 : memref<1x!tpu.dma_semaphore, #tpu.memory_space<semaphore_mem>> -> memref<!tpu.dma_semaphore, #tpu.memory_space<semaphore_mem>>
        tpu.wait_indirect_dma semaphore(%dma_wait3A_227 : memref<!tpu.dma_semaphore, #tpu.memory_space<semaphore_mem>>) src(%dma_wait3A_225 : memref<10240x128xf32, #tpu.memory_space<hbm>>) dst(%dma_wait3A_219 : memref<64x128xf32, #tpu.memory_space<vmem>>)
        %gt3A_228 = arith.constant 0 : i32
        %gt3A_229 = arith.cmpi sgt, %add3A_213, %gt3A_228 : i32
        %convert_element_type3A_230 = arith.extui %gt3A_229 : i1 to i32
        %cond3A_231 = arith.constant 0 : i32
        %cond3A_232 = arith.cmpi ne, %convert_element_type3A_230, %cond3A_231 : i32
        scf.if %cond3A_232 {
          %sub3A_306 = arith.constant 1 : i32
          %sub3A_307 = arith.subi %add3A_213, %sub3A_306 : i32
          %dma_wait3A_308 = arith.constant 1 : i32
          %dma_wait3A_309 = arith.constant 1 : i32
          %dma_wait3A_310 = arith.constant 0 : i32
          %dma_wait3A_311 = arith.constant 0 : i32
          %dma_wait3A_312 = tpu.memref_slice %arg8[%dma_wait3A_308, %dma_wait3A_310, %dma_wait3A_311] : memref<4x64x128xf32, #tpu.memory_space<vmem>> -> memref<1x64x128xf32, #tpu.memory_space<vmem>>
          %dma_wait3A_313 = tpu.memref_squeeze %dma_wait3A_312 : memref<1x64x128xf32, #tpu.memory_space<vmem>> -> memref<64x128xf32, #tpu.memory_space<vmem>>
          %dma_wait3A_314 = arith.constant 0 : i32
          %dma_wait3A_315 = tpu.memref_slice %arg7[%sub3A_307, %dma_wait3A_314] : memref<40x64xi32, #tpu.memory_space<vmem>> -> memref<1x64xi32, #tpu.memory_space<vmem>>
          %dma_wait3A_316 = tpu.memref_squeeze %dma_wait3A_315 : memref<1x64xi32, #tpu.memory_space<vmem>> -> memref<64xi32, #tpu.memory_space<vmem>>
          %dma_wait3A_317 = arith.constant 0 : i32
          %dma_wait3A_318 = arith.constant 0 : i32
          %dma_wait3A_319 = tpu.memref_slice %arg9[%dma_wait3A_317, %dma_wait3A_318] : memref<10240x128xf32, #tpu.memory_space<vmem_shared>> -> memref<10240x128xf32, #tpu.memory_space<vmem_shared>>
          %dma_wait3A_320 = tpu.memref_slice %arg11[%dma_wait3A_309] : memref<4x!tpu.dma_semaphore, #tpu.memory_space<semaphore_mem>> -> memref<1x!tpu.dma_semaphore, #tpu.memory_space<semaphore_mem>>
          %dma_wait3A_321 = tpu.memref_squeeze %dma_wait3A_320 : memref<1x!tpu.dma_semaphore, #tpu.memory_space<semaphore_mem>> -> memref<!tpu.dma_semaphore, #tpu.memory_space<semaphore_mem>>
          tpu.wait_indirect_dma semaphore(%dma_wait3A_321 : memref<!tpu.dma_semaphore, #tpu.memory_space<semaphore_mem>>) src(%dma_wait3A_313 : memref<64x128xf32, #tpu.memory_space<vmem>>) dst(%dma_wait3A_319 : memref<10240x128xf32, #tpu.memory_space<vmem_shared>>)
        } else {
        }
        %dma_start3A_233 = arith.constant 2 : i32
        %dma_start3A_234 = arith.constant 2 : i32
        %dma_start3A_235 = arith.constant 0 : i32
        %dma_start3A_236 = arith.constant 0 : i32
        %dma_start3A_237 = tpu.memref_slice %arg8[%dma_start3A_233, %dma_start3A_235, %dma_start3A_236] : memref<4x64x128xf32, #tpu.memory_space<vmem>> -> memref<1x64x128xf32, #tpu.memory_space<vmem>>
        %dma_start3A_238 = tpu.memref_squeeze %dma_start3A_237 : memref<1x64x128xf32, #tpu.memory_space<vmem>> -> memref<64x128xf32, #tpu.memory_space<vmem>>
        %dma_start3A_239 = arith.constant 0 : i32
        %dma_start3A_240 = tpu.memref_slice %arg7[%add3A_213, %dma_start3A_239] : memref<40x64xi32, #tpu.memory_space<vmem>> -> memref<1x64xi32, #tpu.memory_space<vmem>>
        %dma_start3A_241 = tpu.memref_squeeze %dma_start3A_240 : memref<1x64xi32, #tpu.memory_space<vmem>> -> memref<64xi32, #tpu.memory_space<vmem>>
        %dma_start3A_242 = arith.constant 0 : i32
        %dma_start3A_243 = arith.constant 0 : i32
        %dma_start3A_244 = tpu.memref_slice %arg9[%dma_start3A_242, %dma_start3A_243] : memref<10240x128xf32, #tpu.memory_space<vmem_shared>> -> memref<10240x128xf32, #tpu.memory_space<vmem_shared>>
        %dma_start3A_245 = tpu.memref_slice %arg11[%dma_start3A_234] : memref<4x!tpu.dma_semaphore, #tpu.memory_space<semaphore_mem>> -> memref<1x!tpu.dma_semaphore, #tpu.memory_space<semaphore_mem>>
        %dma_start3A_246 = tpu.memref_squeeze %dma_start3A_245 : memref<1x!tpu.dma_semaphore, #tpu.memory_space<semaphore_mem>> -> memref<!tpu.dma_semaphore, #tpu.memory_space<semaphore_mem>>
        tpu.enqueue_indirect_dma source(%dma_start3A_238 : memref<64x128xf32, #tpu.memory_space<vmem>>) target(%dma_start3A_244 : memref<10240x128xf32, #tpu.memory_space<vmem_shared>>) offsets(%dma_start3A_241 : memref<64xi32, #tpu.memory_space<vmem>>) semaphore(%dma_start3A_246 : memref<!tpu.dma_semaphore, #tpu.memory_space<semaphore_mem>>) {add = true}
        %gt3A_247 = arith.constant 0 : i32
        %gt3A_248 = arith.cmpi sgt, %add3A_213, %gt3A_247 : i32
        %sub3A_249 = arith.constant 1 : i32
        %sub3A_250 = arith.subi %add3A_213, %sub3A_249 : i32
        %add3A_251 = arith.constant 4 : i32
        %add3A_252 = arith.addi %sub3A_250, %add3A_251 : i32
        %lt3A_253 = arith.constant 40 : i32
        %lt3A_254 = arith.cmpi slt, %add3A_252, %lt3A_253 : i32
        %and3A_255 = arith.andi %gt3A_248, %lt3A_254 : i1
        %convert_element_type3A_256 = arith.extui %and3A_255 : i1 to i32
        %cond3A_257 = arith.constant 0 : i32
        %cond3A_258 = arith.cmpi ne, %convert_element_type3A_256, %cond3A_257 : i32
        scf.if %cond3A_258 {
          %sub3A_306 = arith.constant 1 : i32
          %sub3A_307 = arith.subi %add3A_213, %sub3A_306 : i32
          %add3A_308 = arith.constant 4 : i32
          %add3A_309 = arith.addi %sub3A_307, %add3A_308 : i32
          %dma_start3A_310 = arith.constant 1 : i32
          %dma_start3A_311 = arith.constant 1 : i32
          %dma_start3A_312 = arith.constant 0 : i32
          %dma_start3A_313 = arith.constant 0 : i32
          %dma_start3A_314 = tpu.memref_slice %arg8[%dma_start3A_310, %dma_start3A_312, %dma_start3A_313] : memref<4x64x128xf32, #tpu.memory_space<vmem>> -> memref<1x64x128xf32, #tpu.memory_space<vmem>>
          %dma_start3A_315 = tpu.memref_squeeze %dma_start3A_314 : memref<1x64x128xf32, #tpu.memory_space<vmem>> -> memref<64x128xf32, #tpu.memory_space<vmem>>
          %dma_start3A_316 = arith.constant 0 : i32
          %dma_start3A_317 = tpu.memref_slice %arg6[%add3A_309, %dma_start3A_316] : memref<40x64xi32, #tpu.memory_space<vmem>> -> memref<1x64xi32, #tpu.memory_space<vmem>>
          %dma_start3A_318 = tpu.memref_squeeze %dma_start3A_317 : memref<1x64xi32, #tpu.memory_space<vmem>> -> memref<64xi32, #tpu.memory_space<vmem>>
          %dma_start3A_319 = arith.constant 0 : i32
          %dma_start3A_320 = arith.constant 0 : i32
          %dma_start3A_321 = tpu.memref_slice %arg2[%dma_start3A_319, %dma_start3A_320] : memref<10240x128xf32, #tpu.memory_space<hbm>> -> memref<10240x128xf32, #tpu.memory_space<hbm>>
          %dma_start3A_322 = tpu.memref_slice %arg10[%dma_start3A_311] : memref<4x!tpu.dma_semaphore, #tpu.memory_space<semaphore_mem>> -> memref<1x!tpu.dma_semaphore, #tpu.memory_space<semaphore_mem>>
          %dma_start3A_323 = tpu.memref_squeeze %dma_start3A_322 : memref<1x!tpu.dma_semaphore, #tpu.memory_space<semaphore_mem>> -> memref<!tpu.dma_semaphore, #tpu.memory_space<semaphore_mem>>
          tpu.enqueue_indirect_dma source(%dma_start3A_321 : memref<10240x128xf32, #tpu.memory_space<hbm>>) target(%dma_start3A_315 : memref<64x128xf32, #tpu.memory_space<vmem>>) offsets(%dma_start3A_318 : memref<64xi32, #tpu.memory_space<vmem>>) semaphore(%dma_start3A_323 : memref<!tpu.dma_semaphore, #tpu.memory_space<semaphore_mem>>)
        } else {
        }
        %add3A_259 = arith.constant 3 : i32
        %add3A_260 = arith.addi %mul3A_121, %add3A_259 : i32
        %dma_wait3A_261 = arith.constant 3 : i32
        %dma_wait3A_262 = arith.constant 3 : i32
        %dma_wait3A_263 = arith.constant 0 : i32
        %dma_wait3A_264 = arith.constant 0 : i32
        %dma_wait3A_265 = tpu.memref_slice %arg8[%dma_wait3A_261, %dma_wait3A_263, %dma_wait3A_264] : memref<4x64x128xf32, #tpu.memory_space<vmem>> -> memref<1x64x128xf32, #tpu.memory_space<vmem>>
        %dma_wait3A_266 = tpu.memref_squeeze %dma_wait3A_265 : memref<1x64x128xf32, #tpu.memory_space<vmem>> -> memref<64x128xf32, #tpu.memory_space<vmem>>
        %dma_wait3A_267 = arith.constant 0 : i32
        %dma_wait3A_268 = tpu.memref_slice %arg6[%add3A_260, %dma_wait3A_267] : memref<40x64xi32, #tpu.memory_space<vmem>> -> memref<1x64xi32, #tpu.memory_space<vmem>>
        %dma_wait3A_269 = tpu.memref_squeeze %dma_wait3A_268 : memref<1x64xi32, #tpu.memory_space<vmem>> -> memref<64xi32, #tpu.memory_space<vmem>>
        %dma_wait3A_270 = arith.constant 0 : i32
        %dma_wait3A_271 = arith.constant 0 : i32
        %dma_wait3A_272 = tpu.memref_slice %arg2[%dma_wait3A_270, %dma_wait3A_271] : memref<10240x128xf32, #tpu.memory_space<hbm>> -> memref<10240x128xf32, #tpu.memory_space<hbm>>
        %dma_wait3A_273 = tpu.memref_slice %arg10[%dma_wait3A_262] : memref<4x!tpu.dma_semaphore, #tpu.memory_space<semaphore_mem>> -> memref<1x!tpu.dma_semaphore, #tpu.memory_space<semaphore_mem>>
        %dma_wait3A_274 = tpu.memref_squeeze %dma_wait3A_273 : memref<1x!tpu.dma_semaphore, #tpu.memory_space<semaphore_mem>> -> memref<!tpu.dma_semaphore, #tpu.memory_space<semaphore_mem>>
        tpu.wait_indirect_dma semaphore(%dma_wait3A_274 : memref<!tpu.dma_semaphore, #tpu.memory_space<semaphore_mem>>) src(%dma_wait3A_272 : memref<10240x128xf32, #tpu.memory_space<hbm>>) dst(%dma_wait3A_266 : memref<64x128xf32, #tpu.memory_space<vmem>>)
        %gt3A_275 = arith.constant 0 : i32
        %gt3A_276 = arith.cmpi sgt, %add3A_260, %gt3A_275 : i32
        %convert_element_type3A_277 = arith.extui %gt3A_276 : i1 to i32
        %cond3A_278 = arith.constant 0 : i32
        %cond3A_279 = arith.cmpi ne, %convert_element_type3A_277, %cond3A_278 : i32
        scf.if %cond3A_279 {
          %sub3A_306 = arith.constant 1 : i32
          %sub3A_307 = arith.subi %add3A_260, %sub3A_306 : i32
          %dma_wait3A_308 = arith.constant 2 : i32
          %dma_wait3A_309 = arith.constant 2 : i32
          %dma_wait3A_310 = arith.constant 0 : i32
          %dma_wait3A_311 = arith.constant 0 : i32
          %dma_wait3A_312 = tpu.memref_slice %arg8[%dma_wait3A_308, %dma_wait3A_310, %dma_wait3A_311] : memref<4x64x128xf32, #tpu.memory_space<vmem>> -> memref<1x64x128xf32, #tpu.memory_space<vmem>>
          %dma_wait3A_313 = tpu.memref_squeeze %dma_wait3A_312 : memref<1x64x128xf32, #tpu.memory_space<vmem>> -> memref<64x128xf32, #tpu.memory_space<vmem>>
          %dma_wait3A_314 = arith.constant 0 : i32
          %dma_wait3A_315 = tpu.memref_slice %arg7[%sub3A_307, %dma_wait3A_314] : memref<40x64xi32, #tpu.memory_space<vmem>> -> memref<1x64xi32, #tpu.memory_space<vmem>>
          %dma_wait3A_316 = tpu.memref_squeeze %dma_wait3A_315 : memref<1x64xi32, #tpu.memory_space<vmem>> -> memref<64xi32, #tpu.memory_space<vmem>>
          %dma_wait3A_317 = arith.constant 0 : i32
          %dma_wait3A_318 = arith.constant 0 : i32
          %dma_wait3A_319 = tpu.memref_slice %arg9[%dma_wait3A_317, %dma_wait3A_318] : memref<10240x128xf32, #tpu.memory_space<vmem_shared>> -> memref<10240x128xf32, #tpu.memory_space<vmem_shared>>
          %dma_wait3A_320 = tpu.memref_slice %arg11[%dma_wait3A_309] : memref<4x!tpu.dma_semaphore, #tpu.memory_space<semaphore_mem>> -> memref<1x!tpu.dma_semaphore, #tpu.memory_space<semaphore_mem>>
          %dma_wait3A_321 = tpu.memref_squeeze %dma_wait3A_320 : memref<1x!tpu.dma_semaphore, #tpu.memory_space<semaphore_mem>> -> memref<!tpu.dma_semaphore, #tpu.memory_space<semaphore_mem>>
          tpu.wait_indirect_dma semaphore(%dma_wait3A_321 : memref<!tpu.dma_semaphore, #tpu.memory_space<semaphore_mem>>) src(%dma_wait3A_313 : memref<64x128xf32, #tpu.memory_space<vmem>>) dst(%dma_wait3A_319 : memref<10240x128xf32, #tpu.memory_space<vmem_shared>>)
        } else {
        }
        %dma_start3A_280 = arith.constant 3 : i32
        %dma_start3A_281 = arith.constant 3 : i32
        %dma_start3A_282 = arith.constant 0 : i32
        %dma_start3A_283 = arith.constant 0 : i32
        %dma_start3A_284 = tpu.memref_slice %arg8[%dma_start3A_280, %dma_start3A_282, %dma_start3A_283] : memref<4x64x128xf32, #tpu.memory_space<vmem>> -> memref<1x64x128xf32, #tpu.memory_space<vmem>>
        %dma_start3A_285 = tpu.memref_squeeze %dma_start3A_284 : memref<1x64x128xf32, #tpu.memory_space<vmem>> -> memref<64x128xf32, #tpu.memory_space<vmem>>
        %dma_start3A_286 = arith.constant 0 : i32
        %dma_start3A_287 = tpu.memref_slice %arg7[%add3A_260, %dma_start3A_286] : memref<40x64xi32, #tpu.memory_space<vmem>> -> memref<1x64xi32, #tpu.memory_space<vmem>>
        %dma_start3A_288 = tpu.memref_squeeze %dma_start3A_287 : memref<1x64xi32, #tpu.memory_space<vmem>> -> memref<64xi32, #tpu.memory_space<vmem>>
        %dma_start3A_289 = arith.constant 0 : i32
        %dma_start3A_290 = arith.constant 0 : i32
        %dma_start3A_291 = tpu.memref_slice %arg9[%dma_start3A_289, %dma_start3A_290] : memref<10240x128xf32, #tpu.memory_space<vmem_shared>> -> memref<10240x128xf32, #tpu.memory_space<vmem_shared>>
        %dma_start3A_292 = tpu.memref_slice %arg11[%dma_start3A_281] : memref<4x!tpu.dma_semaphore, #tpu.memory_space<semaphore_mem>> -> memref<1x!tpu.dma_semaphore, #tpu.memory_space<semaphore_mem>>
        %dma_start3A_293 = tpu.memref_squeeze %dma_start3A_292 : memref<1x!tpu.dma_semaphore, #tpu.memory_space<semaphore_mem>> -> memref<!tpu.dma_semaphore, #tpu.memory_space<semaphore_mem>>
        tpu.enqueue_indirect_dma source(%dma_start3A_285 : memref<64x128xf32, #tpu.memory_space<vmem>>) target(%dma_start3A_291 : memref<10240x128xf32, #tpu.memory_space<vmem_shared>>) offsets(%dma_start3A_288 : memref<64xi32, #tpu.memory_space<vmem>>) semaphore(%dma_start3A_293 : memref<!tpu.dma_semaphore, #tpu.memory_space<semaphore_mem>>) {add = true}
        %gt3A_294 = arith.constant 0 : i32
        %gt3A_295 = arith.cmpi sgt, %add3A_260, %gt3A_294 : i32
        %sub3A_296 = arith.constant 1 : i32
        %sub3A_297 = arith.subi %add3A_260, %sub3A_296 : i32
        %add3A_298 = arith.constant 4 : i32
        %add3A_299 = arith.addi %sub3A_297, %add3A_298 : i32
        %lt3A_300 = arith.constant 40 : i32
        %lt3A_301 = arith.cmpi slt, %add3A_299, %lt3A_300 : i32
        %and3A_302 = arith.andi %gt3A_295, %lt3A_301 : i1
        %convert_element_type3A_303 = arith.extui %and3A_302 : i1 to i32
        %cond3A_304 = arith.constant 0 : i32
        %cond3A_305 = arith.cmpi ne, %convert_element_type3A_303, %cond3A_304 : i32
        scf.if %cond3A_305 {
          %sub3A_306 = arith.constant 1 : i32
          %sub3A_307 = arith.subi %add3A_260, %sub3A_306 : i32
          %add3A_308 = arith.constant 4 : i32
          %add3A_309 = arith.addi %sub3A_307, %add3A_308 : i32
          %dma_start3A_310 = arith.constant 2 : i32
          %dma_start3A_311 = arith.constant 2 : i32
          %dma_start3A_312 = arith.constant 0 : i32
          %dma_start3A_313 = arith.constant 0 : i32
          %dma_start3A_314 = tpu.memref_slice %arg8[%dma_start3A_310, %dma_start3A_312, %dma_start3A_313] : memref<4x64x128xf32, #tpu.memory_space<vmem>> -> memref<1x64x128xf32, #tpu.memory_space<vmem>>
          %dma_start3A_315 = tpu.memref_squeeze %dma_start3A_314 : memref<1x64x128xf32, #tpu.memory_space<vmem>> -> memref<64x128xf32, #tpu.memory_space<vmem>>
          %dma_start3A_316 = arith.constant 0 : i32
          %dma_start3A_317 = tpu.memref_slice %arg6[%add3A_309, %dma_start3A_316] : memref<40x64xi32, #tpu.memory_space<vmem>> -> memref<1x64xi32, #tpu.memory_space<vmem>>
          %dma_start3A_318 = tpu.memref_squeeze %dma_start3A_317 : memref<1x64xi32, #tpu.memory_space<vmem>> -> memref<64xi32, #tpu.memory_space<vmem>>
          %dma_start3A_319 = arith.constant 0 : i32
          %dma_start3A_320 = arith.constant 0 : i32
          %dma_start3A_321 = tpu.memref_slice %arg2[%dma_start3A_319, %dma_start3A_320] : memref<10240x128xf32, #tpu.memory_space<hbm>> -> memref<10240x128xf32, #tpu.memory_space<hbm>>
          %dma_start3A_322 = tpu.memref_slice %arg10[%dma_start3A_311] : memref<4x!tpu.dma_semaphore, #tpu.memory_space<semaphore_mem>> -> memref<1x!tpu.dma_semaphore, #tpu.memory_space<semaphore_mem>>
          %dma_start3A_323 = tpu.memref_squeeze %dma_start3A_322 : memref<1x!tpu.dma_semaphore, #tpu.memory_space<semaphore_mem>> -> memref<!tpu.dma_semaphore, #tpu.memory_space<semaphore_mem>>
          tpu.enqueue_indirect_dma source(%dma_start3A_321 : memref<10240x128xf32, #tpu.memory_space<hbm>>) target(%dma_start3A_315 : memref<64x128xf32, #tpu.memory_space<vmem>>) offsets(%dma_start3A_318 : memref<64xi32, #tpu.memory_space<vmem>>) semaphore(%dma_start3A_323 : memref<!tpu.dma_semaphore, #tpu.memory_space<semaphore_mem>>)
        } else {
        }
      }
      %scan3A_100 = arith.constant 10 : i32
      %dma_wait3A = arith.constant 3 : i32
      %dma_wait3A_101 = arith.constant 39 : i32
      %dma_wait3A_102 = arith.constant 3 : i32
      %dma_wait3A_103 = arith.constant 0 : i32
      %dma_wait3A_104 = arith.constant 0 : i32
      %dma_wait3A_105 = tpu.memref_slice %arg8[%dma_wait3A, %dma_wait3A_103, %dma_wait3A_104] : memref<4x64x128xf32, #tpu.memory_space<vmem>> -> memref<1x64x128xf32, #tpu.memory_space<vmem>>
      %dma_wait3A_106 = tpu.memref_squeeze %dma_wait3A_105 : memref<1x64x128xf32, #tpu.memory_space<vmem>> -> memref<64x128xf32, #tpu.memory_space<vmem>>
      %dma_wait3A_107 = arith.constant 0 : i32
      %dma_wait3A_108 = tpu.memref_slice %arg7[%dma_wait3A_101, %dma_wait3A_107] : memref<40x64xi32, #tpu.memory_space<vmem>> -> memref<1x64xi32, #tpu.memory_space<vmem>>
      %dma_wait3A_109 = tpu.memref_squeeze %dma_wait3A_108 : memref<1x64xi32, #tpu.memory_space<vmem>> -> memref<64xi32, #tpu.memory_space<vmem>>
      %dma_wait3A_110 = arith.constant 0 : i32
      %dma_wait3A_111 = arith.constant 0 : i32
      %dma_wait3A_112 = tpu.memref_slice %arg9[%dma_wait3A_110, %dma_wait3A_111] : memref<10240x128xf32, #tpu.memory_space<vmem_shared>> -> memref<10240x128xf32, #tpu.memory_space<vmem_shared>>
      %dma_wait3A_113 = tpu.memref_slice %arg11[%dma_wait3A_102] : memref<4x!tpu.dma_semaphore, #tpu.memory_space<semaphore_mem>> -> memref<1x!tpu.dma_semaphore, #tpu.memory_space<semaphore_mem>>
      %dma_wait3A_114 = tpu.memref_squeeze %dma_wait3A_113 : memref<1x!tpu.dma_semaphore, #tpu.memory_space<semaphore_mem>> -> memref<!tpu.dma_semaphore, #tpu.memory_space<semaphore_mem>>
      tpu.wait_indirect_dma semaphore(%dma_wait3A_114 : memref<!tpu.dma_semaphore, #tpu.memory_space<semaphore_mem>>) src(%dma_wait3A_106 : memref<64x128xf32, #tpu.memory_space<vmem>>) dst(%dma_wait3A_112 : memref<10240x128xf32, #tpu.memory_space<vmem_shared>>)
    }
    %scan3A_17 = arith.constant 4 : i32
    %barrier3A = arith.constant 0 : index
    tpu.barrier barrier_id(%barrier3A)
    %mul3A_18 = arith.constant 640 : i32
    %mul3A_19 = arith.muli %arg1, %mul3A_18 : i32
    %mul3A_20 = arith.constant 640 : i32
    %mul3A_21 = arith.muli %arg1, %mul3A_20 : i32
    "tpu.region"() ({
      %run_scoped3A = tpu.sem_alloc : memref<!tpu.dma_semaphore, #tpu.memory_space<semaphore_mem>>
      %dma_start3A_22 = arith.constant 0 : i32
      %dma_start3A_23 = tpu.memref_slice %arg5[%arg0, %mul3A_21, %dma_start3A_22] : memref<2x10240x128xf32, #tpu.memory_space<hbm>> -> memref<1x640x128xf32, #tpu.memory_space<hbm>>
      %dma_start3A_24 = tpu.memref_squeeze %dma_start3A_23 : memref<1x640x128xf32, #tpu.memory_space<hbm>> -> memref<640x128xf32, #tpu.memory_space<hbm>>
      %dma_start3A_25 = arith.constant 0 : i32
      %dma_start3A_26 = tpu.memref_slice %arg9[%mul3A_19, %dma_start3A_25] : memref<10240x128xf32, #tpu.memory_space<vmem_shared>> -> memref<640x128xf32, #tpu.memory_space<vmem_shared>>
      tpu.enqueue_dma source(%dma_start3A_26 : memref<640x128xf32, #tpu.memory_space<vmem_shared>>) target(%dma_start3A_24 : memref<640x128xf32, #tpu.memory_space<hbm>>) target_semaphore(%run_scoped3A : memref<!tpu.dma_semaphore, #tpu.memory_space<semaphore_mem>>)
      %dma_wait3A = arith.constant 0 : i32
      %dma_wait3A_27 = tpu.memref_slice %arg5[%arg0, %mul3A_21, %dma_wait3A] : memref<2x10240x128xf32, #tpu.memory_space<hbm>> -> memref<1x640x128xf32, #tpu.memory_space<hbm>>
      %dma_wait3A_28 = tpu.memref_squeeze %dma_wait3A_27 : memref<1x640x128xf32, #tpu.memory_space<hbm>> -> memref<640x128xf32, #tpu.memory_space<hbm>>
      %dma_wait3A_29 = arith.constant 0 : i32
      %dma_wait3A_30 = tpu.memref_slice %arg9[%mul3A_19, %dma_wait3A_29] : memref<10240x128xf32, #tpu.memory_space<vmem_shared>> -> memref<640x128xf32, #tpu.memory_space<vmem_shared>>
      tpu.wait_dma2 semaphore(%run_scoped3A : memref<!tpu.dma_semaphore, #tpu.memory_space<semaphore_mem>>) src(%dma_wait3A_30 : memref<640x128xf32, #tpu.memory_space<vmem_shared>>) dst(%dma_wait3A_28 : memref<640x128xf32, #tpu.memory_space<hbm>>)
      tpu.yield
    }) : () -> ()
    return
  }
}

#map = affine_map<(d0, d1) -> (0, 0)>
#map1 = affine_map<(d0, d1) -> (0, 0, 0)>
module attributes {stable_mosaic.version = 14 : i64} {
  func.func @_prop_body(%arg0: i32, %arg1: i32, %arg2: memref<10240x64xf32, #tpu.memory_space<hbm>>, %arg3: memref<2x2560x128xi32, #tpu.memory_space<hbm>>, %arg4: memref<10240x64xf32, #tpu.memory_space<hbm>>, %arg5: memref<2x10240x64xf32, #tpu.memory_space<hbm>>, %arg6: memref<80x128xi32, #tpu.memory_space<vmem>>, %arg7: memref<80x128xi32, #tpu.memory_space<vmem>>, %arg8: memref<4x128x64xf32, #tpu.memory_space<vmem>>, %arg9: memref<10240x64xf32, #tpu.memory_space<vmem_shared>>, %arg10: memref<4x!tpu.dma_semaphore, #tpu.memory_space<semaphore_mem>>, %arg11: memref<4x!tpu.dma_semaphore, #tpu.memory_space<semaphore_mem>>) attributes {dimension_semantics = [#tpu.dimension_semantics<core_parallel>, #tpu.dimension_semantics<subcore_parallel>], iteration_bounds = array<i64: 2, 16>, scalar_prefetch = 0 : i64, scratch_operands = 6 : i64, tpu.core_type = #tpu.core_type<sc_vector_subcore>, window_params = [{transform_indices = #map}, {transform_indices = #map1}, {transform_indices = #map}, {transform_indices = #map1}]} {
    %mul3A = arith.constant 640 : i32
    %mul3A_0 = arith.muli %arg1, %mul3A : i32
    %mul3A_1 = arith.constant 640 : i32
    %mul3A_2 = arith.muli %arg1, %mul3A_1 : i32
    %dma_start3A = arith.constant 0 : i32
    %dma_start3A_3 = tpu.memref_slice %arg10[%dma_start3A] : memref<4x!tpu.dma_semaphore, #tpu.memory_space<semaphore_mem>> -> memref<1x!tpu.dma_semaphore, #tpu.memory_space<semaphore_mem>>
    %dma_start3A_4 = tpu.memref_squeeze %dma_start3A_3 : memref<1x!tpu.dma_semaphore, #tpu.memory_space<semaphore_mem>> -> memref<!tpu.dma_semaphore, #tpu.memory_space<semaphore_mem>>
    %dma_start3A_5 = arith.constant 0 : i32
    %dma_start3A_6 = tpu.memref_slice %arg9[%mul3A_2, %dma_start3A_5] : memref<10240x64xf32, #tpu.memory_space<vmem_shared>> -> memref<640x64xf32, #tpu.memory_space<vmem_shared>>
    %dma_start3A_7 = arith.constant 0 : i32
    %dma_start3A_8 = tpu.memref_slice %arg4[%mul3A_0, %dma_start3A_7] : memref<10240x64xf32, #tpu.memory_space<hbm>> -> memref<640x64xf32, #tpu.memory_space<hbm>>
    tpu.enqueue_dma source(%dma_start3A_8 : memref<640x64xf32, #tpu.memory_space<hbm>>) target(%dma_start3A_6 : memref<640x64xf32, #tpu.memory_space<vmem_shared>>) target_semaphore(%dma_start3A_4 : memref<!tpu.dma_semaphore, #tpu.memory_space<semaphore_mem>>)
    %mul3A_9 = arith.constant 1280 : i32
    %mul3A_10 = arith.muli %arg0, %mul3A_9 : i32
    %mul3A_11 = arith.constant 80 : i32
    %mul3A_12 = arith.muli %arg1, %mul3A_11 : i32
    %add3A = arith.addi %mul3A_10, %mul3A_12 : i32
    %scan3A = arith.constant 0 : i32
    %scan3A_13 = arith.constant 0 : i32
    %mul3A_14 = arith.constant 1 : i32
    %mul3A_15 = arith.muli %scan3A_13, %mul3A_14 : i32
    %add3A_16 = arith.constant 0 : i32
    %add3A_17 = arith.addi %add3A_16, %mul3A_15 : i32
    %mul3A_18 = arith.constant 80 : i32
    %mul3A_19 = arith.muli %add3A_17, %mul3A_18 : i32
    %add3A_20 = arith.addi %add3A, %mul3A_19 : i32
    %run_scoped3A = arith.constant 0 : i32
    "tpu.region"() ({
      %run_scoped3A_111 = tpu.sem_alloc : memref<!tpu.dma_semaphore, #tpu.memory_space<semaphore_mem>>
      %dma_start3A_112 = arith.constant 0 : i32
      %dma_start3A_113 = tpu.memref_slice %arg3[%run_scoped3A, %add3A_20, %dma_start3A_112] : memref<2x2560x128xi32, #tpu.memory_space<hbm>> -> memref<1x80x128xi32, #tpu.memory_space<hbm>>
      %dma_start3A_114 = tpu.memref_squeeze %dma_start3A_113 : memref<1x80x128xi32, #tpu.memory_space<hbm>> -> memref<80x128xi32, #tpu.memory_space<hbm>>
      %dma_start3A_115 = arith.constant 0 : i32
      %dma_start3A_116 = tpu.memref_slice %arg3[%run_scoped3A, %add3A_20, %dma_start3A_115] : memref<2x2560x128xi32, #tpu.memory_space<hbm>> -> memref<1x80x128xi32, #tpu.memory_space<hbm>>
      %dma_start3A_117 = tpu.memref_squeeze %dma_start3A_116 : memref<1x80x128xi32, #tpu.memory_space<hbm>> -> memref<80x128xi32, #tpu.memory_space<hbm>>
      tpu.enqueue_dma source(%dma_start3A_117 : memref<80x128xi32, #tpu.memory_space<hbm>>) target(%arg6 : memref<80x128xi32, #tpu.memory_space<vmem>>) target_semaphore(%run_scoped3A_111 : memref<!tpu.dma_semaphore, #tpu.memory_space<semaphore_mem>>)
      %dma_wait3A_118 = arith.constant 0 : i32
      %dma_wait3A_119 = tpu.memref_slice %arg3[%run_scoped3A, %add3A_20, %dma_wait3A_118] : memref<2x2560x128xi32, #tpu.memory_space<hbm>> -> memref<1x80x128xi32, #tpu.memory_space<hbm>>
      %dma_wait3A_120 = tpu.memref_squeeze %dma_wait3A_119 : memref<1x80x128xi32, #tpu.memory_space<hbm>> -> memref<80x128xi32, #tpu.memory_space<hbm>>
      %dma_wait3A_121 = arith.constant 0 : i32
      %dma_wait3A_122 = tpu.memref_slice %arg3[%run_scoped3A, %add3A_20, %dma_wait3A_121] : memref<2x2560x128xi32, #tpu.memory_space<hbm>> -> memref<1x80x128xi32, #tpu.memory_space<hbm>>
      %dma_wait3A_123 = tpu.memref_squeeze %dma_wait3A_122 : memref<1x80x128xi32, #tpu.memory_space<hbm>> -> memref<80x128xi32, #tpu.memory_space<hbm>>
      tpu.wait_dma2 semaphore(%run_scoped3A_111 : memref<!tpu.dma_semaphore, #tpu.memory_space<semaphore_mem>>) src(%dma_wait3A_123 : memref<80x128xi32, #tpu.memory_space<hbm>>) dst(%arg6 : memref<80x128xi32, #tpu.memory_space<vmem>>)
      tpu.yield
    }) : () -> ()
    %mul3A_21 = arith.constant 80 : i32
    %mul3A_22 = arith.muli %add3A_17, %mul3A_21 : i32
    %add3A_23 = arith.addi %add3A, %mul3A_22 : i32
    %run_scoped3A_24 = arith.constant 1 : i32
    "tpu.region"() ({
      %run_scoped3A_111 = tpu.sem_alloc : memref<!tpu.dma_semaphore, #tpu.memory_space<semaphore_mem>>
      %dma_start3A_112 = arith.constant 0 : i32
      %dma_start3A_113 = tpu.memref_slice %arg3[%run_scoped3A_24, %add3A_23, %dma_start3A_112] : memref<2x2560x128xi32, #tpu.memory_space<hbm>> -> memref<1x80x128xi32, #tpu.memory_space<hbm>>
      %dma_start3A_114 = tpu.memref_squeeze %dma_start3A_113 : memref<1x80x128xi32, #tpu.memory_space<hbm>> -> memref<80x128xi32, #tpu.memory_space<hbm>>
      %dma_start3A_115 = arith.constant 0 : i32
      %dma_start3A_116 = tpu.memref_slice %arg3[%run_scoped3A_24, %add3A_23, %dma_start3A_115] : memref<2x2560x128xi32, #tpu.memory_space<hbm>> -> memref<1x80x128xi32, #tpu.memory_space<hbm>>
      %dma_start3A_117 = tpu.memref_squeeze %dma_start3A_116 : memref<1x80x128xi32, #tpu.memory_space<hbm>> -> memref<80x128xi32, #tpu.memory_space<hbm>>
      tpu.enqueue_dma source(%dma_start3A_117 : memref<80x128xi32, #tpu.memory_space<hbm>>) target(%arg7 : memref<80x128xi32, #tpu.memory_space<vmem>>) target_semaphore(%run_scoped3A_111 : memref<!tpu.dma_semaphore, #tpu.memory_space<semaphore_mem>>)
      %dma_wait3A_118 = arith.constant 0 : i32
      %dma_wait3A_119 = tpu.memref_slice %arg3[%run_scoped3A_24, %add3A_23, %dma_wait3A_118] : memref<2x2560x128xi32, #tpu.memory_space<hbm>> -> memref<1x80x128xi32, #tpu.memory_space<hbm>>
      %dma_wait3A_120 = tpu.memref_squeeze %dma_wait3A_119 : memref<1x80x128xi32, #tpu.memory_space<hbm>> -> memref<80x128xi32, #tpu.memory_space<hbm>>
      %dma_wait3A_121 = arith.constant 0 : i32
      %dma_wait3A_122 = tpu.memref_slice %arg3[%run_scoped3A_24, %add3A_23, %dma_wait3A_121] : memref<2x2560x128xi32, #tpu.memory_space<hbm>> -> memref<1x80x128xi32, #tpu.memory_space<hbm>>
      %dma_wait3A_123 = tpu.memref_squeeze %dma_wait3A_122 : memref<1x80x128xi32, #tpu.memory_space<hbm>> -> memref<80x128xi32, #tpu.memory_space<hbm>>
      tpu.wait_dma2 semaphore(%run_scoped3A_111 : memref<!tpu.dma_semaphore, #tpu.memory_space<semaphore_mem>>) src(%dma_wait3A_123 : memref<80x128xi32, #tpu.memory_space<hbm>>) dst(%arg7 : memref<80x128xi32, #tpu.memory_space<vmem>>)
      tpu.yield
    }) : () -> ()
    %eq3A = arith.constant 0 : i32
    %eq3A_25 = arith.cmpi eq, %add3A_17, %eq3A : i32
    %convert_element_type3A = arith.extui %eq3A_25 : i1 to i32
    %cond3A = arith.constant 0 : i32
    %cond3A_26 = arith.cmpi ne, %convert_element_type3A, %cond3A : i32
    scf.if %cond3A_26 {
      %dma_wait3A_111 = tpu.memref_slice %arg10[%scan3A] : memref<4x!tpu.dma_semaphore, #tpu.memory_space<semaphore_mem>> -> memref<1x!tpu.dma_semaphore, #tpu.memory_space<semaphore_mem>>
      %dma_wait3A_112 = tpu.memref_squeeze %dma_wait3A_111 : memref<1x!tpu.dma_semaphore, #tpu.memory_space<semaphore_mem>> -> memref<!tpu.dma_semaphore, #tpu.memory_space<semaphore_mem>>
      %dma_wait3A_113 = arith.constant 0 : i32
      %dma_wait3A_114 = tpu.memref_slice %arg9[%mul3A_2, %dma_wait3A_113] : memref<10240x64xf32, #tpu.memory_space<vmem_shared>> -> memref<640x64xf32, #tpu.memory_space<vmem_shared>>
      %dma_wait3A_115 = arith.constant 0 : i32
      %dma_wait3A_116 = tpu.memref_slice %arg4[%mul3A_0, %dma_wait3A_115] : memref<10240x64xf32, #tpu.memory_space<hbm>> -> memref<640x64xf32, #tpu.memory_space<hbm>>
      tpu.wait_dma2 semaphore(%dma_wait3A_112 : memref<!tpu.dma_semaphore, #tpu.memory_space<semaphore_mem>>) src(%dma_wait3A_116 : memref<640x64xf32, #tpu.memory_space<hbm>>) dst(%dma_wait3A_114 : memref<640x64xf32, #tpu.memory_space<vmem_shared>>)
      %barrier3A_117 = arith.constant 0 : index
      tpu.barrier barrier_id(%barrier3A_117)
    } else {
    }
    %dma_start3A_27 = arith.constant 0 : i32
    %dma_start3A_28 = arith.constant 0 : i32
    %dma_start3A_29 = arith.constant 0 : i32
    %dma_start3A_30 = arith.constant 0 : i32
    %dma_start3A_31 = arith.constant 0 : i32
    %dma_start3A_32 = tpu.memref_slice %arg8[%dma_start3A_28, %dma_start3A_30, %dma_start3A_31] : memref<4x128x64xf32, #tpu.memory_space<vmem>> -> memref<1x128x64xf32, #tpu.memory_space<vmem>>
    %dma_start3A_33 = tpu.memref_squeeze %dma_start3A_32 : memref<1x128x64xf32, #tpu.memory_space<vmem>> -> memref<128x64xf32, #tpu.memory_space<vmem>>
    %dma_start3A_34 = arith.constant 0 : i32
    %dma_start3A_35 = tpu.memref_slice %arg6[%dma_start3A_27, %dma_start3A_34] : memref<80x128xi32, #tpu.memory_space<vmem>> -> memref<1x128xi32, #tpu.memory_space<vmem>>
    %dma_start3A_36 = tpu.memref_squeeze %dma_start3A_35 : memref<1x128xi32, #tpu.memory_space<vmem>> -> memref<128xi32, #tpu.memory_space<vmem>>
    %dma_start3A_37 = arith.constant 0 : i32
    %dma_start3A_38 = arith.constant 0 : i32
    %dma_start3A_39 = tpu.memref_slice %arg2[%dma_start3A_37, %dma_start3A_38] : memref<10240x64xf32, #tpu.memory_space<hbm>> -> memref<10240x64xf32, #tpu.memory_space<hbm>>
    %dma_start3A_40 = tpu.memref_slice %arg10[%dma_start3A_29] : memref<4x!tpu.dma_semaphore, #tpu.memory_space<semaphore_mem>> -> memref<1x!tpu.dma_semaphore, #tpu.memory_space<semaphore_mem>>
    %dma_start3A_41 = tpu.memref_squeeze %dma_start3A_40 : memref<1x!tpu.dma_semaphore, #tpu.memory_space<semaphore_mem>> -> memref<!tpu.dma_semaphore, #tpu.memory_space<semaphore_mem>>
    tpu.enqueue_indirect_dma source(%dma_start3A_39 : memref<10240x64xf32, #tpu.memory_space<hbm>>) target(%dma_start3A_33 : memref<128x64xf32, #tpu.memory_space<vmem>>) offsets(%dma_start3A_36 : memref<128xi32, #tpu.memory_space<vmem>>) semaphore(%dma_start3A_41 : memref<!tpu.dma_semaphore, #tpu.memory_space<semaphore_mem>>)
    %dma_start3A_42 = arith.constant 1 : i32
    %dma_start3A_43 = arith.constant 1 : i32
    %dma_start3A_44 = arith.constant 1 : i32
    %dma_start3A_45 = arith.constant 0 : i32
    %dma_start3A_46 = arith.constant 0 : i32
    %dma_start3A_47 = tpu.memref_slice %arg8[%dma_start3A_43, %dma_start3A_45, %dma_start3A_46] : memref<4x128x64xf32, #tpu.memory_space<vmem>> -> memref<1x128x64xf32, #tpu.memory_space<vmem>>
    %dma_start3A_48 = tpu.memref_squeeze %dma_start3A_47 : memref<1x128x64xf32, #tpu.memory_space<vmem>> -> memref<128x64xf32, #tpu.memory_space<vmem>>
    %dma_start3A_49 = arith.constant 0 : i32
    %dma_start3A_50 = tpu.memref_slice %arg6[%dma_start3A_42, %dma_start3A_49] : memref<80x128xi32, #tpu.memory_space<vmem>> -> memref<1x128xi32, #tpu.memory_space<vmem>>
    %dma_start3A_51 = tpu.memref_squeeze %dma_start3A_50 : memref<1x128xi32, #tpu.memory_space<vmem>> -> memref<128xi32, #tpu.memory_space<vmem>>
    %dma_start3A_52 = arith.constant 0 : i32
    %dma_start3A_53 = arith.constant 0 : i32
    %dma_start3A_54 = tpu.memref_slice %arg2[%dma_start3A_52, %dma_start3A_53] : memref<10240x64xf32, #tpu.memory_space<hbm>> -> memref<10240x64xf32, #tpu.memory_space<hbm>>
    %dma_start3A_55 = tpu.memref_slice %arg10[%dma_start3A_44] : memref<4x!tpu.dma_semaphore, #tpu.memory_space<semaphore_mem>> -> memref<1x!tpu.dma_semaphore, #tpu.memory_space<semaphore_mem>>
    %dma_start3A_56 = tpu.memref_squeeze %dma_start3A_55 : memref<1x!tpu.dma_semaphore, #tpu.memory_space<semaphore_mem>> -> memref<!tpu.dma_semaphore, #tpu.memory_space<semaphore_mem>>
    tpu.enqueue_indirect_dma source(%dma_start3A_54 : memref<10240x64xf32, #tpu.memory_space<hbm>>) target(%dma_start3A_48 : memref<128x64xf32, #tpu.memory_space<vmem>>) offsets(%dma_start3A_51 : memref<128xi32, #tpu.memory_space<vmem>>) semaphore(%dma_start3A_56 : memref<!tpu.dma_semaphore, #tpu.memory_space<semaphore_mem>>)
    %dma_start3A_57 = arith.constant 2 : i32
    %dma_start3A_58 = arith.constant 2 : i32
    %dma_start3A_59 = arith.constant 2 : i32
    %dma_start3A_60 = arith.constant 0 : i32
    %dma_start3A_61 = arith.constant 0 : i32
    %dma_start3A_62 = tpu.memref_slice %arg8[%dma_start3A_58, %dma_start3A_60, %dma_start3A_61] : memref<4x128x64xf32, #tpu.memory_space<vmem>> -> memref<1x128x64xf32, #tpu.memory_space<vmem>>
    %dma_start3A_63 = tpu.memref_squeeze %dma_start3A_62 : memref<1x128x64xf32, #tpu.memory_space<vmem>> -> memref<128x64xf32, #tpu.memory_space<vmem>>
    %dma_start3A_64 = arith.constant 0 : i32
    %dma_start3A_65 = tpu.memref_slice %arg6[%dma_start3A_57, %dma_start3A_64] : memref<80x128xi32, #tpu.memory_space<vmem>> -> memref<1x128xi32, #tpu.memory_space<vmem>>
    %dma_start3A_66 = tpu.memref_squeeze %dma_start3A_65 : memref<1x128xi32, #tpu.memory_space<vmem>> -> memref<128xi32, #tpu.memory_space<vmem>>
    %dma_start3A_67 = arith.constant 0 : i32
    %dma_start3A_68 = arith.constant 0 : i32
    %dma_start3A_69 = tpu.memref_slice %arg2[%dma_start3A_67, %dma_start3A_68] : memref<10240x64xf32, #tpu.memory_space<hbm>> -> memref<10240x64xf32, #tpu.memory_space<hbm>>
    %dma_start3A_70 = tpu.memref_slice %arg10[%dma_start3A_59] : memref<4x!tpu.dma_semaphore, #tpu.memory_space<semaphore_mem>> -> memref<1x!tpu.dma_semaphore, #tpu.memory_space<semaphore_mem>>
    %dma_start3A_71 = tpu.memref_squeeze %dma_start3A_70 : memref<1x!tpu.dma_semaphore, #tpu.memory_space<semaphore_mem>> -> memref<!tpu.dma_semaphore, #tpu.memory_space<semaphore_mem>>
    tpu.enqueue_indirect_dma source(%dma_start3A_69 : memref<10240x64xf32, #tpu.memory_space<hbm>>) target(%dma_start3A_63 : memref<128x64xf32, #tpu.memory_space<vmem>>) offsets(%dma_start3A_66 : memref<128xi32, #tpu.memory_space<vmem>>) semaphore(%dma_start3A_71 : memref<!tpu.dma_semaphore, #tpu.memory_space<semaphore_mem>>)
    %dma_start3A_72 = arith.constant 3 : i32
    %dma_start3A_73 = arith.constant 3 : i32
    %dma_start3A_74 = arith.constant 3 : i32
    %dma_start3A_75 = arith.constant 0 : i32
    %dma_start3A_76 = arith.constant 0 : i32
    %dma_start3A_77 = tpu.memref_slice %arg8[%dma_start3A_73, %dma_start3A_75, %dma_start3A_76] : memref<4x128x64xf32, #tpu.memory_space<vmem>> -> memref<1x128x64xf32, #tpu.memory_space<vmem>>
    %dma_start3A_78 = tpu.memref_squeeze %dma_start3A_77 : memref<1x128x64xf32, #tpu.memory_space<vmem>> -> memref<128x64xf32, #tpu.memory_space<vmem>>
    %dma_start3A_79 = arith.constant 0 : i32
    %dma_start3A_80 = tpu.memref_slice %arg6[%dma_start3A_72, %dma_start3A_79] : memref<80x128xi32, #tpu.memory_space<vmem>> -> memref<1x128xi32, #tpu.memory_space<vmem>>
    %dma_start3A_81 = tpu.memref_squeeze %dma_start3A_80 : memref<1x128xi32, #tpu.memory_space<vmem>> -> memref<128xi32, #tpu.memory_space<vmem>>
    %dma_start3A_82 = arith.constant 0 : i32
    %dma_start3A_83 = arith.constant 0 : i32
    %dma_start3A_84 = tpu.memref_slice %arg2[%dma_start3A_82, %dma_start3A_83] : memref<10240x64xf32, #tpu.memory_space<hbm>> -> memref<10240x64xf32, #tpu.memory_space<hbm>>
    %dma_start3A_85 = tpu.memref_slice %arg10[%dma_start3A_74] : memref<4x!tpu.dma_semaphore, #tpu.memory_space<semaphore_mem>> -> memref<1x!tpu.dma_semaphore, #tpu.memory_space<semaphore_mem>>
    %dma_start3A_86 = tpu.memref_squeeze %dma_start3A_85 : memref<1x!tpu.dma_semaphore, #tpu.memory_space<semaphore_mem>> -> memref<!tpu.dma_semaphore, #tpu.memory_space<semaphore_mem>>
    tpu.enqueue_indirect_dma source(%dma_start3A_84 : memref<10240x64xf32, #tpu.memory_space<hbm>>) target(%dma_start3A_78 : memref<128x64xf32, #tpu.memory_space<vmem>>) offsets(%dma_start3A_81 : memref<128xi32, #tpu.memory_space<vmem>>) semaphore(%dma_start3A_86 : memref<!tpu.dma_semaphore, #tpu.memory_space<semaphore_mem>>)
    %scan3A_87 = arith.constant 0 : i32
    %scan3A_88 = arith.constant 20 : i32
    %scan3A_89 = arith.addi %scan3A_87, %scan3A_88 : i32
    %scan3A_90 = arith.constant 1 : i32
    scf.for %scan3A_111 = %scan3A_87 to %scan3A_89 step %scan3A_90  : i32 {
      %mul3A_112 = arith.constant 1 : i32
      %mul3A_113 = arith.muli %scan3A_111, %mul3A_112 : i32
      %add3A_114 = arith.constant 0 : i32
      %add3A_115 = arith.addi %add3A_114, %mul3A_113 : i32
      %mul3A_116 = arith.constant 4 : i32
      %mul3A_117 = arith.muli %add3A_115, %mul3A_116 : i32
      %add3A_118 = arith.constant 0 : i32
      %add3A_119 = arith.addi %mul3A_117, %add3A_118 : i32
      %dma_wait3A_120 = arith.constant 0 : i32
      %dma_wait3A_121 = arith.constant 0 : i32
      %dma_wait3A_122 = arith.constant 0 : i32
      %dma_wait3A_123 = arith.constant 0 : i32
      %dma_wait3A_124 = tpu.memref_slice %arg8[%dma_wait3A_120, %dma_wait3A_122, %dma_wait3A_123] : memref<4x128x64xf32, #tpu.memory_space<vmem>> -> memref<1x128x64xf32, #tpu.memory_space<vmem>>
      %dma_wait3A_125 = tpu.memref_squeeze %dma_wait3A_124 : memref<1x128x64xf32, #tpu.memory_space<vmem>> -> memref<128x64xf32, #tpu.memory_space<vmem>>
      %dma_wait3A_126 = arith.constant 0 : i32
      %dma_wait3A_127 = tpu.memref_slice %arg6[%add3A_119, %dma_wait3A_126] : memref<80x128xi32, #tpu.memory_space<vmem>> -> memref<1x128xi32, #tpu.memory_space<vmem>>
      %dma_wait3A_128 = tpu.memref_squeeze %dma_wait3A_127 : memref<1x128xi32, #tpu.memory_space<vmem>> -> memref<128xi32, #tpu.memory_space<vmem>>
      %dma_wait3A_129 = arith.constant 0 : i32
      %dma_wait3A_130 = arith.constant 0 : i32
      %dma_wait3A_131 = tpu.memref_slice %arg2[%dma_wait3A_129, %dma_wait3A_130] : memref<10240x64xf32, #tpu.memory_space<hbm>> -> memref<10240x64xf32, #tpu.memory_space<hbm>>
      %dma_wait3A_132 = tpu.memref_slice %arg10[%dma_wait3A_121] : memref<4x!tpu.dma_semaphore, #tpu.memory_space<semaphore_mem>> -> memref<1x!tpu.dma_semaphore, #tpu.memory_space<semaphore_mem>>
      %dma_wait3A_133 = tpu.memref_squeeze %dma_wait3A_132 : memref<1x!tpu.dma_semaphore, #tpu.memory_space<semaphore_mem>> -> memref<!tpu.dma_semaphore, #tpu.memory_space<semaphore_mem>>
      tpu.wait_indirect_dma semaphore(%dma_wait3A_133 : memref<!tpu.dma_semaphore, #tpu.memory_space<semaphore_mem>>) src(%dma_wait3A_131 : memref<10240x64xf32, #tpu.memory_space<hbm>>) dst(%dma_wait3A_125 : memref<128x64xf32, #tpu.memory_space<vmem>>)
      %gt3A = arith.constant 0 : i32
      %gt3A_134 = arith.cmpi sgt, %add3A_119, %gt3A : i32
      %convert_element_type3A_135 = arith.extui %gt3A_134 : i1 to i32
      %cond3A_136 = arith.constant 0 : i32
      %cond3A_137 = arith.cmpi ne, %convert_element_type3A_135, %cond3A_136 : i32
      scf.if %cond3A_137 {
        %sub3A_302 = arith.constant 1 : i32
        %sub3A_303 = arith.subi %add3A_119, %sub3A_302 : i32
        %dma_wait3A_304 = arith.constant 3 : i32
        %dma_wait3A_305 = arith.constant 3 : i32
        %dma_wait3A_306 = arith.constant 0 : i32
        %dma_wait3A_307 = arith.constant 0 : i32
        %dma_wait3A_308 = tpu.memref_slice %arg8[%dma_wait3A_304, %dma_wait3A_306, %dma_wait3A_307] : memref<4x128x64xf32, #tpu.memory_space<vmem>> -> memref<1x128x64xf32, #tpu.memory_space<vmem>>
        %dma_wait3A_309 = tpu.memref_squeeze %dma_wait3A_308 : memref<1x128x64xf32, #tpu.memory_space<vmem>> -> memref<128x64xf32, #tpu.memory_space<vmem>>
        %dma_wait3A_310 = arith.constant 0 : i32
        %dma_wait3A_311 = tpu.memref_slice %arg7[%sub3A_303, %dma_wait3A_310] : memref<80x128xi32, #tpu.memory_space<vmem>> -> memref<1x128xi32, #tpu.memory_space<vmem>>
        %dma_wait3A_312 = tpu.memref_squeeze %dma_wait3A_311 : memref<1x128xi32, #tpu.memory_space<vmem>> -> memref<128xi32, #tpu.memory_space<vmem>>
        %dma_wait3A_313 = arith.constant 0 : i32
        %dma_wait3A_314 = arith.constant 0 : i32
        %dma_wait3A_315 = tpu.memref_slice %arg9[%dma_wait3A_313, %dma_wait3A_314] : memref<10240x64xf32, #tpu.memory_space<vmem_shared>> -> memref<10240x64xf32, #tpu.memory_space<vmem_shared>>
        %dma_wait3A_316 = tpu.memref_slice %arg11[%dma_wait3A_305] : memref<4x!tpu.dma_semaphore, #tpu.memory_space<semaphore_mem>> -> memref<1x!tpu.dma_semaphore, #tpu.memory_space<semaphore_mem>>
        %dma_wait3A_317 = tpu.memref_squeeze %dma_wait3A_316 : memref<1x!tpu.dma_semaphore, #tpu.memory_space<semaphore_mem>> -> memref<!tpu.dma_semaphore, #tpu.memory_space<semaphore_mem>>
        tpu.wait_indirect_dma semaphore(%dma_wait3A_317 : memref<!tpu.dma_semaphore, #tpu.memory_space<semaphore_mem>>) src(%dma_wait3A_309 : memref<128x64xf32, #tpu.memory_space<vmem>>) dst(%dma_wait3A_315 : memref<10240x64xf32, #tpu.memory_space<vmem_shared>>)
      } else {
      }
      %dma_start3A_138 = arith.constant 0 : i32
      %dma_start3A_139 = arith.constant 0 : i32
      %dma_start3A_140 = arith.constant 0 : i32
      %dma_start3A_141 = arith.constant 0 : i32
      %dma_start3A_142 = tpu.memref_slice %arg8[%dma_start3A_138, %dma_start3A_140, %dma_start3A_141] : memref<4x128x64xf32, #tpu.memory_space<vmem>> -> memref<1x128x64xf32, #tpu.memory_space<vmem>>
      %dma_start3A_143 = tpu.memref_squeeze %dma_start3A_142 : memref<1x128x64xf32, #tpu.memory_space<vmem>> -> memref<128x64xf32, #tpu.memory_space<vmem>>
      %dma_start3A_144 = arith.constant 0 : i32
      %dma_start3A_145 = tpu.memref_slice %arg7[%add3A_119, %dma_start3A_144] : memref<80x128xi32, #tpu.memory_space<vmem>> -> memref<1x128xi32, #tpu.memory_space<vmem>>
      %dma_start3A_146 = tpu.memref_squeeze %dma_start3A_145 : memref<1x128xi32, #tpu.memory_space<vmem>> -> memref<128xi32, #tpu.memory_space<vmem>>
      %dma_start3A_147 = arith.constant 0 : i32
      %dma_start3A_148 = arith.constant 0 : i32
      %dma_start3A_149 = tpu.memref_slice %arg9[%dma_start3A_147, %dma_start3A_148] : memref<10240x64xf32, #tpu.memory_space<vmem_shared>> -> memref<10240x64xf32, #tpu.memory_space<vmem_shared>>
      %dma_start3A_150 = tpu.memref_slice %arg11[%dma_start3A_139] : memref<4x!tpu.dma_semaphore, #tpu.memory_space<semaphore_mem>> -> memref<1x!tpu.dma_semaphore, #tpu.memory_space<semaphore_mem>>
      %dma_start3A_151 = tpu.memref_squeeze %dma_start3A_150 : memref<1x!tpu.dma_semaphore, #tpu.memory_space<semaphore_mem>> -> memref<!tpu.dma_semaphore, #tpu.memory_space<semaphore_mem>>
      tpu.enqueue_indirect_dma source(%dma_start3A_143 : memref<128x64xf32, #tpu.memory_space<vmem>>) target(%dma_start3A_149 : memref<10240x64xf32, #tpu.memory_space<vmem_shared>>) offsets(%dma_start3A_146 : memref<128xi32, #tpu.memory_space<vmem>>) semaphore(%dma_start3A_151 : memref<!tpu.dma_semaphore, #tpu.memory_space<semaphore_mem>>) {add = true}
      %gt3A_152 = arith.constant 0 : i32
      %gt3A_153 = arith.cmpi sgt, %add3A_119, %gt3A_152 : i32
      %sub3A = arith.constant 1 : i32
      %sub3A_154 = arith.subi %add3A_119, %sub3A : i32
      %add3A_155 = arith.constant 4 : i32
      %add3A_156 = arith.addi %sub3A_154, %add3A_155 : i32
      %lt3A = arith.constant 80 : i32
      %lt3A_157 = arith.cmpi slt, %add3A_156, %lt3A : i32
      %and3A = arith.andi %gt3A_153, %lt3A_157 : i1
      %convert_element_type3A_158 = arith.extui %and3A : i1 to i32
      %cond3A_159 = arith.constant 0 : i32
      %cond3A_160 = arith.cmpi ne, %convert_element_type3A_158, %cond3A_159 : i32
      scf.if %cond3A_160 {
        %sub3A_302 = arith.constant 1 : i32
        %sub3A_303 = arith.subi %add3A_119, %sub3A_302 : i32
        %add3A_304 = arith.constant 4 : i32
        %add3A_305 = arith.addi %sub3A_303, %add3A_304 : i32
        %dma_start3A_306 = arith.constant 3 : i32
        %dma_start3A_307 = arith.constant 3 : i32
        %dma_start3A_308 = arith.constant 0 : i32
        %dma_start3A_309 = arith.constant 0 : i32
        %dma_start3A_310 = tpu.memref_slice %arg8[%dma_start3A_306, %dma_start3A_308, %dma_start3A_309] : memref<4x128x64xf32, #tpu.memory_space<vmem>> -> memref<1x128x64xf32, #tpu.memory_space<vmem>>
        %dma_start3A_311 = tpu.memref_squeeze %dma_start3A_310 : memref<1x128x64xf32, #tpu.memory_space<vmem>> -> memref<128x64xf32, #tpu.memory_space<vmem>>
        %dma_start3A_312 = arith.constant 0 : i32
        %dma_start3A_313 = tpu.memref_slice %arg6[%add3A_305, %dma_start3A_312] : memref<80x128xi32, #tpu.memory_space<vmem>> -> memref<1x128xi32, #tpu.memory_space<vmem>>
        %dma_start3A_314 = tpu.memref_squeeze %dma_start3A_313 : memref<1x128xi32, #tpu.memory_space<vmem>> -> memref<128xi32, #tpu.memory_space<vmem>>
        %dma_start3A_315 = arith.constant 0 : i32
        %dma_start3A_316 = arith.constant 0 : i32
        %dma_start3A_317 = tpu.memref_slice %arg2[%dma_start3A_315, %dma_start3A_316] : memref<10240x64xf32, #tpu.memory_space<hbm>> -> memref<10240x64xf32, #tpu.memory_space<hbm>>
        %dma_start3A_318 = tpu.memref_slice %arg10[%dma_start3A_307] : memref<4x!tpu.dma_semaphore, #tpu.memory_space<semaphore_mem>> -> memref<1x!tpu.dma_semaphore, #tpu.memory_space<semaphore_mem>>
        %dma_start3A_319 = tpu.memref_squeeze %dma_start3A_318 : memref<1x!tpu.dma_semaphore, #tpu.memory_space<semaphore_mem>> -> memref<!tpu.dma_semaphore, #tpu.memory_space<semaphore_mem>>
        tpu.enqueue_indirect_dma source(%dma_start3A_317 : memref<10240x64xf32, #tpu.memory_space<hbm>>) target(%dma_start3A_311 : memref<128x64xf32, #tpu.memory_space<vmem>>) offsets(%dma_start3A_314 : memref<128xi32, #tpu.memory_space<vmem>>) semaphore(%dma_start3A_319 : memref<!tpu.dma_semaphore, #tpu.memory_space<semaphore_mem>>)
      } else {
      }
      %add3A_161 = arith.constant 1 : i32
      %add3A_162 = arith.addi %mul3A_117, %add3A_161 : i32
      %dma_wait3A_163 = arith.constant 1 : i32
      %dma_wait3A_164 = arith.constant 1 : i32
      %dma_wait3A_165 = arith.constant 0 : i32
      %dma_wait3A_166 = arith.constant 0 : i32
      %dma_wait3A_167 = tpu.memref_slice %arg8[%dma_wait3A_163, %dma_wait3A_165, %dma_wait3A_166] : memref<4x128x64xf32, #tpu.memory_space<vmem>> -> memref<1x128x64xf32, #tpu.memory_space<vmem>>
      %dma_wait3A_168 = tpu.memref_squeeze %dma_wait3A_167 : memref<1x128x64xf32, #tpu.memory_space<vmem>> -> memref<128x64xf32, #tpu.memory_space<vmem>>
      %dma_wait3A_169 = arith.constant 0 : i32
      %dma_wait3A_170 = tpu.memref_slice %arg6[%add3A_162, %dma_wait3A_169] : memref<80x128xi32, #tpu.memory_space<vmem>> -> memref<1x128xi32, #tpu.memory_space<vmem>>
      %dma_wait3A_171 = tpu.memref_squeeze %dma_wait3A_170 : memref<1x128xi32, #tpu.memory_space<vmem>> -> memref<128xi32, #tpu.memory_space<vmem>>
      %dma_wait3A_172 = arith.constant 0 : i32
      %dma_wait3A_173 = arith.constant 0 : i32
      %dma_wait3A_174 = tpu.memref_slice %arg2[%dma_wait3A_172, %dma_wait3A_173] : memref<10240x64xf32, #tpu.memory_space<hbm>> -> memref<10240x64xf32, #tpu.memory_space<hbm>>
      %dma_wait3A_175 = tpu.memref_slice %arg10[%dma_wait3A_164] : memref<4x!tpu.dma_semaphore, #tpu.memory_space<semaphore_mem>> -> memref<1x!tpu.dma_semaphore, #tpu.memory_space<semaphore_mem>>
      %dma_wait3A_176 = tpu.memref_squeeze %dma_wait3A_175 : memref<1x!tpu.dma_semaphore, #tpu.memory_space<semaphore_mem>> -> memref<!tpu.dma_semaphore, #tpu.memory_space<semaphore_mem>>
      tpu.wait_indirect_dma semaphore(%dma_wait3A_176 : memref<!tpu.dma_semaphore, #tpu.memory_space<semaphore_mem>>) src(%dma_wait3A_174 : memref<10240x64xf32, #tpu.memory_space<hbm>>) dst(%dma_wait3A_168 : memref<128x64xf32, #tpu.memory_space<vmem>>)
      %gt3A_177 = arith.constant 0 : i32
      %gt3A_178 = arith.cmpi sgt, %add3A_162, %gt3A_177 : i32
      %convert_element_type3A_179 = arith.extui %gt3A_178 : i1 to i32
      %cond3A_180 = arith.constant 0 : i32
      %cond3A_181 = arith.cmpi ne, %convert_element_type3A_179, %cond3A_180 : i32
      scf.if %cond3A_181 {
        %sub3A_302 = arith.constant 1 : i32
        %sub3A_303 = arith.subi %add3A_162, %sub3A_302 : i32
        %dma_wait3A_304 = arith.constant 0 : i32
        %dma_wait3A_305 = arith.constant 0 : i32
        %dma_wait3A_306 = arith.constant 0 : i32
        %dma_wait3A_307 = arith.constant 0 : i32
        %dma_wait3A_308 = tpu.memref_slice %arg8[%dma_wait3A_304, %dma_wait3A_306, %dma_wait3A_307] : memref<4x128x64xf32, #tpu.memory_space<vmem>> -> memref<1x128x64xf32, #tpu.memory_space<vmem>>
        %dma_wait3A_309 = tpu.memref_squeeze %dma_wait3A_308 : memref<1x128x64xf32, #tpu.memory_space<vmem>> -> memref<128x64xf32, #tpu.memory_space<vmem>>
        %dma_wait3A_310 = arith.constant 0 : i32
        %dma_wait3A_311 = tpu.memref_slice %arg7[%sub3A_303, %dma_wait3A_310] : memref<80x128xi32, #tpu.memory_space<vmem>> -> memref<1x128xi32, #tpu.memory_space<vmem>>
        %dma_wait3A_312 = tpu.memref_squeeze %dma_wait3A_311 : memref<1x128xi32, #tpu.memory_space<vmem>> -> memref<128xi32, #tpu.memory_space<vmem>>
        %dma_wait3A_313 = arith.constant 0 : i32
        %dma_wait3A_314 = arith.constant 0 : i32
        %dma_wait3A_315 = tpu.memref_slice %arg9[%dma_wait3A_313, %dma_wait3A_314] : memref<10240x64xf32, #tpu.memory_space<vmem_shared>> -> memref<10240x64xf32, #tpu.memory_space<vmem_shared>>
        %dma_wait3A_316 = tpu.memref_slice %arg11[%dma_wait3A_305] : memref<4x!tpu.dma_semaphore, #tpu.memory_space<semaphore_mem>> -> memref<1x!tpu.dma_semaphore, #tpu.memory_space<semaphore_mem>>
        %dma_wait3A_317 = tpu.memref_squeeze %dma_wait3A_316 : memref<1x!tpu.dma_semaphore, #tpu.memory_space<semaphore_mem>> -> memref<!tpu.dma_semaphore, #tpu.memory_space<semaphore_mem>>
        tpu.wait_indirect_dma semaphore(%dma_wait3A_317 : memref<!tpu.dma_semaphore, #tpu.memory_space<semaphore_mem>>) src(%dma_wait3A_309 : memref<128x64xf32, #tpu.memory_space<vmem>>) dst(%dma_wait3A_315 : memref<10240x64xf32, #tpu.memory_space<vmem_shared>>)
      } else {
      }
      %dma_start3A_182 = arith.constant 1 : i32
      %dma_start3A_183 = arith.constant 1 : i32
      %dma_start3A_184 = arith.constant 0 : i32
      %dma_start3A_185 = arith.constant 0 : i32
      %dma_start3A_186 = tpu.memref_slice %arg8[%dma_start3A_182, %dma_start3A_184, %dma_start3A_185] : memref<4x128x64xf32, #tpu.memory_space<vmem>> -> memref<1x128x64xf32, #tpu.memory_space<vmem>>
      %dma_start3A_187 = tpu.memref_squeeze %dma_start3A_186 : memref<1x128x64xf32, #tpu.memory_space<vmem>> -> memref<128x64xf32, #tpu.memory_space<vmem>>
      %dma_start3A_188 = arith.constant 0 : i32
      %dma_start3A_189 = tpu.memref_slice %arg7[%add3A_162, %dma_start3A_188] : memref<80x128xi32, #tpu.memory_space<vmem>> -> memref<1x128xi32, #tpu.memory_space<vmem>>
      %dma_start3A_190 = tpu.memref_squeeze %dma_start3A_189 : memref<1x128xi32, #tpu.memory_space<vmem>> -> memref<128xi32, #tpu.memory_space<vmem>>
      %dma_start3A_191 = arith.constant 0 : i32
      %dma_start3A_192 = arith.constant 0 : i32
      %dma_start3A_193 = tpu.memref_slice %arg9[%dma_start3A_191, %dma_start3A_192] : memref<10240x64xf32, #tpu.memory_space<vmem_shared>> -> memref<10240x64xf32, #tpu.memory_space<vmem_shared>>
      %dma_start3A_194 = tpu.memref_slice %arg11[%dma_start3A_183] : memref<4x!tpu.dma_semaphore, #tpu.memory_space<semaphore_mem>> -> memref<1x!tpu.dma_semaphore, #tpu.memory_space<semaphore_mem>>
      %dma_start3A_195 = tpu.memref_squeeze %dma_start3A_194 : memref<1x!tpu.dma_semaphore, #tpu.memory_space<semaphore_mem>> -> memref<!tpu.dma_semaphore, #tpu.memory_space<semaphore_mem>>
      tpu.enqueue_indirect_dma source(%dma_start3A_187 : memref<128x64xf32, #tpu.memory_space<vmem>>) target(%dma_start3A_193 : memref<10240x64xf32, #tpu.memory_space<vmem_shared>>) offsets(%dma_start3A_190 : memref<128xi32, #tpu.memory_space<vmem>>) semaphore(%dma_start3A_195 : memref<!tpu.dma_semaphore, #tpu.memory_space<semaphore_mem>>) {add = true}
      %gt3A_196 = arith.constant 0 : i32
      %gt3A_197 = arith.cmpi sgt, %add3A_162, %gt3A_196 : i32
      %sub3A_198 = arith.constant 1 : i32
      %sub3A_199 = arith.subi %add3A_162, %sub3A_198 : i32
      %add3A_200 = arith.constant 4 : i32
      %add3A_201 = arith.addi %sub3A_199, %add3A_200 : i32
      %lt3A_202 = arith.constant 80 : i32
      %lt3A_203 = arith.cmpi slt, %add3A_201, %lt3A_202 : i32
      %and3A_204 = arith.andi %gt3A_197, %lt3A_203 : i1
      %convert_element_type3A_205 = arith.extui %and3A_204 : i1 to i32
      %cond3A_206 = arith.constant 0 : i32
      %cond3A_207 = arith.cmpi ne, %convert_element_type3A_205, %cond3A_206 : i32
      scf.if %cond3A_207 {
        %sub3A_302 = arith.constant 1 : i32
        %sub3A_303 = arith.subi %add3A_162, %sub3A_302 : i32
        %add3A_304 = arith.constant 4 : i32
        %add3A_305 = arith.addi %sub3A_303, %add3A_304 : i32
        %dma_start3A_306 = arith.constant 0 : i32
        %dma_start3A_307 = arith.constant 0 : i32
        %dma_start3A_308 = arith.constant 0 : i32
        %dma_start3A_309 = arith.constant 0 : i32
        %dma_start3A_310 = tpu.memref_slice %arg8[%dma_start3A_306, %dma_start3A_308, %dma_start3A_309] : memref<4x128x64xf32, #tpu.memory_space<vmem>> -> memref<1x128x64xf32, #tpu.memory_space<vmem>>
        %dma_start3A_311 = tpu.memref_squeeze %dma_start3A_310 : memref<1x128x64xf32, #tpu.memory_space<vmem>> -> memref<128x64xf32, #tpu.memory_space<vmem>>
        %dma_start3A_312 = arith.constant 0 : i32
        %dma_start3A_313 = tpu.memref_slice %arg6[%add3A_305, %dma_start3A_312] : memref<80x128xi32, #tpu.memory_space<vmem>> -> memref<1x128xi32, #tpu.memory_space<vmem>>
        %dma_start3A_314 = tpu.memref_squeeze %dma_start3A_313 : memref<1x128xi32, #tpu.memory_space<vmem>> -> memref<128xi32, #tpu.memory_space<vmem>>
        %dma_start3A_315 = arith.constant 0 : i32
        %dma_start3A_316 = arith.constant 0 : i32
        %dma_start3A_317 = tpu.memref_slice %arg2[%dma_start3A_315, %dma_start3A_316] : memref<10240x64xf32, #tpu.memory_space<hbm>> -> memref<10240x64xf32, #tpu.memory_space<hbm>>
        %dma_start3A_318 = tpu.memref_slice %arg10[%dma_start3A_307] : memref<4x!tpu.dma_semaphore, #tpu.memory_space<semaphore_mem>> -> memref<1x!tpu.dma_semaphore, #tpu.memory_space<semaphore_mem>>
        %dma_start3A_319 = tpu.memref_squeeze %dma_start3A_318 : memref<1x!tpu.dma_semaphore, #tpu.memory_space<semaphore_mem>> -> memref<!tpu.dma_semaphore, #tpu.memory_space<semaphore_mem>>
        tpu.enqueue_indirect_dma source(%dma_start3A_317 : memref<10240x64xf32, #tpu.memory_space<hbm>>) target(%dma_start3A_311 : memref<128x64xf32, #tpu.memory_space<vmem>>) offsets(%dma_start3A_314 : memref<128xi32, #tpu.memory_space<vmem>>) semaphore(%dma_start3A_319 : memref<!tpu.dma_semaphore, #tpu.memory_space<semaphore_mem>>)
      } else {
      }
      %add3A_208 = arith.constant 2 : i32
      %add3A_209 = arith.addi %mul3A_117, %add3A_208 : i32
      %dma_wait3A_210 = arith.constant 2 : i32
      %dma_wait3A_211 = arith.constant 2 : i32
      %dma_wait3A_212 = arith.constant 0 : i32
      %dma_wait3A_213 = arith.constant 0 : i32
      %dma_wait3A_214 = tpu.memref_slice %arg8[%dma_wait3A_210, %dma_wait3A_212, %dma_wait3A_213] : memref<4x128x64xf32, #tpu.memory_space<vmem>> -> memref<1x128x64xf32, #tpu.memory_space<vmem>>
      %dma_wait3A_215 = tpu.memref_squeeze %dma_wait3A_214 : memref<1x128x64xf32, #tpu.memory_space<vmem>> -> memref<128x64xf32, #tpu.memory_space<vmem>>
      %dma_wait3A_216 = arith.constant 0 : i32
      %dma_wait3A_217 = tpu.memref_slice %arg6[%add3A_209, %dma_wait3A_216] : memref<80x128xi32, #tpu.memory_space<vmem>> -> memref<1x128xi32, #tpu.memory_space<vmem>>
      %dma_wait3A_218 = tpu.memref_squeeze %dma_wait3A_217 : memref<1x128xi32, #tpu.memory_space<vmem>> -> memref<128xi32, #tpu.memory_space<vmem>>
      %dma_wait3A_219 = arith.constant 0 : i32
      %dma_wait3A_220 = arith.constant 0 : i32
      %dma_wait3A_221 = tpu.memref_slice %arg2[%dma_wait3A_219, %dma_wait3A_220] : memref<10240x64xf32, #tpu.memory_space<hbm>> -> memref<10240x64xf32, #tpu.memory_space<hbm>>
      %dma_wait3A_222 = tpu.memref_slice %arg10[%dma_wait3A_211] : memref<4x!tpu.dma_semaphore, #tpu.memory_space<semaphore_mem>> -> memref<1x!tpu.dma_semaphore, #tpu.memory_space<semaphore_mem>>
      %dma_wait3A_223 = tpu.memref_squeeze %dma_wait3A_222 : memref<1x!tpu.dma_semaphore, #tpu.memory_space<semaphore_mem>> -> memref<!tpu.dma_semaphore, #tpu.memory_space<semaphore_mem>>
      tpu.wait_indirect_dma semaphore(%dma_wait3A_223 : memref<!tpu.dma_semaphore, #tpu.memory_space<semaphore_mem>>) src(%dma_wait3A_221 : memref<10240x64xf32, #tpu.memory_space<hbm>>) dst(%dma_wait3A_215 : memref<128x64xf32, #tpu.memory_space<vmem>>)
      %gt3A_224 = arith.constant 0 : i32
      %gt3A_225 = arith.cmpi sgt, %add3A_209, %gt3A_224 : i32
      %convert_element_type3A_226 = arith.extui %gt3A_225 : i1 to i32
      %cond3A_227 = arith.constant 0 : i32
      %cond3A_228 = arith.cmpi ne, %convert_element_type3A_226, %cond3A_227 : i32
      scf.if %cond3A_228 {
        %sub3A_302 = arith.constant 1 : i32
        %sub3A_303 = arith.subi %add3A_209, %sub3A_302 : i32
        %dma_wait3A_304 = arith.constant 1 : i32
        %dma_wait3A_305 = arith.constant 1 : i32
        %dma_wait3A_306 = arith.constant 0 : i32
        %dma_wait3A_307 = arith.constant 0 : i32
        %dma_wait3A_308 = tpu.memref_slice %arg8[%dma_wait3A_304, %dma_wait3A_306, %dma_wait3A_307] : memref<4x128x64xf32, #tpu.memory_space<vmem>> -> memref<1x128x64xf32, #tpu.memory_space<vmem>>
        %dma_wait3A_309 = tpu.memref_squeeze %dma_wait3A_308 : memref<1x128x64xf32, #tpu.memory_space<vmem>> -> memref<128x64xf32, #tpu.memory_space<vmem>>
        %dma_wait3A_310 = arith.constant 0 : i32
        %dma_wait3A_311 = tpu.memref_slice %arg7[%sub3A_303, %dma_wait3A_310] : memref<80x128xi32, #tpu.memory_space<vmem>> -> memref<1x128xi32, #tpu.memory_space<vmem>>
        %dma_wait3A_312 = tpu.memref_squeeze %dma_wait3A_311 : memref<1x128xi32, #tpu.memory_space<vmem>> -> memref<128xi32, #tpu.memory_space<vmem>>
        %dma_wait3A_313 = arith.constant 0 : i32
        %dma_wait3A_314 = arith.constant 0 : i32
        %dma_wait3A_315 = tpu.memref_slice %arg9[%dma_wait3A_313, %dma_wait3A_314] : memref<10240x64xf32, #tpu.memory_space<vmem_shared>> -> memref<10240x64xf32, #tpu.memory_space<vmem_shared>>
        %dma_wait3A_316 = tpu.memref_slice %arg11[%dma_wait3A_305] : memref<4x!tpu.dma_semaphore, #tpu.memory_space<semaphore_mem>> -> memref<1x!tpu.dma_semaphore, #tpu.memory_space<semaphore_mem>>
        %dma_wait3A_317 = tpu.memref_squeeze %dma_wait3A_316 : memref<1x!tpu.dma_semaphore, #tpu.memory_space<semaphore_mem>> -> memref<!tpu.dma_semaphore, #tpu.memory_space<semaphore_mem>>
        tpu.wait_indirect_dma semaphore(%dma_wait3A_317 : memref<!tpu.dma_semaphore, #tpu.memory_space<semaphore_mem>>) src(%dma_wait3A_309 : memref<128x64xf32, #tpu.memory_space<vmem>>) dst(%dma_wait3A_315 : memref<10240x64xf32, #tpu.memory_space<vmem_shared>>)
      } else {
      }
      %dma_start3A_229 = arith.constant 2 : i32
      %dma_start3A_230 = arith.constant 2 : i32
      %dma_start3A_231 = arith.constant 0 : i32
      %dma_start3A_232 = arith.constant 0 : i32
      %dma_start3A_233 = tpu.memref_slice %arg8[%dma_start3A_229, %dma_start3A_231, %dma_start3A_232] : memref<4x128x64xf32, #tpu.memory_space<vmem>> -> memref<1x128x64xf32, #tpu.memory_space<vmem>>
      %dma_start3A_234 = tpu.memref_squeeze %dma_start3A_233 : memref<1x128x64xf32, #tpu.memory_space<vmem>> -> memref<128x64xf32, #tpu.memory_space<vmem>>
      %dma_start3A_235 = arith.constant 0 : i32
      %dma_start3A_236 = tpu.memref_slice %arg7[%add3A_209, %dma_start3A_235] : memref<80x128xi32, #tpu.memory_space<vmem>> -> memref<1x128xi32, #tpu.memory_space<vmem>>
      %dma_start3A_237 = tpu.memref_squeeze %dma_start3A_236 : memref<1x128xi32, #tpu.memory_space<vmem>> -> memref<128xi32, #tpu.memory_space<vmem>>
      %dma_start3A_238 = arith.constant 0 : i32
      %dma_start3A_239 = arith.constant 0 : i32
      %dma_start3A_240 = tpu.memref_slice %arg9[%dma_start3A_238, %dma_start3A_239] : memref<10240x64xf32, #tpu.memory_space<vmem_shared>> -> memref<10240x64xf32, #tpu.memory_space<vmem_shared>>
      %dma_start3A_241 = tpu.memref_slice %arg11[%dma_start3A_230] : memref<4x!tpu.dma_semaphore, #tpu.memory_space<semaphore_mem>> -> memref<1x!tpu.dma_semaphore, #tpu.memory_space<semaphore_mem>>
      %dma_start3A_242 = tpu.memref_squeeze %dma_start3A_241 : memref<1x!tpu.dma_semaphore, #tpu.memory_space<semaphore_mem>> -> memref<!tpu.dma_semaphore, #tpu.memory_space<semaphore_mem>>
      tpu.enqueue_indirect_dma source(%dma_start3A_234 : memref<128x64xf32, #tpu.memory_space<vmem>>) target(%dma_start3A_240 : memref<10240x64xf32, #tpu.memory_space<vmem_shared>>) offsets(%dma_start3A_237 : memref<128xi32, #tpu.memory_space<vmem>>) semaphore(%dma_start3A_242 : memref<!tpu.dma_semaphore, #tpu.memory_space<semaphore_mem>>) {add = true}
      %gt3A_243 = arith.constant 0 : i32
      %gt3A_244 = arith.cmpi sgt, %add3A_209, %gt3A_243 : i32
      %sub3A_245 = arith.constant 1 : i32
      %sub3A_246 = arith.subi %add3A_209, %sub3A_245 : i32
      %add3A_247 = arith.constant 4 : i32
      %add3A_248 = arith.addi %sub3A_246, %add3A_247 : i32
      %lt3A_249 = arith.constant 80 : i32
      %lt3A_250 = arith.cmpi slt, %add3A_248, %lt3A_249 : i32
      %and3A_251 = arith.andi %gt3A_244, %lt3A_250 : i1
      %convert_element_type3A_252 = arith.extui %and3A_251 : i1 to i32
      %cond3A_253 = arith.constant 0 : i32
      %cond3A_254 = arith.cmpi ne, %convert_element_type3A_252, %cond3A_253 : i32
      scf.if %cond3A_254 {
        %sub3A_302 = arith.constant 1 : i32
        %sub3A_303 = arith.subi %add3A_209, %sub3A_302 : i32
        %add3A_304 = arith.constant 4 : i32
        %add3A_305 = arith.addi %sub3A_303, %add3A_304 : i32
        %dma_start3A_306 = arith.constant 1 : i32
        %dma_start3A_307 = arith.constant 1 : i32
        %dma_start3A_308 = arith.constant 0 : i32
        %dma_start3A_309 = arith.constant 0 : i32
        %dma_start3A_310 = tpu.memref_slice %arg8[%dma_start3A_306, %dma_start3A_308, %dma_start3A_309] : memref<4x128x64xf32, #tpu.memory_space<vmem>> -> memref<1x128x64xf32, #tpu.memory_space<vmem>>
        %dma_start3A_311 = tpu.memref_squeeze %dma_start3A_310 : memref<1x128x64xf32, #tpu.memory_space<vmem>> -> memref<128x64xf32, #tpu.memory_space<vmem>>
        %dma_start3A_312 = arith.constant 0 : i32
        %dma_start3A_313 = tpu.memref_slice %arg6[%add3A_305, %dma_start3A_312] : memref<80x128xi32, #tpu.memory_space<vmem>> -> memref<1x128xi32, #tpu.memory_space<vmem>>
        %dma_start3A_314 = tpu.memref_squeeze %dma_start3A_313 : memref<1x128xi32, #tpu.memory_space<vmem>> -> memref<128xi32, #tpu.memory_space<vmem>>
        %dma_start3A_315 = arith.constant 0 : i32
        %dma_start3A_316 = arith.constant 0 : i32
        %dma_start3A_317 = tpu.memref_slice %arg2[%dma_start3A_315, %dma_start3A_316] : memref<10240x64xf32, #tpu.memory_space<hbm>> -> memref<10240x64xf32, #tpu.memory_space<hbm>>
        %dma_start3A_318 = tpu.memref_slice %arg10[%dma_start3A_307] : memref<4x!tpu.dma_semaphore, #tpu.memory_space<semaphore_mem>> -> memref<1x!tpu.dma_semaphore, #tpu.memory_space<semaphore_mem>>
        %dma_start3A_319 = tpu.memref_squeeze %dma_start3A_318 : memref<1x!tpu.dma_semaphore, #tpu.memory_space<semaphore_mem>> -> memref<!tpu.dma_semaphore, #tpu.memory_space<semaphore_mem>>
        tpu.enqueue_indirect_dma source(%dma_start3A_317 : memref<10240x64xf32, #tpu.memory_space<hbm>>) target(%dma_start3A_311 : memref<128x64xf32, #tpu.memory_space<vmem>>) offsets(%dma_start3A_314 : memref<128xi32, #tpu.memory_space<vmem>>) semaphore(%dma_start3A_319 : memref<!tpu.dma_semaphore, #tpu.memory_space<semaphore_mem>>)
      } else {
      }
      %add3A_255 = arith.constant 3 : i32
      %add3A_256 = arith.addi %mul3A_117, %add3A_255 : i32
      %dma_wait3A_257 = arith.constant 3 : i32
      %dma_wait3A_258 = arith.constant 3 : i32
      %dma_wait3A_259 = arith.constant 0 : i32
      %dma_wait3A_260 = arith.constant 0 : i32
      %dma_wait3A_261 = tpu.memref_slice %arg8[%dma_wait3A_257, %dma_wait3A_259, %dma_wait3A_260] : memref<4x128x64xf32, #tpu.memory_space<vmem>> -> memref<1x128x64xf32, #tpu.memory_space<vmem>>
      %dma_wait3A_262 = tpu.memref_squeeze %dma_wait3A_261 : memref<1x128x64xf32, #tpu.memory_space<vmem>> -> memref<128x64xf32, #tpu.memory_space<vmem>>
      %dma_wait3A_263 = arith.constant 0 : i32
      %dma_wait3A_264 = tpu.memref_slice %arg6[%add3A_256, %dma_wait3A_263] : memref<80x128xi32, #tpu.memory_space<vmem>> -> memref<1x128xi32, #tpu.memory_space<vmem>>
      %dma_wait3A_265 = tpu.memref_squeeze %dma_wait3A_264 : memref<1x128xi32, #tpu.memory_space<vmem>> -> memref<128xi32, #tpu.memory_space<vmem>>
      %dma_wait3A_266 = arith.constant 0 : i32
      %dma_wait3A_267 = arith.constant 0 : i32
      %dma_wait3A_268 = tpu.memref_slice %arg2[%dma_wait3A_266, %dma_wait3A_267] : memref<10240x64xf32, #tpu.memory_space<hbm>> -> memref<10240x64xf32, #tpu.memory_space<hbm>>
      %dma_wait3A_269 = tpu.memref_slice %arg10[%dma_wait3A_258] : memref<4x!tpu.dma_semaphore, #tpu.memory_space<semaphore_mem>> -> memref<1x!tpu.dma_semaphore, #tpu.memory_space<semaphore_mem>>
      %dma_wait3A_270 = tpu.memref_squeeze %dma_wait3A_269 : memref<1x!tpu.dma_semaphore, #tpu.memory_space<semaphore_mem>> -> memref<!tpu.dma_semaphore, #tpu.memory_space<semaphore_mem>>
      tpu.wait_indirect_dma semaphore(%dma_wait3A_270 : memref<!tpu.dma_semaphore, #tpu.memory_space<semaphore_mem>>) src(%dma_wait3A_268 : memref<10240x64xf32, #tpu.memory_space<hbm>>) dst(%dma_wait3A_262 : memref<128x64xf32, #tpu.memory_space<vmem>>)
      %gt3A_271 = arith.constant 0 : i32
      %gt3A_272 = arith.cmpi sgt, %add3A_256, %gt3A_271 : i32
      %convert_element_type3A_273 = arith.extui %gt3A_272 : i1 to i32
      %cond3A_274 = arith.constant 0 : i32
      %cond3A_275 = arith.cmpi ne, %convert_element_type3A_273, %cond3A_274 : i32
      scf.if %cond3A_275 {
        %sub3A_302 = arith.constant 1 : i32
        %sub3A_303 = arith.subi %add3A_256, %sub3A_302 : i32
        %dma_wait3A_304 = arith.constant 2 : i32
        %dma_wait3A_305 = arith.constant 2 : i32
        %dma_wait3A_306 = arith.constant 0 : i32
        %dma_wait3A_307 = arith.constant 0 : i32
        %dma_wait3A_308 = tpu.memref_slice %arg8[%dma_wait3A_304, %dma_wait3A_306, %dma_wait3A_307] : memref<4x128x64xf32, #tpu.memory_space<vmem>> -> memref<1x128x64xf32, #tpu.memory_space<vmem>>
        %dma_wait3A_309 = tpu.memref_squeeze %dma_wait3A_308 : memref<1x128x64xf32, #tpu.memory_space<vmem>> -> memref<128x64xf32, #tpu.memory_space<vmem>>
        %dma_wait3A_310 = arith.constant 0 : i32
        %dma_wait3A_311 = tpu.memref_slice %arg7[%sub3A_303, %dma_wait3A_310] : memref<80x128xi32, #tpu.memory_space<vmem>> -> memref<1x128xi32, #tpu.memory_space<vmem>>
        %dma_wait3A_312 = tpu.memref_squeeze %dma_wait3A_311 : memref<1x128xi32, #tpu.memory_space<vmem>> -> memref<128xi32, #tpu.memory_space<vmem>>
        %dma_wait3A_313 = arith.constant 0 : i32
        %dma_wait3A_314 = arith.constant 0 : i32
        %dma_wait3A_315 = tpu.memref_slice %arg9[%dma_wait3A_313, %dma_wait3A_314] : memref<10240x64xf32, #tpu.memory_space<vmem_shared>> -> memref<10240x64xf32, #tpu.memory_space<vmem_shared>>
        %dma_wait3A_316 = tpu.memref_slice %arg11[%dma_wait3A_305] : memref<4x!tpu.dma_semaphore, #tpu.memory_space<semaphore_mem>> -> memref<1x!tpu.dma_semaphore, #tpu.memory_space<semaphore_mem>>
        %dma_wait3A_317 = tpu.memref_squeeze %dma_wait3A_316 : memref<1x!tpu.dma_semaphore, #tpu.memory_space<semaphore_mem>> -> memref<!tpu.dma_semaphore, #tpu.memory_space<semaphore_mem>>
        tpu.wait_indirect_dma semaphore(%dma_wait3A_317 : memref<!tpu.dma_semaphore, #tpu.memory_space<semaphore_mem>>) src(%dma_wait3A_309 : memref<128x64xf32, #tpu.memory_space<vmem>>) dst(%dma_wait3A_315 : memref<10240x64xf32, #tpu.memory_space<vmem_shared>>)
      } else {
      }
      %dma_start3A_276 = arith.constant 3 : i32
      %dma_start3A_277 = arith.constant 3 : i32
      %dma_start3A_278 = arith.constant 0 : i32
      %dma_start3A_279 = arith.constant 0 : i32
      %dma_start3A_280 = tpu.memref_slice %arg8[%dma_start3A_276, %dma_start3A_278, %dma_start3A_279] : memref<4x128x64xf32, #tpu.memory_space<vmem>> -> memref<1x128x64xf32, #tpu.memory_space<vmem>>
      %dma_start3A_281 = tpu.memref_squeeze %dma_start3A_280 : memref<1x128x64xf32, #tpu.memory_space<vmem>> -> memref<128x64xf32, #tpu.memory_space<vmem>>
      %dma_start3A_282 = arith.constant 0 : i32
      %dma_start3A_283 = tpu.memref_slice %arg7[%add3A_256, %dma_start3A_282] : memref<80x128xi32, #tpu.memory_space<vmem>> -> memref<1x128xi32, #tpu.memory_space<vmem>>
      %dma_start3A_284 = tpu.memref_squeeze %dma_start3A_283 : memref<1x128xi32, #tpu.memory_space<vmem>> -> memref<128xi32, #tpu.memory_space<vmem>>
      %dma_start3A_285 = arith.constant 0 : i32
      %dma_start3A_286 = arith.constant 0 : i32
      %dma_start3A_287 = tpu.memref_slice %arg9[%dma_start3A_285, %dma_start3A_286] : memref<10240x64xf32, #tpu.memory_space<vmem_shared>> -> memref<10240x64xf32, #tpu.memory_space<vmem_shared>>
      %dma_start3A_288 = tpu.memref_slice %arg11[%dma_start3A_277] : memref<4x!tpu.dma_semaphore, #tpu.memory_space<semaphore_mem>> -> memref<1x!tpu.dma_semaphore, #tpu.memory_space<semaphore_mem>>
      %dma_start3A_289 = tpu.memref_squeeze %dma_start3A_288 : memref<1x!tpu.dma_semaphore, #tpu.memory_space<semaphore_mem>> -> memref<!tpu.dma_semaphore, #tpu.memory_space<semaphore_mem>>
      tpu.enqueue_indirect_dma source(%dma_start3A_281 : memref<128x64xf32, #tpu.memory_space<vmem>>) target(%dma_start3A_287 : memref<10240x64xf32, #tpu.memory_space<vmem_shared>>) offsets(%dma_start3A_284 : memref<128xi32, #tpu.memory_space<vmem>>) semaphore(%dma_start3A_289 : memref<!tpu.dma_semaphore, #tpu.memory_space<semaphore_mem>>) {add = true}
      %gt3A_290 = arith.constant 0 : i32
      %gt3A_291 = arith.cmpi sgt, %add3A_256, %gt3A_290 : i32
      %sub3A_292 = arith.constant 1 : i32
      %sub3A_293 = arith.subi %add3A_256, %sub3A_292 : i32
      %add3A_294 = arith.constant 4 : i32
      %add3A_295 = arith.addi %sub3A_293, %add3A_294 : i32
      %lt3A_296 = arith.constant 80 : i32
      %lt3A_297 = arith.cmpi slt, %add3A_295, %lt3A_296 : i32
      %and3A_298 = arith.andi %gt3A_291, %lt3A_297 : i1
      %convert_element_type3A_299 = arith.extui %and3A_298 : i1 to i32
      %cond3A_300 = arith.constant 0 : i32
      %cond3A_301 = arith.cmpi ne, %convert_element_type3A_299, %cond3A_300 : i32
      scf.if %cond3A_301 {
        %sub3A_302 = arith.constant 1 : i32
        %sub3A_303 = arith.subi %add3A_256, %sub3A_302 : i32
        %add3A_304 = arith.constant 4 : i32
        %add3A_305 = arith.addi %sub3A_303, %add3A_304 : i32
        %dma_start3A_306 = arith.constant 2 : i32
        %dma_start3A_307 = arith.constant 2 : i32
        %dma_start3A_308 = arith.constant 0 : i32
        %dma_start3A_309 = arith.constant 0 : i32
        %dma_start3A_310 = tpu.memref_slice %arg8[%dma_start3A_306, %dma_start3A_308, %dma_start3A_309] : memref<4x128x64xf32, #tpu.memory_space<vmem>> -> memref<1x128x64xf32, #tpu.memory_space<vmem>>
        %dma_start3A_311 = tpu.memref_squeeze %dma_start3A_310 : memref<1x128x64xf32, #tpu.memory_space<vmem>> -> memref<128x64xf32, #tpu.memory_space<vmem>>
        %dma_start3A_312 = arith.constant 0 : i32
        %dma_start3A_313 = tpu.memref_slice %arg6[%add3A_305, %dma_start3A_312] : memref<80x128xi32, #tpu.memory_space<vmem>> -> memref<1x128xi32, #tpu.memory_space<vmem>>
        %dma_start3A_314 = tpu.memref_squeeze %dma_start3A_313 : memref<1x128xi32, #tpu.memory_space<vmem>> -> memref<128xi32, #tpu.memory_space<vmem>>
        %dma_start3A_315 = arith.constant 0 : i32
        %dma_start3A_316 = arith.constant 0 : i32
        %dma_start3A_317 = tpu.memref_slice %arg2[%dma_start3A_315, %dma_start3A_316] : memref<10240x64xf32, #tpu.memory_space<hbm>> -> memref<10240x64xf32, #tpu.memory_space<hbm>>
        %dma_start3A_318 = tpu.memref_slice %arg10[%dma_start3A_307] : memref<4x!tpu.dma_semaphore, #tpu.memory_space<semaphore_mem>> -> memref<1x!tpu.dma_semaphore, #tpu.memory_space<semaphore_mem>>
        %dma_start3A_319 = tpu.memref_squeeze %dma_start3A_318 : memref<1x!tpu.dma_semaphore, #tpu.memory_space<semaphore_mem>> -> memref<!tpu.dma_semaphore, #tpu.memory_space<semaphore_mem>>
        tpu.enqueue_indirect_dma source(%dma_start3A_317 : memref<10240x64xf32, #tpu.memory_space<hbm>>) target(%dma_start3A_311 : memref<128x64xf32, #tpu.memory_space<vmem>>) offsets(%dma_start3A_314 : memref<128xi32, #tpu.memory_space<vmem>>) semaphore(%dma_start3A_319 : memref<!tpu.dma_semaphore, #tpu.memory_space<semaphore_mem>>)
      } else {
      }
    }
    %scan3A_91 = arith.constant 20 : i32
    %dma_wait3A = arith.constant 3 : i32
    %dma_wait3A_92 = arith.constant 79 : i32
    %dma_wait3A_93 = arith.constant 3 : i32
    %dma_wait3A_94 = arith.constant 0 : i32
    %dma_wait3A_95 = arith.constant 0 : i32
    %dma_wait3A_96 = tpu.memref_slice %arg8[%dma_wait3A, %dma_wait3A_94, %dma_wait3A_95] : memref<4x128x64xf32, #tpu.memory_space<vmem>> -> memref<1x128x64xf32, #tpu.memory_space<vmem>>
    %dma_wait3A_97 = tpu.memref_squeeze %dma_wait3A_96 : memref<1x128x64xf32, #tpu.memory_space<vmem>> -> memref<128x64xf32, #tpu.memory_space<vmem>>
    %dma_wait3A_98 = arith.constant 0 : i32
    %dma_wait3A_99 = tpu.memref_slice %arg7[%dma_wait3A_92, %dma_wait3A_98] : memref<80x128xi32, #tpu.memory_space<vmem>> -> memref<1x128xi32, #tpu.memory_space<vmem>>
    %dma_wait3A_100 = tpu.memref_squeeze %dma_wait3A_99 : memref<1x128xi32, #tpu.memory_space<vmem>> -> memref<128xi32, #tpu.memory_space<vmem>>
    %dma_wait3A_101 = arith.constant 0 : i32
    %dma_wait3A_102 = arith.constant 0 : i32
    %dma_wait3A_103 = tpu.memref_slice %arg9[%dma_wait3A_101, %dma_wait3A_102] : memref<10240x64xf32, #tpu.memory_space<vmem_shared>> -> memref<10240x64xf32, #tpu.memory_space<vmem_shared>>
    %dma_wait3A_104 = tpu.memref_slice %arg11[%dma_wait3A_93] : memref<4x!tpu.dma_semaphore, #tpu.memory_space<semaphore_mem>> -> memref<1x!tpu.dma_semaphore, #tpu.memory_space<semaphore_mem>>
    %dma_wait3A_105 = tpu.memref_squeeze %dma_wait3A_104 : memref<1x!tpu.dma_semaphore, #tpu.memory_space<semaphore_mem>> -> memref<!tpu.dma_semaphore, #tpu.memory_space<semaphore_mem>>
    tpu.wait_indirect_dma semaphore(%dma_wait3A_105 : memref<!tpu.dma_semaphore, #tpu.memory_space<semaphore_mem>>) src(%dma_wait3A_97 : memref<128x64xf32, #tpu.memory_space<vmem>>) dst(%dma_wait3A_103 : memref<10240x64xf32, #tpu.memory_space<vmem_shared>>)
    %scan3A_106 = arith.constant 1 : i32
    %barrier3A = arith.constant 0 : index
    tpu.barrier barrier_id(%barrier3A)
    %mul3A_107 = arith.constant 640 : i32
    %mul3A_108 = arith.muli %arg1, %mul3A_107 : i32
    %mul3A_109 = arith.constant 640 : i32
    %mul3A_110 = arith.muli %arg1, %mul3A_109 : i32
    "tpu.region"() ({
      %run_scoped3A_111 = tpu.sem_alloc : memref<!tpu.dma_semaphore, #tpu.memory_space<semaphore_mem>>
      %dma_start3A_112 = arith.constant 0 : i32
      %dma_start3A_113 = tpu.memref_slice %arg5[%arg0, %mul3A_110, %dma_start3A_112] : memref<2x10240x64xf32, #tpu.memory_space<hbm>> -> memref<1x640x64xf32, #tpu.memory_space<hbm>>
      %dma_start3A_114 = tpu.memref_squeeze %dma_start3A_113 : memref<1x640x64xf32, #tpu.memory_space<hbm>> -> memref<640x64xf32, #tpu.memory_space<hbm>>
      %dma_start3A_115 = arith.constant 0 : i32
      %dma_start3A_116 = tpu.memref_slice %arg9[%mul3A_108, %dma_start3A_115] : memref<10240x64xf32, #tpu.memory_space<vmem_shared>> -> memref<640x64xf32, #tpu.memory_space<vmem_shared>>
      tpu.enqueue_dma source(%dma_start3A_116 : memref<640x64xf32, #tpu.memory_space<vmem_shared>>) target(%dma_start3A_114 : memref<640x64xf32, #tpu.memory_space<hbm>>) target_semaphore(%run_scoped3A_111 : memref<!tpu.dma_semaphore, #tpu.memory_space<semaphore_mem>>)
      %dma_wait3A_117 = arith.constant 0 : i32
      %dma_wait3A_118 = tpu.memref_slice %arg5[%arg0, %mul3A_110, %dma_wait3A_117] : memref<2x10240x64xf32, #tpu.memory_space<hbm>> -> memref<1x640x64xf32, #tpu.memory_space<hbm>>
      %dma_wait3A_119 = tpu.memref_squeeze %dma_wait3A_118 : memref<1x640x64xf32, #tpu.memory_space<hbm>> -> memref<640x64xf32, #tpu.memory_space<hbm>>
      %dma_wait3A_120 = arith.constant 0 : i32
      %dma_wait3A_121 = tpu.memref_slice %arg9[%mul3A_108, %dma_wait3A_120] : memref<10240x64xf32, #tpu.memory_space<vmem_shared>> -> memref<640x64xf32, #tpu.memory_space<vmem_shared>>
      tpu.wait_dma2 semaphore(%run_scoped3A_111 : memref<!tpu.dma_semaphore, #tpu.memory_space<semaphore_mem>>) src(%dma_wait3A_121 : memref<640x64xf32, #tpu.memory_space<vmem_shared>>) dst(%dma_wait3A_119 : memref<640x64xf32, #tpu.memory_space<hbm>>)
      tpu.yield
    }) : () -> ()
    return
  }
}

module attributes {stable_mosaic.version = 14 : i64} {
  func.func @_k2_body(%arg0: i32, %arg1: memref<1024x128xf32, #tpu.memory_space<vmem>>, %arg2: memref<128x128xf32, #tpu.memory_space<vmem>>, %arg3: memref<1024x128xf32, #tpu.memory_space<vmem>>) attributes {dimension_semantics = [#tpu.dimension_semantics<arbitrary>], iteration_bounds = array<i64: 10>, scalar_prefetch = 0 : i64, scratch_operands = 0 : i64, tpu.core_type = #tpu.core_type<tc>, window_params = [{transform_indices = @transform_0, window_bounds = array<i64: 1024, 128>}, {pipeline_mode = #tpu.pipeline_mode<synchronous>, transform_indices = @transform_1, window_bounds = array<i64: 128, 128>}, {transform_indices = @transform_2, window_bounds = array<i64: 1024, 128>}]} {
    %get3A = arith.constant 0 : index
    %get3A_0 = arith.constant 0 : index
    %get3A_1 = vector.load %arg1[%get3A, %get3A_0] : memref<1024x128xf32, #tpu.memory_space<vmem>>, vector<1024x128xf32>
    %get3A_2 = arith.constant 0 : index
    %get3A_3 = arith.constant 0 : index
    %get3A_4 = vector.load %arg2[%get3A_2, %get3A_3] : memref<128x128xf32, #tpu.memory_space<vmem>>, vector<128x128xf32>
    %dot_general3A = arith.constant dense<0.000000e+00> : vector<1024x128xf32>
    %dot_general3A_5 = tpu.matmul %get3A_1, %get3A_4, %dot_general3A {dimension_numbers = #tpu.dot_dimension_numbers<[1], [0], [0], [1], [0, 0, 1, 1], [], []>, transpose_lhs_hint = false} : vector<1024x128xf32>, vector<128x128xf32>, vector<1024x128xf32> -> vector<1024x128xf32>
    %swap3A = arith.constant 0 : index
    %swap3A_6 = arith.constant 0 : index
    %swap3A_7 = vector.load %arg3[%swap3A, %swap3A_6] : memref<1024x128xf32, #tpu.memory_space<vmem>>, vector<1024x128xf32>
    tpu.vector_store %arg3[%swap3A, %swap3A_6], %dot_general3A_5 {strides = array<i32>} : memref<1024x128xf32, #tpu.memory_space<vmem>>, vector<1024x128xf32>,
    return
  }
  func.func @transform_0(%arg0: i32) -> (i32, i32) {
    %c0_i32 = arith.constant 0 : i32
    %c0_i32_0 = arith.constant 0 : i32
    return %arg0, %c0_i32 : i32, i32
  }
  func.func @transform_1(%arg0: i32) -> (i32, i32) {
    %c0_i32 = arith.constant 0 : i32
    %c0_i32_0 = arith.constant 0 : i32
    %c0_i32_1 = arith.constant 0 : i32
    return %c0_i32, %c0_i32_0 : i32, i32
  }
  func.func @transform_2(%arg0: i32) -> (i32, i32) {
    %c0_i32 = arith.constant 0 : i32
    %c0_i32_0 = arith.constant 0 : i32
    return %arg0, %c0_i32 : i32, i32
  }
}

module attributes {stable_mosaic.version = 14 : i64} {
  func.func @_k4_body(%arg0: i32, %arg1: memref<2x1024x128xf32, #tpu.memory_space<vmem>>, %arg2: memref<2x1024x1xf32, #tpu.memory_space<vmem>>, %arg3: memref<1x128xf32, #tpu.memory_space<vmem>>, %arg4: memref<128x64xf32, #tpu.memory_space<vmem>>, %arg5: memref<1024x64xf32, #tpu.memory_space<vmem>>) attributes {dimension_semantics = [#tpu.dimension_semantics<arbitrary>], iteration_bounds = array<i64: 10>, scalar_prefetch = 0 : i64, scratch_operands = 0 : i64, tpu.core_type = #tpu.core_type<tc>, window_params = [{transform_indices = @transform_0, window_bounds = array<i64: 2, 1024, 128>}, {transform_indices = @transform_1, window_bounds = array<i64: 2, 1024, 1>}, {pipeline_mode = #tpu.pipeline_mode<synchronous>, transform_indices = @transform_2, window_bounds = array<i64: 1, 128>}, {pipeline_mode = #tpu.pipeline_mode<synchronous>, transform_indices = @transform_3, window_bounds = array<i64: 128, 64>}, {transform_indices = @transform_4, window_bounds = array<i64: 1024, 64>}]} {
    %get3A = arith.constant 0 : index
    %get3A_0 = arith.constant 0 : index
    %get3A_1 = arith.constant 0 : index
    %get3A_2 = vector.load %arg1[%get3A, %get3A_0, %get3A_1] : memref<2x1024x128xf32, #tpu.memory_space<vmem>>, vector<1x1024x128xf32>
    %get3A_3 = vector.shape_cast %get3A_2 : vector<1x1024x128xf32> to vector<1024x128xf32>
    %get3A_4 = arith.constant 1 : index
    %get3A_5 = arith.constant 0 : index
    %get3A_6 = arith.constant 0 : index
    %get3A_7 = vector.load %arg1[%get3A_4, %get3A_5, %get3A_6] : memref<2x1024x128xf32, #tpu.memory_space<vmem>>, vector<1x1024x128xf32>
    %get3A_8 = vector.shape_cast %get3A_7 : vector<1x1024x128xf32> to vector<1024x128xf32>
    %add3A = arith.addf %get3A_3, %get3A_8 : vector<1024x128xf32>
    %get3A_9 = arith.constant 1 : index
    %get3A_10 = arith.constant 0 : index
    %get3A_11 = arith.constant 0 : index
    %get3A_12 = vector.load %arg2[%get3A_9, %get3A_10, %get3A_11] : memref<2x1024x1xf32, #tpu.memory_space<vmem>>, vector<1x1024x1xf32>
    %get3A_13 = vector.shape_cast %get3A_12 : vector<1x1024x1xf32> to vector<1024x1xf32>
    %max3A = arith.constant 1.000000e+00 : f32
    %max3A_14 = vector.broadcast %max3A : f32 to vector<1024x1xf32>
    %max3A_15 = arith.maximumf %get3A_13, %max3A_14 : vector<1024x1xf32>
    %rsqrt3A = math.rsqrt %max3A_15 : vector<1024x1xf32>
    %get3A_16 = arith.constant 0 : index
    %get3A_17 = arith.constant 0 : index
    %get3A_18 = arith.constant 0 : index
    %get3A_19 = vector.load %arg2[%get3A_16, %get3A_17, %get3A_18] : memref<2x1024x1xf32, #tpu.memory_space<vmem>>, vector<1x1024x1xf32>
    %get3A_20 = vector.shape_cast %get3A_19 : vector<1x1024x1xf32> to vector<1024x1xf32>
    %max3A_21 = arith.constant 1.000000e+00 : f32
    %max3A_22 = vector.broadcast %max3A_21 : f32 to vector<1024x1xf32>
    %max3A_23 = arith.maximumf %get3A_20, %max3A_22 : vector<1024x1xf32>
    %rsqrt3A_24 = math.rsqrt %max3A_23 : vector<1024x1xf32>
    %mul3A = vector.broadcast %rsqrt3A : vector<1024x1xf32> to vector<1024x128xf32>
    %mul3A_25 = arith.mulf %add3A, %mul3A : vector<1024x128xf32>
    %get3A_26 = arith.constant 0 : index
    %get3A_27 = arith.constant 0 : index
    %get3A_28 = vector.load %arg3[%get3A_26, %get3A_27] : memref<1x128xf32, #tpu.memory_space<vmem>>, vector<1x128xf32>
    %add3A_29 = vector.broadcast %get3A_28 : vector<1x128xf32> to vector<1024x128xf32>
    %add3A_30 = arith.addf %mul3A_25, %add3A_29 : vector<1024x128xf32>
    %max3A_31 = arith.constant 0.000000e+00 : f32
    %max3A_32 = vector.broadcast %max3A_31 : f32 to vector<1024x128xf32>
    %max3A_33 = arith.maximumf %add3A_30, %max3A_32 : vector<1024x128xf32>
    %mul3A_34 = vector.broadcast %rsqrt3A_24 : vector<1024x1xf32> to vector<1024x128xf32>
    %mul3A_35 = arith.mulf %max3A_33, %mul3A_34 : vector<1024x128xf32>
    %get3A_36 = arith.constant 0 : index
    %get3A_37 = arith.constant 0 : index
    %get3A_38 = vector.load %arg4[%get3A_36, %get3A_37] : memref<128x64xf32, #tpu.memory_space<vmem>>, vector<128x64xf32>
    %dot_general3A = arith.constant dense<0.000000e+00> : vector<1024x64xf32>
    %dot_general3A_39 = tpu.matmul %mul3A_35, %get3A_38, %dot_general3A {dimension_numbers = #tpu.dot_dimension_numbers<[1], [0], [0], [1], [0, 0, 1, 1], [], []>, transpose_lhs_hint = false} : vector<1024x128xf32>, vector<128x64xf32>, vector<1024x64xf32> -> vector<1024x64xf32>
    %swap3A = arith.constant 0 : index
    %swap3A_40 = arith.constant 0 : index
    %swap3A_41 = vector.load %arg5[%swap3A, %swap3A_40] : memref<1024x64xf32, #tpu.memory_space<vmem>>, vector<1024x64xf32>
    tpu.vector_store %arg5[%swap3A, %swap3A_40], %dot_general3A_39 {strides = array<i32>} : memref<1024x64xf32, #tpu.memory_space<vmem>>, vector<1024x64xf32>,
    return
  }
  func.func @transform_0(%arg0: i32) -> (i32, i32, i32) {
    %c0_i32 = arith.constant 0 : i32
    %c0_i32_0 = arith.constant 0 : i32
    %c0_i32_1 = arith.constant 0 : i32
    return %c0_i32, %arg0, %c0_i32_0 : i32, i32, i32
  }
  func.func @transform_1(%arg0: i32) -> (i32, i32, i32) {
    %c0_i32 = arith.constant 0 : i32
    %c0_i32_0 = arith.constant 0 : i32
    %c0_i32_1 = arith.constant 0 : i32
    return %c0_i32, %arg0, %c0_i32_0 : i32, i32, i32
  }
  func.func @transform_2(%arg0: i32) -> (i32, i32) {
    %c0_i32 = arith.constant 0 : i32
    %c0_i32_0 = arith.constant 0 : i32
    %c0_i32_1 = arith.constant 0 : i32
    return %c0_i32, %c0_i32_0 : i32, i32
  }
  func.func @transform_3(%arg0: i32) -> (i32, i32) {
    %c0_i32 = arith.constant 0 : i32
    %c0_i32_0 = arith.constant 0 : i32
    %c0_i32_1 = arith.constant 0 : i32
    return %c0_i32, %c0_i32_0 : i32, i32
  }
  func.func @transform_4(%arg0: i32) -> (i32, i32) {
    %c0_i32 = arith.constant 0 : i32
    %c0_i32_0 = arith.constant 0 : i32
    return %arg0, %c0_i32 : i32, i32
  }
}

</mosaic_0001>

<sc_bundles>
// kernel: kernel.10.cloned.1.call-start
scs
__scs_entry_jumppad:
0x0: {  	(pc) =	sbr.rel $0x88, $3  }
0x1: {  	(tag) =	ssettag $0x0;
	lr =	simm.s32 $0x1  }
0x2: {  	[smem:$0x3F9B] =	sst lr;
	_ =	strace $0xD0000000  }
0x3: {  	_ = 	snop  }
0x4: {  	_ = 	snop  }
0x5: {  	_ = 	snop  }
0x6: {  	_ = 	snop  }
0x7: {  	_ = 	snop  }
__scs_overlays_trampoline_lowered:
0x8: {  	[smem:$0x3FAA] =	sst s0  }
0x9: {  	[smem:$0x3FAB] =	sst s1  }
0xa: {  	[smem:$0x3FAC] =	sst s2  }
0xb: {  	[smem:$0x3FAD] =	sst s3  }
0xc: {  	[smem:$0x3FAE] =	sst s4  }
0xd: {  	[smem:$0x3FAF] =	sst s5  }
0xe: {  	[smem:$0x3FB0] =	sst s6  }
0xf: {  	[smem:$0x3FB1] =	sst s7  }
0x10: {  	[smem:$0x3FB2] =	sst s8  }
0x11: {  	[smem:$0x3FB3] =	sst s9;
	s0 =	simm.s32 @!p0 $0x0  }
0x12: {  	s1 =	sld [smem:$0x3F99];
	s0 =	simm.s32 @p0 $0x1  }
0x13: {  	[smem:$0x3FB4] =	sst s0;
	s0 =	simm.s32 @!p1 $0x0  }
0x14: {  	s2 =	sld [smem:$0x3F98];
	s0 =	simm.s32 @p1 $0x1  }
0x15: {  	[smem:$0x3FB5] =	sst s0;
	s0 =	simm.s32 @!p2 $0x0  }
0x16: {  	s3 =	sld [smem:$0x3FDB];
	s0 =	simm.s32 @p2 $0x1  }
0x17: {  	s4 =	simm.s32 $0x1BF5;
	[smem:$0x3FB7] =	sst s0  }
0x18: {  	s0 =	sld [smem:$0x3F9A];
	_ =	swait.ge [sflag:s4], $0x0  }
0x19: {  	s7 =	sld [smem:$0x3F9B]  }
0x1a: {  	s8 =	sadd.s32 $0xFFFFE003, lr  }
0x1b: {  	s9 =	sadd.s32 $0xFFFFFEF7, lr;
	s5 =	simm.s32 $0xFFFFFFFF;
	p2 =	slt.u32 s8, $0xFFFFF086  }
0x1c: {  	p1 =	slt.u32 s9, $0xF7A;
	s5 =	simm.s32 @!p2 $0x0  }
0x1d: {  	s5 =	simm.s32 @p1 $0x1;
	p0 =	seq.s32 s7, s2  }
0x1e: {  	s7 =	smul.u32 @!p0 $0xF7A, s2;
	p2 =	seq.s32 @!p0 s5, $0x0  }
0x1f: {  	s9 =	smul.u32 $0xF7A, s1;
	s8 =	simm.s32 @!p0 $0x1BF5;
	p2 =	por !p2, p0  }
0x20: {  	[sflag:s8] =	ssyncset.s32 @!p0 $0xFFFFF086;
	s6 =	sadd.s32 @!p0 s3, s7;
	s7 =	simm.s32 @!p0 $0x108  }
0x21: {  	s3 =	sadd.s32 s3, s9;
	s6 =	sadd.s32 @!p0 $0x88, s6;
	s7 =	simm.s32 @p2 $0x1082  }
0x22: {  	[simem:s7], [sflag:s8] =	dma.local @!p0 [hbm:s6], $0xF7A  }
0x23: {  	s9 =	sor.u32 $0xD0000000, s2;
	s6 =	simm.s32 $0x108;
	_ =	swait.ge @!p0 [sflag:s8], $0x0  }
0x24: {  	s3 =	sadd.s32 $0x88, s3;
	s6 =	simm.s32 @!p1 $0x1082;
	[sflag:s4] =	ssyncset.s32 $0xFFFFF086  }
0x25: {  	[simem:s6], [sflag:s4] =	dma.local [hbm:s3], $0xF7A  }
0x26: {  	[smem:$0x3F9B] =	sst s1;
	(tag) =	ssettag s2;
	_ =	strace s9  }
0x27: {  	s1 =	sld [smem:$0x3FAB]  }
0x28: {  	s2 =	sld [smem:$0x3FAC]  }
0x29: {  	s4 =	sld [smem:$0x3FAE]  }
0x2a: {  	p0 =	seq.s32 s5, $0x0;
	s5 =	sld [smem:$0x3FAF]  }
0x2b: {  	s6 =	sld [smem:$0x3FB0]  }
0x2c: {  	s7 =	sld [smem:$0x3FB1]  }
0x2d: {  	s3 =	simm.s32 $0x108;
	s8 =	sld [smem:$0x3FB2]  }
0x2e: {  	s3 =	simm.s32 @!p0 $0x1082;
	s9 =	sld [smem:$0x3FB3]  }
0x2f: {  	lr =	sadd.s32 s0, s3;
	s0 =	sld [smem:$0x3FAA]  }
0x30: {  	s3 =	sld [smem:$0x3FAD]  }
0x31: {  	[smem:$0x3FB6] =	sst s10  }
0x32: {  	s10 =	sld [smem:$0x3FB4];
	_ =	sdelay $0x3  }
0x33: {  	p0 =	seq.s32 s10, $0x1;
	s10 =	sld [smem:$0x3FB6];
	_ =	sdelay $0x3  }
0x34: {  	[smem:$0x3FB6] =	sst s10  }
0x35: {  	s10 =	sld [smem:$0x3FB5];
	_ =	sdelay $0x3  }
0x36: {  	p1 =	seq.s32 s10, $0x1;
	s10 =	sld [smem:$0x3FB6];
	_ =	sdelay $0x3  }
0x37: {  	[smem:$0x3FB6] =	sst s10  }
0x38: {  	s10 =	sld [smem:$0x3FB7]  }
0x39: {  	_ = 	snop;
	(pc) =	sbr.ind lr, $3  }
0x3a: {  	_ = 	snop  }
0x3b: {  	_ = 	snop  }
0x3c: {  	p2 =	seq.s32 s10, $0x1;
	s10 =	sld [smem:$0x3FB6]  }
0x3d: {  	_ =	shalt  }
0x3e: {  	_ =	shalt  }
0x3f: {  	_ =	shalt  }
0x40: {  	_ =	shalt  }
0x41: {  	_ =	shalt  }
0x42: {  	_ =	shalt  }
0x43: {  	_ =	shalt  }
0x44: {  	_ =	shalt  }
0x45: {  	_ =	shalt  }
0x46: {  	_ =	shalt  }
0x47: {  	_ =	shalt  }
0x48: {  	_ =	shalt  }
0x49: {  	_ =	shalt  }
0x4a: {  	_ =	shalt  }
0x4b: {  	_ =	shalt  }
0x4c: {  	_ =	shalt  }
0x4d: {  	_ =	shalt  }
0x4e: {  	_ =	shalt  }
0x4f: {  	_ =	shalt  }
0x50: {  	_ =	shalt  }
0x51: {  	_ =	shalt  }
0x52: {  	_ =	shalt  }
0x53: {  	_ =	shalt  }
0x54: {  	_ =	shalt  }
0x55: {  	_ =	shalt  }
0x56: {  	_ =	shalt  }
0x57: {  	_ =	shalt  }
0x58: {  	_ =	shalt  }
0x59: {  	_ =	shalt  }
0x5a: {  	_ =	shalt  }
0x5b: {  	_ =	shalt  }
0x5c: {  	_ =	shalt  }
0x5d: {  	_ =	shalt  }
0x5e: {  	_ =	shalt  }
0x5f: {  	_ =	shalt  }
0x60: {  	_ =	shalt  }
0x61: {  	_ =	shalt  }
0x62: {  	_ =	shalt  }
0x63: {  	_ =	shalt  }
0x64: {  	_ =	shalt  }
0x65: {  	_ =	shalt  }
0x66: {  	_ =	shalt  }
0x67: {  	_ =	shalt  }
0x68: {  	_ =	shalt  }
0x69: {  	_ =	shalt  }
0x6a: {  	_ =	shalt  }
0x6b: {  	_ =	shalt  }
0x6c: {  	_ =	shalt  }
0x6d: {  	_ =	shalt  }
0x6e: {  	_ =	shalt  }
0x6f: {  	_ =	shalt  }
0x70: {  	_ =	shalt  }
0x71: {  	_ =	shalt  }
0x72: {  	_ =	shalt  }
0x73: {  	_ =	shalt  }
0x74: {  	_ =	shalt  }
0x75: {  	_ =	shalt  }
0x76: {  	_ =	shalt  }
0x77: {  	_ =	shalt  }
0x78: {  	_ =	shalt  }
0x79: {  	_ =	shalt  }
0x7a: {  	_ =	shalt  }
0x7b: {  	_ =	shalt  }
0x7c: {  	_ =	shalt  }
0x7d: {  	_ =	shalt  }
0x7e: {  	_ =	shalt  }
0x7f: {  	_ =	shalt  }
0x80: {  	_ =	shalt  }
0x81: {  	_ =	shalt  }
0x82: {  	_ =	shalt  }
0x83: {  	_ =	shalt  }
0x84: {  	_ =	shalt  }
0x85: {  	_ =	shalt  }
0x86: {  	_ =	shalt  }
0x87: {  	_ =	shalt  }
.Lfunc_end0:
.L_simem_size_0:
called_computation.1_lowered:
.L_overlay_start_0:
0x88: {  	s2 =	sld [smem:$0x3FD9]  }
0x89: {  	s3 =	sld [smem:$0x3FFE];
	_ =	sdelay $0x1  }
0x8a: {  	s1 =	srdreg.scid  }
0x8b: {  	s0 =	sand.u32 $0x1, s1  }
0x8c: {  	s16 =	sshll.u32 s0, $0xA;
	s2 =	sadd.s32 s3, s2  }
0x8d: {  	s2 =	sadd.s32 s2, s16  }
0x8e: {  	[smem:$0x3FC2] =	sst s2  }
0x8f: {  	_ = 	snop  }
0x90: {  	(tm) =	ssettm $0x1  }
0x91: {  	s17 =	sld [smem:$0x3FFB];
	_ =	sdelay $0x3  }
0x92: {  	_ =	strace s17  }
0x93: {  	s2 =	sld [smem:$0x3FFC];
	_ =	sdelay $0x3  }
0x94: {  	_ =	strace s2  }
0x95: {  	s2 =	sld [smem:$0x3FFD];
	_ =	sdelay $0x3  }
0x96: {  	_ =	strace s2  }
0x97: {  	_ =	strace $0x8FFFFFFF  }
0x98: {  	s18 =	sld [smem:$0x3FDB];
	_ =	sdelay $0x1  }
0x99: {  	s19 =	simm.s32 $_scs_section_size  }
0x9a: {  	s4 =	simm.s32 $_size__tile_overlayer_lowered;
	s5 =	simm.s32 $_tile_overlayer_lowered  }
0x9b: {  	s22 =	simm.s32 $0x1BFF;
	s21 =	sshll.u32 s5, $0x1;
	s2 =	sadd.s32 s19, s18  }
0x9c: {  	s6 =	simm.s32 $0x0;
	s20 =	sshll.u32 s4, $0x1;
	s4 =	sadd.s32 s21, s2  }
0x9d: {  	[timem:s6], [sflag:s22] =	dma.local [hbm:s4], s20  }
0x9e: {  	_ =	swait.ge [sflag:s22], s20  }
0x9f: {  	s3 =	ssub.s32 $0x0, s20;
	[sflag:s22] =	ssyncset.done $0x0  }
0xa0: {  	[sflag:s22] =	ssyncadd.s32 s3;
	_ =	sdelay $0x1  }
0xa1: {  	s23 =	simm.s32 $0x1B8B  }
0xa2: {  	_ =	swait.ge [sflag:s23], $0x1  }
0xa3: {  	[sflag:s23] =	ssyncset.done $0x0  }
0xa4: {  	s25 =	simm.s32 $0x1B8E;
	s24 =	sld [smem:$0x3FFE];
	[sflag:s23] =	ssyncadd.s32 $0xFFFFFFFF  }
0xa5: {  	s26 =	simm.s32 $execute0_lowered;
	[smem:$0x3FD2] =	sst s25  }
0xa6: {  	s4 =	sshll.u32 s26, $0x1;
	_ =	strace $0x80000049;
	[dreg:$0x1] =	wrdreg $0xFFFFFFFF  }
0xa7: {  	s28 =	simm.s32 $_size_execute0_lowered;
	s2 =	sadd.s32 s2, s4;
	[dreg:$0x0] =	wrdreg $0x0  }
0xa8: {  	s4 =	sshll.u32 s28, $0x1;
	[dreg:$0x2] =	wrdreg s2  }
0xa9: {  	[dreg:$0x3] =	wrdreg s4  }
0xaa: {  	[dreg:$0x4] =	wrdreg $0xC0  }
0xab: {  	_ =	task [dreg:s6], $0x5FFFF  }
0xac: {  	[dreg:$0x1] =	wrdreg $0xFFFFFFFF  }
0xad: {  	[dreg:$0x0] =	wrdreg $0x60  }
0xae: {  	[dreg:$0x2] =	wrdreg s24  }
0xaf: {  	[dreg:$0x3] =	wrdreg $0x94000  }
0xb0: {  	[dreg:$0x4] =	wrdreg $0x9  }
0xb1: {  	_ =	task.clear_ibuf [dreg:s6], $0x5FFFF;
	_ =	strace $0x90000049  }
0xb2: {  	s29 =	simm.s32 $0x9;
	_ =	strace $0x8000004B  }
0xb3: {  	_ =	swait.ge [sflag:s29], $0x1  }
0xb4: {  	[sflag:s29] =	ssyncadd.s32 $0xFFFFFFFF  }
0xb5: {  	_ =	strace $0x9000004B  }
0xb6: {  	_ =	sfence  }
0xb7: {  	s30 =	sld [smem:$0x0];
	_ =	sdelay $0x2  }
0xb8: {  	s31 =	sshll.u32 s1, $0xD;
	s1 =	sshrl.u32 s1, $0x2  }
0xb9: {  	s3 =	sand.u32 $0x4000, s31;
	s1 =	sadd.s32 s1, s30  }
0xba: {  	s0 =	sor.u32 s3, s0;
	s1 =	sshll.u32 s1, $0x11  }
0xbb: {  	s0 =	sor.u32 s1, s0  }
0xbc: {  	s0 =	sadd.s32 $0x8F2B, s0  }
0xbd: {  	[sflag:s0] =	ssyncadd.remote.s32 $0x1  }
0xbe: {  	_ =	sfence.sel $0xFFFF  }
0xbf: {  	[dreg:$0x0] =	wrdreg $0xFFFFFFFF;
	(pc) =	sbr.abs _section_cstart, $3  }
0xc0: {  	[dreg:$0x1] =	wrdreg $0xFFFFFFFF  }
0xc1: {  	_ =	task.clear_ibuf [dreg:s6], $0x2FFFF;
	_ =	strace $0x9FFFFFFF  }
0xc2: {  	(tm) =	ssettm $0x7FFFFFFF  }
0xc3: {  	_ =	shalt  }
tec
execute0_lowered:
.L_overlay_start_1:
0x0: {  	(tag) =	ssettag $0x1  }
0x1: {  	s0 =	rddreg [dreg:$0x0]  }
0x2: {  	s2 =	rddreg [dreg:$0x1];
	s3 =	simm.s32 $0x0  }
0x3: {  	s12 =	stileid.u32;
	s1 =	srdreg.scid;
	s14 =	simm.s32 $0x9  }
0x4: {  	s15 =	simm.s32 $0xA00;
	s16 =	simm.s32 $0x40;
	s17 =	simm.s32 $0x1400  }
0x5: {  	s18 =	simm.s32 $0x3400;
	s20 =	simm.s32 $0x5400;
	s22 =	simm.s32 $0x7400  }
0x6: {  	s28 =	simm.s32 $0x100;
	s29 =	simm.s32 $0x3;
	s30 =	simm.s32 $0x6  }
0x7: {  	s31 =	simm.s32 $0xA80;
	s13 =	simm.s32 $0x0;
	[smem:$0x7FF] =	sst s3  }
0x8: {  	s6 =	smul.u32 $0x14000, s12;
	s1 =	sand.u32 $0x1, s1;
	s4 =	sadd.s32 $0x2AA00, s0  }
0x9: {  	s5 =	sadd.s32 $0x16A00, s0;
	s23 =	smul.u32 $0xA0, s12;
	s24 =	sshll.u32 s12, $0x6  }
0xa: {  	s12 =	simm.s32 $0x8;
	_ =	strace $0x8000004A;
	s7 =	smul.u32 $0x140000, s1  }
0xb: {  	s9 =	ssub.s32 $0x2, s1;
	s1 =	smul.u32 $0xA00, s1;
	s8 =	sshrl.u32 s6, $0x3  }
0xc: {  	[dreg:$0x4] =	wrdreg s24;
	s10 =	sshrl.u32 s9, $0x1;
	s8 =	sadd.s32 s8, s0  }
0xd: {  	s7 =	sadd.s32 s6, s7;
	s11 =	ssub.s32 s9, s10;
	s6 =	sadd.s32 s6, s2  }
0xe: {  	s9 =	sadd.s32 s23, s1;
	s10 =	sadd.s32 $0x20A00, s0;
	s23 =	simm.s32 $0x1  }
0xf: {  	s1 =	simm.s32 $0x4;
	s7 =	sshrl.u32 s7, $0x3;
	s8 =	sadd.s32 $0x52A00, s8  }
0x10: {  	s26 =	smax.u32 s11, $0x1;
	s19 =	sshrl.u32 s6, $0x3;
	s6 =	simm.s32 $0x7  }
.Ltmp0:
0x11: {  	s11 =	simm.s32 $0x180;
	[dreg:$0x3] =	wrdreg s8;
	(pc) =	sbr.rel .LBB2_1-.Ltmp0, $4  }
0x12: {  	s7 =	sadd.s32 s7, s0;
	s8 =	sor.u32 $0x1C01, s24;
	[dreg:$0x7] =	wrdreg s26  }
0x13: {  	s24 =	simm.s32 $0x2;
	s26 =	simm.s32 $0xA40;
	[dreg:$0x8] =	wrdreg s19  }
0x14: {  	s0 =	simm.s32 $0x140;
	[dreg:$0x5] =	wrdreg s8;
	s25 =	sadd.s32 $0x7AA00, s7  }
0x15: {  	s8 =	simm.s32 $0xAC0;
	[dreg:$0x6] =	wrdreg s25;
	s25 =	simm.s32 $0x5  }
.LBB2_6:
0x16: {  	[bflag:$0x0] =	sbarrier.arrive $0xFFFF  }
0x17: {  	s7 =	rddreg [dreg:$0x4]  }
0x18: {  	s13 =	rddreg [dreg:$0x6]  }
0x19: {  	s19 =	rddreg [dreg:$0x8];
	s7 =	sor.u32 $0x1C09, s7  }
0x1a: {  	[hbm:s13], [sflag:s7] =	dma.local [spmem:s19], $0x2800  }
0x1b: {  	_ =	swait.ge [sflag:s14], $0x2800  }
0x1c: {  	s7 =	rddreg [dreg:$0x9]  }
0x1d: {  	s21 =	rddreg [dreg:$0x7];
	s13 =	sadd.s32 $0x1, s7  }
0x1e: {  	p0 =	sne.s32 s13, s21  }
.Ltmp1:
0x1f: {  	_ = 	snop;
	(pc) =	sbr.rel @!p0 .LBB2_7-.Ltmp1, $3  }
0x20: {  	_ =	sdelay $0x1  }
0x21: {  	[sflag:s14] =	ssyncset.done $0x0  }
0x22: {  	[sflag:s14] =	ssyncadd.s32 $0xFFFFD800  }
.LBB2_1:
.Ltmp2:
0x23: {  	(pc) =	sbr.rel .LBB2_2-.Ltmp2, $4  }
0x24: {  	[dreg:$0x9] =	wrdreg s13  }
0x25: {  	s7 =	rddreg [dreg:$0x3]  }
0x26: {  	s21 =	rddreg [dreg:$0x5];
	s13 =	simm.s32 $0x0  }
0x27: {  	[spmem:s19], [sflag:s21] =	dma.local [hbm:s7], $0x2800  }
.LBB2_5:
0x28: {  	_ =	swait.ge [sflag:s29], $0x2000  }
0x29: {  	[sflag:s29] =	ssyncset.done $0x0  }
0x2a: {  	[sflag:s29] =	ssyncadd.s32 $0xFFFFE000  }
0x2b: {  	_ =	swait.ge [sflag:s30], $0x2000  }
0x2c: {  	[sflag:s30] =	ssyncset.done $0x0  }
0x2d: {  	s7 =	sadd.s32 $0xB80, s19;
	[sflag:s30] =	ssyncadd.s32 $0xFFFFE000  }
0x2e: {  	[spmem:s2] =	stream.indirect.scatter.add.f32 [tilespmem:s20], [sflag:$0x7], $0x80, s7, s16, $0xb8;
	[tilespmem:$0x1D400] =	vst v63  }
0x2f: {  	_ =	swait.ge [sflag:s1], $0x2000  }
0x30: {  	[sflag:s1] =	ssyncset.done $0x0  }
0x31: {  	[sflag:s1] =	ssyncadd.s32 $0xFFFFE000  }
0x32: {  	s13 =	sadd.s32 $0x1, s13;
	_ =	swait.ge [sflag:s6], $0x2000  }
0x33: {  	p0 =	sne.s32 s13, $0x4;
	[sflag:s6] =	ssyncset.done $0x0  }
.Ltmp3:
0x34: {  	s21 =	sadd.s32 $0xBC0, s19;
	[sflag:s6] =	ssyncadd.s32 $0xFFFFE000;
	(pc) =	sbr.rel @!p0 .LBB2_6-.Ltmp3, $4  }
0x35: {  	[spmem:s2] =	stream.indirect.scatter.add.f32 [tilespmem:s22], [sflag:$0x8], $0x80, s21, s16, $0xb8;
	[tilespmem:$0x1D400] =	vst v63  }
0x36: {  	_ =	swait.ge [sflag:s12], $0x2000  }
0x37: {  	[sflag:s12] =	ssyncset.done $0x0  }
0x38: {  	[sflag:s12] =	ssyncadd.s32 $0xFFFFE000  }
.LBB2_2:
0x39: {  	s7 =	smul.u32 $0x28, s13;
	_ =	sdelay $0x1  }
0x3a: {  	s7 =	sadd.s32 s7, s9  }
0x3b: {  	s7 =	sshll.u32 s7, $0x3  }
0x3c: {  	s19 =	sadd.s32 s5, s7  }
0x3d: {  	[tilespmem:s3], [sflag:$0x9] =	stream.linear.gather [hbm4b:s19+s3], $0xA00, $0x38;
	[tilespmem:$0x1D400] =	vst v63  }
0x3e: {  	_ =	swait.ge [sflag:s14], $0xA00  }
0x3f: {  	[sflag:s14] =	ssyncset.done $0x0  }
0x40: {  	s7 =	sadd.s32 s7, s10;
	[sflag:s14] =	ssyncadd.s32 $0xFFFFF600  }
0x41: {  	[tilespmem:s15], [sflag:$0x9] =	stream.linear.gather [hbm4b:s7+s3], $0xA00, $0x38;
	[tilespmem:$0x1D400] =	vst v63  }
0x42: {  	_ =	swait.ge [sflag:s14], $0xA00  }
0x43: {  	p0 =	sne.s32 s13, $0x0;
	[sflag:s14] =	ssyncset.done $0x0  }
0x44: {  	s7 =	simm.s32 @!p0 $0x1;
	[sflag:s14] =	ssyncadd.s32 $0xFFFFF600  }
0x45: {  	_ =	swait.ge @!p0 [sflag:s7], $0x2800  }
0x46: {  	[sflag:s7] =	ssyncset.done @!p0 $0x0  }
0x47: {  	[sflag:s7] =	ssyncadd.s32 @!p0 $0xFFFFD800  }
0x48: {  	s7 =	simm.s32 $0x0;
	[bflag:$0x0] =	sbarrier.arrive @!p0 $0xFFFF  }
0x49: {  	[tilespmem:s17], [sflag:$0x1] =	stream.indirect.gather [hbm4b:s4+s16], $0x80, s7, s16, $0xb8;
	[tilespmem:$0x1D400] =	vst v63  }
0x4a: {  	_ = 	snop  }
0x4b: {  	[tilespmem:s18], [sflag:$0x2] =	stream.indirect.gather [hbm4b:s4+s16], $0x80, s16, s16, $0xb8;
	[tilespmem:$0x1D400] =	vst v63  }
0x4c: {  	s21 =	simm.s32 $0x80  }
0x4d: {  	[tilespmem:s20], [sflag:$0x3] =	stream.indirect.gather [hbm4b:s4+s16], $0x80, s21, s16, $0xb8;
	[tilespmem:$0x1D400] =	vst v63  }
0x4e: {  	s21 =	simm.s32 $0xC0  }
0x4f: {  	[tilespmem:s22], [sflag:$0x4] =	stream.indirect.gather [hbm4b:s4+s16], $0x80, s21, s16, $0xb8;
	[tilespmem:$0x1D400] =	vst v63  }
0x50: {  	_ =	swait.ge [sflag:s23], $0x2000  }
0x51: {  	[sflag:s23] =	ssyncset.done $0x0  }
0x52: {  	[sflag:s23] =	ssyncadd.s32 $0xFFFFE000  }
0x53: {  	[spmem:s2] =	stream.indirect.scatter.add.f32 [tilespmem:s17], [sflag:$0x5], $0x80, s15, s16, $0xb8;
	[tilespmem:$0x1D400] =	vst v63  }
0x54: {  	_ =	swait.ge [sflag:s24], $0x2000  }
0x55: {  	[sflag:s24] =	ssyncset.done $0x0  }
0x56: {  	[sflag:s24] =	ssyncadd.s32 $0xFFFFE000  }
0x57: {  	_ =	swait.ge [sflag:s25], $0x2000  }
0x58: {  	[sflag:s25] =	ssyncset.done $0x0  }
0x59: {  	[sflag:s25] =	ssyncadd.s32 $0xFFFFE000  }
0x5a: {  	[spmem:s2] =	stream.indirect.scatter.add.f32 [tilespmem:s18], [sflag:$0x6], $0x80, s26, s16, $0xb8;
	[tilespmem:$0x1D400] =	vst v63  }
0x5b: {  	_ = 	snop  }
0x5c: {  	[tilespmem:s17], [sflag:$0x1] =	stream.indirect.gather [hbm4b:s4+s16], $0x80, s28, s16, $0xb8;
	[tilespmem:$0x1D400] =	vst v63  }
0x5d: {  	_ =	swait.ge [sflag:s29], $0x2000  }
0x5e: {  	[sflag:s29] =	ssyncset.done $0x0  }
0x5f: {  	[sflag:s29] =	ssyncadd.s32 $0xFFFFE000  }
0x60: {  	_ =	swait.ge [sflag:s30], $0x2000  }
0x61: {  	[sflag:s30] =	ssyncset.done $0x0  }
0x62: {  	[sflag:s30] =	ssyncadd.s32 $0xFFFFE000  }
0x63: {  	[spmem:s2] =	stream.indirect.scatter.add.f32 [tilespmem:s20], [sflag:$0x7], $0x80, s31, s16, $0xb8;
	[tilespmem:$0x1D400] =	vst v63  }
0x64: {  	_ = 	snop  }
0x65: {  	[tilespmem:s18], [sflag:$0x2] =	stream.indirect.gather [hbm4b:s4+s16], $0x80, s0, s16, $0xb8;
	[tilespmem:$0x1D400] =	vst v63  }
0x66: {  	_ =	swait.ge [sflag:s1], $0x2000  }
0x67: {  	[sflag:s1] =	ssyncset.done $0x0  }
0x68: {  	[sflag:s1] =	ssyncadd.s32 $0xFFFFE000  }
0x69: {  	_ =	swait.ge [sflag:s6], $0x2000  }
0x6a: {  	[sflag:s6] =	ssyncset.done $0x0  }
0x6b: {  	[sflag:s6] =	ssyncadd.s32 $0xFFFFE000  }
0x6c: {  	[spmem:s2] =	stream.indirect.scatter.add.f32 [tilespmem:s22], [sflag:$0x8], $0x80, s8, s16, $0xb8;
	[tilespmem:$0x1D400] =	vst v63  }
0x6d: {  	_ = 	snop  }
0x6e: {  	[tilespmem:s20], [sflag:$0x3] =	stream.indirect.gather [hbm4b:s4+s16], $0x80, s11, s16, $0xb8;
	[tilespmem:$0x1D400] =	vst v63  }
.LBB2_3:
0x6f: {  	_ =	swait.ge [sflag:s23], $0x2000  }
0x70: {  	[sflag:s23] =	ssyncset.done $0x0  }
0x71: {  	[sflag:s23] =	ssyncadd.s32 $0xFFFFE000  }
0x72: {  	_ =	swait.ge [sflag:s12], $0x2000  }
0x73: {  	s19 =	sshra.s32 s7, $0x2;
	[sflag:s12] =	ssyncset.done $0x0  }
0x74: {  	s21 =	sadd.s32 $0xB00, s19;
	[sflag:s12] =	ssyncadd.s32 $0xFFFFE000  }
0x75: {  	[spmem:s2] =	stream.indirect.scatter.add.f32 [tilespmem:s17], [sflag:$0x5], $0x80, s21, s16, $0xb8;
	[tilespmem:$0x1D400] =	vst v63  }
0x76: {  	s21 =	sadd.s32 $0x1C0, s19  }
0x77: {  	[tilespmem:s22], [sflag:$0x4] =	stream.indirect.gather [hbm4b:s4+s16], $0x80, s21, s16, $0xb8;
	[tilespmem:$0x1D400] =	vst v63  }
0x78: {  	_ =	swait.ge [sflag:s24], $0x2000  }
0x79: {  	p0 =	seq.s32 s7, $0x2000;
	[sflag:s24] =	ssyncset.done $0x0  }
.Ltmp4:
0x7a: {  	[sflag:s24] =	ssyncadd.s32 $0xFFFFE000;
	(pc) =	sbr.rel @p0 .LBB2_5-.Ltmp4, $4  }
0x7b: {  	_ =	swait.ge [sflag:s25], $0x2000  }
0x7c: {  	[sflag:s25] =	ssyncset.done $0x0  }
0x7d: {  	s21 =	sadd.s32 $0xB40, s19;
	[sflag:s25] =	ssyncadd.s32 $0xFFFFE000  }
0x7e: {  	[spmem:s2] =	stream.indirect.scatter.add.f32 [tilespmem:s18], [sflag:$0x6], $0x80, s21, s16, $0xb8;
	[tilespmem:$0x1D400] =	vst v63  }
0x7f: {  	s21 =	sadd.s32 $0x200, s19  }
0x80: {  	[tilespmem:s17], [sflag:$0x1] =	stream.indirect.gather [hbm4b:s4+s16], $0x80, s21, s16, $0xb8;
	[tilespmem:$0x1D400] =	vst v63  }
0x81: {  	_ =	swait.ge [sflag:s29], $0x2000  }
0x82: {  	[sflag:s29] =	ssyncset.done $0x0  }
0x83: {  	[sflag:s29] =	ssyncadd.s32 $0xFFFFE000  }
0x84: {  	_ =	swait.ge [sflag:s30], $0x2000  }
0x85: {  	[sflag:s30] =	ssyncset.done $0x0  }
0x86: {  	s21 =	sadd.s32 $0xB80, s19;
	[sflag:s30] =	ssyncadd.s32 $0xFFFFE000  }
0x87: {  	[spmem:s2] =	stream.indirect.scatter.add.f32 [tilespmem:s20], [sflag:$0x7], $0x80, s21, s16, $0xb8;
	[tilespmem:$0x1D400] =	vst v63  }
0x88: {  	s21 =	sadd.s32 $0x240, s19  }
0x89: {  	[tilespmem:s18], [sflag:$0x2] =	stream.indirect.gather [hbm4b:s4+s16], $0x80, s21, s16, $0xb8;
	[tilespmem:$0x1D400] =	vst v63  }
0x8a: {  	_ =	swait.ge [sflag:s1], $0x2000  }
0x8b: {  	[sflag:s1] =	ssyncset.done $0x0  }
0x8c: {  	[sflag:s1] =	ssyncadd.s32 $0xFFFFE000  }
0x8d: {  	_ =	swait.ge [sflag:s6], $0x2000  }
.Ltmp5:
0x8e: {  	[sflag:s6] =	ssyncset.done $0x0;
	(pc) =	sbr.rel .LBB2_3-.Ltmp5, $4  }
0x8f: {  	s21 =	sadd.s32 $0xBC0, s19;
	[sflag:s6] =	ssyncadd.s32 $0xFFFFE000  }
0x90: {  	[spmem:s2] =	stream.indirect.scatter.add.f32 [tilespmem:s22], [sflag:$0x8], $0x80, s21, s16, $0xb8;
	[tilespmem:$0x1D400] =	vst v63  }
0x91: {  	s7 =	sadd.s32 $0x400, s7;
	s21 =	sadd.s32 $0x280, s19  }
0x92: {  	[tilespmem:s20], [sflag:$0x3] =	stream.indirect.gather [hbm4b:s4+s16], $0x80, s21, s16, $0xb8;
	[tilespmem:$0x1D400] =	vst v63  }
.LBB2_7:
0x93: {  	_ =	sfence.sel $0x180000  }
0x94: {  	[bflag:$0x0] =	sbarrier.arrive $0xFFFF  }
0x95: {  	_ =	strace $0x9000004A  }
0x96: {  	s0 =	stileid.u32;
	[bflag:$0x2] =	sbarrier.arrive $0xFFFF  }
0x97: {  	p0 =	sne.s32 s0, $0x0;
	s0 =	rddreg [dreg:$0x2]  }
0x98: {  	s0 =	sadd.s32 @!p0 $0x100000, s0  }
0x99: {  	[sflag:s0] =	ssyncadd.tile.s32 @!p0 $0x1;
	_ =	shalt  }
.Lfunc_end2:
_tile_overlayer_lowered:
.L_overlay_start_2:
0x9a: {  	(tag) =	ssettag $0x2  }
0x9b: {  	s0 =	rddreg [dreg:$0x0];
	s2 =	stileid.u32  }
0x9c: {  	s1 =	rddreg [dreg:$0x1];
	p0 =	sne.s32 s2, $0x0  }
0x9d: {  	s3 =	rddreg [dreg:$0x2];
	[bflag:$0x3] =	sbarrier.arrive $0xFFFF;
	s2 =	simm.s32 @!p0 $0x1C09  }
0x9e: {  	[timem:s3], [sflag:s2] =	dma.local @!p0 [hbm:s0], s1  }
0x9f: {  	s0 =	simm.s32 @!p0 $0x9  }
0xa0: {  	_ =	swait.ge @!p0 [sflag:s0], s1  }
0xa1: {  	s1 =	ssub.s32 @!p0 $0x0, s1;
	[sflag:s0] =	ssyncset.done @!p0 $0x0  }
0xa2: {  	[sflag:s0] =	ssyncadd.s32 @!p0 s1  }
0xa3: {  	[bflag:$0x3] =	sbarrier.arrive $0xFFFF  }
0xa4: {  	_ =	shalt  }

// kernel: kernel.13.cloned.1.call-start
scs
__scs_entry_jumppad:
0x0: {  	(pc) =	sbr.rel $0x88, $3  }
0x1: {  	(tag) =	ssettag $0x0;
	lr =	simm.s32 $0x1  }
0x2: {  	[smem:$0x3F9B] =	sst lr;
	_ =	strace $0xD0000000  }
0x3: {  	_ = 	snop  }
0x4: {  	_ = 	snop  }
0x5: {  	_ = 	snop  }
0x6: {  	_ = 	snop  }
0x7: {  	_ = 	snop  }
__scs_overlays_trampoline_lowered:
0x8: {  	[smem:$0x3FAA] =	sst s0  }
0x9: {  	[smem:$0x3FAB] =	sst s1  }
0xa: {  	[smem:$0x3FAC] =	sst s2  }
0xb: {  	[smem:$0x3FAD] =	sst s3  }
0xc: {  	[smem:$0x3FAE] =	sst s4  }
0xd: {  	[smem:$0x3FAF] =	sst s5  }
0xe: {  	[smem:$0x3FB0] =	sst s6  }
0xf: {  	[smem:$0x3FB1] =	sst s7  }
0x10: {  	[smem:$0x3FB2] =	sst s8  }
0x11: {  	[smem:$0x3FB3] =	sst s9;
	s0 =	simm.s32 @!p0 $0x0  }
0x12: {  	s1 =	sld [smem:$0x3F99];
	s0 =	simm.s32 @p0 $0x1  }
0x13: {  	[smem:$0x3FB4] =	sst s0;
	s0 =	simm.s32 @!p1 $0x0  }
0x14: {  	s2 =	sld [smem:$0x3F98];
	s0 =	simm.s32 @p1 $0x1  }
0x15: {  	[smem:$0x3FB5] =	sst s0;
	s0 =	simm.s32 @!p2 $0x0  }
0x16: {  	s3 =	sld [smem:$0x3FDB];
	s0 =	simm.s32 @p2 $0x1  }
0x17: {  	s4 =	simm.s32 $0x1BF5;
	[smem:$0x3FB7] =	sst s0  }
0x18: {  	s0 =	sld [smem:$0x3F9A];
	_ =	swait.ge [sflag:s4], $0x0  }
0x19: {  	s7 =	sld [smem:$0x3F9B]  }
0x1a: {  	s8 =	sadd.s32 $0xFFFFE003, lr  }
0x1b: {  	s9 =	sadd.s32 $0xFFFFFEF7, lr;
	s5 =	simm.s32 $0xFFFFFFFF;
	p2 =	slt.u32 s8, $0xFFFFF086  }
0x1c: {  	p1 =	slt.u32 s9, $0xF7A;
	s5 =	simm.s32 @!p2 $0x0  }
0x1d: {  	s5 =	simm.s32 @p1 $0x1;
	p0 =	seq.s32 s7, s2  }
0x1e: {  	s7 =	smul.u32 @!p0 $0xF7A, s2;
	p2 =	seq.s32 @!p0 s5, $0x0  }
0x1f: {  	s9 =	smul.u32 $0xF7A, s1;
	s8 =	simm.s32 @!p0 $0x1BF5;
	p2 =	por !p2, p0  }
0x20: {  	[sflag:s8] =	ssyncset.s32 @!p0 $0xFFFFF086;
	s6 =	sadd.s32 @!p0 s3, s7;
	s7 =	simm.s32 @!p0 $0x108  }
0x21: {  	s3 =	sadd.s32 s3, s9;
	s6 =	sadd.s32 @!p0 $0x88, s6;
	s7 =	simm.s32 @p2 $0x1082  }
0x22: {  	[simem:s7], [sflag:s8] =	dma.local @!p0 [hbm:s6], $0xF7A  }
0x23: {  	s9 =	sor.u32 $0xD0000000, s2;
	s6 =	simm.s32 $0x108;
	_ =	swait.ge @!p0 [sflag:s8], $0x0  }
0x24: {  	s3 =	sadd.s32 $0x88, s3;
	s6 =	simm.s32 @!p1 $0x1082;
	[sflag:s4] =	ssyncset.s32 $0xFFFFF086  }
0x25: {  	[simem:s6], [sflag:s4] =	dma.local [hbm:s3], $0xF7A  }
0x26: {  	[smem:$0x3F9B] =	sst s1;
	(tag) =	ssettag s2;
	_ =	strace s9  }
0x27: {  	s1 =	sld [smem:$0x3FAB]  }
0x28: {  	s2 =	sld [smem:$0x3FAC]  }
0x29: {  	s4 =	sld [smem:$0x3FAE]  }
0x2a: {  	p0 =	seq.s32 s5, $0x0;
	s5 =	sld [smem:$0x3FAF]  }
0x2b: {  	s6 =	sld [smem:$0x3FB0]  }
0x2c: {  	s7 =	sld [smem:$0x3FB1]  }
0x2d: {  	s3 =	simm.s32 $0x108;
	s8 =	sld [smem:$0x3FB2]  }
0x2e: {  	s3 =	simm.s32 @!p0 $0x1082;
	s9 =	sld [smem:$0x3FB3]  }
0x2f: {  	lr =	sadd.s32 s0, s3;
	s0 =	sld [smem:$0x3FAA]  }
0x30: {  	s3 =	sld [smem:$0x3FAD]  }
0x31: {  	[smem:$0x3FB6] =	sst s10  }
0x32: {  	s10 =	sld [smem:$0x3FB4];
	_ =	sdelay $0x3  }
0x33: {  	p0 =	seq.s32 s10, $0x1;
	s10 =	sld [smem:$0x3FB6];
	_ =	sdelay $0x3  }
0x34: {  	[smem:$0x3FB6] =	sst s10  }
0x35: {  	s10 =	sld [smem:$0x3FB5];
	_ =	sdelay $0x3  }
0x36: {  	p1 =	seq.s32 s10, $0x1;
	s10 =	sld [smem:$0x3FB6];
	_ =	sdelay $0x3  }
0x37: {  	[smem:$0x3FB6] =	sst s10  }
0x38: {  	s10 =	sld [smem:$0x3FB7]  }
0x39: {  	_ = 	snop;
	(pc) =	sbr.ind lr, $3  }
0x3a: {  	_ = 	snop  }
0x3b: {  	_ = 	snop  }
0x3c: {  	p2 =	seq.s32 s10, $0x1;
	s10 =	sld [smem:$0x3FB6]  }
0x3d: {  	_ =	shalt  }
0x3e: {  	_ =	shalt  }
0x3f: {  	_ =	shalt  }
0x40: {  	_ =	shalt  }
0x41: {  	_ =	shalt  }
0x42: {  	_ =	shalt  }
0x43: {  	_ =	shalt  }
0x44: {  	_ =	shalt  }
0x45: {  	_ =	shalt  }
0x46: {  	_ =	shalt  }
0x47: {  	_ =	shalt  }
0x48: {  	_ =	shalt  }
0x49: {  	_ =	shalt  }
0x4a: {  	_ =	shalt  }
0x4b: {  	_ =	shalt  }
0x4c: {  	_ =	shalt  }
0x4d: {  	_ =	shalt  }
0x4e: {  	_ =	shalt  }
0x4f: {  	_ =	shalt  }
0x50: {  	_ =	shalt  }
0x51: {  	_ =	shalt  }
0x52: {  	_ =	shalt  }
0x53: {  	_ =	shalt  }
0x54: {  	_ =	shalt  }
0x55: {  	_ =	shalt  }
0x56: {  	_ =	shalt  }
0x57: {  	_ =	shalt  }
0x58: {  	_ =	shalt  }
0x59: {  	_ =	shalt  }
0x5a: {  	_ =	shalt  }
0x5b: {  	_ =	shalt  }
0x5c: {  	_ =	shalt  }
0x5d: {  	_ =	shalt  }
0x5e: {  	_ =	shalt  }
0x5f: {  	_ =	shalt  }
0x60: {  	_ =	shalt  }
0x61: {  	_ =	shalt  }
0x62: {  	_ =	shalt  }
0x63: {  	_ =	shalt  }
0x64: {  	_ =	shalt  }
0x65: {  	_ =	shalt  }
0x66: {  	_ =	shalt  }
0x67: {  	_ =	shalt  }
0x68: {  	_ =	shalt  }
0x69: {  	_ =	shalt  }
0x6a: {  	_ =	shalt  }
0x6b: {  	_ =	shalt  }
0x6c: {  	_ =	shalt  }
0x6d: {  	_ =	shalt  }
0x6e: {  	_ =	shalt  }
0x6f: {  	_ =	shalt  }
0x70: {  	_ =	shalt  }
0x71: {  	_ =	shalt  }
0x72: {  	_ =	shalt  }
0x73: {  	_ =	shalt  }
0x74: {  	_ =	shalt  }
0x75: {  	_ =	shalt  }
0x76: {  	_ =	shalt  }
0x77: {  	_ =	shalt  }
0x78: {  	_ =	shalt  }
0x79: {  	_ =	shalt  }
0x7a: {  	_ =	shalt  }
0x7b: {  	_ =	shalt  }
0x7c: {  	_ =	shalt  }
0x7d: {  	_ =	shalt  }
0x7e: {  	_ =	shalt  }
0x7f: {  	_ =	shalt  }
0x80: {  	_ =	shalt  }
0x81: {  	_ =	shalt  }
0x82: {  	_ =	shalt  }
0x83: {  	_ =	shalt  }
0x84: {  	_ =	shalt  }
0x85: {  	_ =	shalt  }
0x86: {  	_ =	shalt  }
0x87: {  	_ =	shalt  }
.Lfunc_end0:
.L_simem_size_0:
called_computation.2_lowered:
.L_overlay_start_0:
0x88: {  	s2 =	sld [smem:$0x3FD9]  }
0x89: {  	s3 =	sld [smem:$0x3FFE];
	_ =	sdelay $0x1  }
0x8a: {  	s1 =	srdreg.scid  }
0x8b: {  	s0 =	sand.u32 $0x1, s1  }
0x8c: {  	s16 =	sshll.u32 s0, $0xA;
	s2 =	sadd.s32 s3, s2  }
0x8d: {  	s2 =	sadd.s32 s2, s16  }
0x8e: {  	[smem:$0x3FC2] =	sst s2  }
0x8f: {  	_ = 	snop  }
0x90: {  	(tm) =	ssettm $0x1  }
0x91: {  	s17 =	sld [smem:$0x3FFB];
	_ =	sdelay $0x3  }
0x92: {  	_ =	strace s17  }
0x93: {  	s2 =	sld [smem:$0x3FFC];
	_ =	sdelay $0x3  }
0x94: {  	_ =	strace s2  }
0x95: {  	s2 =	sld [smem:$0x3FFD];
	_ =	sdelay $0x3  }
0x96: {  	_ =	strace s2  }
0x97: {  	_ =	strace $0x8FFFFFFF  }
0x98: {  	s18 =	sld [smem:$0x3FDB];
	_ =	sdelay $0x1  }
0x99: {  	s19 =	simm.s32 $_scs_section_size  }
0x9a: {  	s4 =	simm.s32 $_size__tile_overlayer_lowered;
	s5 =	simm.s32 $_tile_overlayer_lowered  }
0x9b: {  	s22 =	simm.s32 $0x1BFF;
	s21 =	sshll.u32 s5, $0x1;
	s2 =	sadd.s32 s19, s18  }
0x9c: {  	s6 =	simm.s32 $0x0;
	s20 =	sshll.u32 s4, $0x1;
	s4 =	sadd.s32 s21, s2  }
0x9d: {  	[timem:s6], [sflag:s22] =	dma.local [hbm:s4], s20  }
0x9e: {  	_ =	swait.ge [sflag:s22], s20  }
0x9f: {  	s3 =	ssub.s32 $0x0, s20;
	[sflag:s22] =	ssyncset.done $0x0  }
0xa0: {  	[sflag:s22] =	ssyncadd.s32 s3;
	_ =	sdelay $0x1  }
0xa1: {  	s23 =	simm.s32 $0x1B8B  }
0xa2: {  	_ =	swait.ge [sflag:s23], $0x1  }
0xa3: {  	[sflag:s23] =	ssyncset.done $0x0  }
0xa4: {  	s25 =	simm.s32 $0x1B8E;
	s24 =	sld [smem:$0x3FFE];
	[sflag:s23] =	ssyncadd.s32 $0xFFFFFFFF  }
0xa5: {  	s26 =	simm.s32 $execute0_lowered;
	[smem:$0x3FD2] =	sst s25  }
0xa6: {  	s4 =	sshll.u32 s26, $0x1;
	_ =	strace $0x8000004C;
	[dreg:$0x1] =	wrdreg $0xFFFFFFFF  }
0xa7: {  	s28 =	simm.s32 $_size_execute0_lowered;
	s2 =	sadd.s32 s2, s4;
	[dreg:$0x0] =	wrdreg $0x0  }
0xa8: {  	s4 =	sshll.u32 s28, $0x1;
	[dreg:$0x2] =	wrdreg s2  }
0xa9: {  	[dreg:$0x3] =	wrdreg s4  }
0xaa: {  	[dreg:$0x4] =	wrdreg $0xC0  }
0xab: {  	_ =	task [dreg:s6], $0x5FFFF  }
0xac: {  	[dreg:$0x1] =	wrdreg $0xFFFFFFFF  }
0xad: {  	[dreg:$0x0] =	wrdreg $0x60  }
0xae: {  	[dreg:$0x2] =	wrdreg s24  }
0xaf: {  	[dreg:$0x3] =	wrdreg $0xD0000  }
0xb0: {  	[dreg:$0x4] =	wrdreg $0x9  }
0xb1: {  	_ =	task.clear_ibuf [dreg:s6], $0x5FFFF;
	_ =	strace $0x9000004C  }
0xb2: {  	s29 =	simm.s32 $0x9;
	_ =	strace $0x8000004E  }
0xb3: {  	_ =	swait.ge [sflag:s29], $0x1  }
0xb4: {  	[sflag:s29] =	ssyncadd.s32 $0xFFFFFFFF  }
0xb5: {  	_ =	strace $0x9000004E  }
0xb6: {  	_ =	sfence  }
0xb7: {  	s30 =	sld [smem:$0x0];
	_ =	sdelay $0x2  }
0xb8: {  	s31 =	sshll.u32 s1, $0xD;
	s1 =	sshrl.u32 s1, $0x2  }
0xb9: {  	s3 =	sand.u32 $0x4000, s31;
	s1 =	sadd.s32 s1, s30  }
0xba: {  	s0 =	sor.u32 s3, s0;
	s1 =	sshll.u32 s1, $0x11  }
0xbb: {  	s0 =	sor.u32 s1, s0  }
0xbc: {  	s0 =	sadd.s32 $0x8F2B, s0  }
0xbd: {  	[sflag:s0] =	ssyncadd.remote.s32 $0x1  }
0xbe: {  	_ =	sfence.sel $0xFFFF  }
0xbf: {  	[dreg:$0x0] =	wrdreg $0xFFFFFFFF;
	(pc) =	sbr.abs _section_cstart, $3  }
0xc0: {  	[dreg:$0x1] =	wrdreg $0xFFFFFFFF  }
0xc1: {  	_ =	task.clear_ibuf [dreg:s6], $0x2FFFF;
	_ =	strace $0x9FFFFFFF  }
0xc2: {  	(tm) =	ssettm $0x7FFFFFFF  }
0xc3: {  	_ =	shalt  }
tec
execute0_lowered:
.L_overlay_start_1:
0x0: {  	(tag) =	ssettag $0x1  }
0x1: {  	s0 =	srdreg.scid  }
0x2: {  	s1 =	rddreg [dreg:$0x0];
	s10 =	stileid.u32  }
0x3: {  	s2 =	rddreg [dreg:$0x1];
	s3 =	simm.s32 $0x0;
	s13 =	simm.s32 $0x9  }
0x4: {  	s14 =	simm.s32 $0x2800;
	s15 =	simm.s32 $0x1;
	s16 =	simm.s32 $0x80  }
0x5: {  	s17 =	simm.s32 $0x5000;
	s18 =	simm.s32 $0x7000;
	s20 =	simm.s32 $0x9000  }
0x6: {  	s22 =	simm.s32 $0xB000;
	s23 =	simm.s32 $0x2;
	s24 =	simm.s32 $0x5  }
0x7: {  	s28 =	simm.s32 $0x3;
	s29 =	simm.s32 $0x6;
	s5 =	smul.u32 $0x50, s10  }
0x8: {  	s21 =	simm.s32 $0x300;
	s0 =	sand.u32 $0x1, s0;
	s6 =	smul.u32 $0xA000, s10  }
0x9: {  	s25 =	simm.s32 $0x8;
	s26 =	simm.s32 $0x0;
	s4 =	smul.u32 $0x500, s0  }
0xa: {  	[smem:$0x7FF] =	sst s3;
	s7 =	smul.u32 $0xA0000, s0;
	s0 =	ssub.s32 $0x2, s0  }
0xb: {  	_ =	strace $0x8000004D;
	s31 =	sshrl.u32 s6, $0x3;
	s8 =	sshrl.u32 s0, $0x1  }
0xc: {  	s12 =	sadd.s32 s6, s2;
	s5 =	sadd.s32 s5, s4;
	s4 =	sadd.s32 $0x2400, s1  }
0xd: {  	s30 =	sadd.s32 s6, s7;
	s7 =	sadd.s32 s31, s1;
	s0 =	ssub.s32 s0, s8  }
.Ltmp0:
0xe: {  	s6 =	sshll.u32 s10, $0x6;
	s5 =	sshll.u32 s5, $0x4;
	(pc) =	sbr.rel .LBB2_1-.Ltmp0, $4  }
0xf: {  	s12 =	sshrl.u32 s12, $0x3;
	s9 =	sadd.s32 s5, s1;
	s5 =	sshrl.u32 s30, $0x3  }
0x10: {  	s11 =	smax.u32 s0, $0x1;
	s0 =	simm.s32 $0x7;
	s1 =	sadd.s32 s5, s1  }
0x11: {  	s5 =	sadd.s32 $0x2AA00, s7;
	s7 =	sor.u32 $0x1C01, s6;
	s8 =	sadd.s32 $0x16A00, s9  }
0x12: {  	s9 =	sadd.s32 $0x20A00, s9;
	s10 =	sadd.s32 $0x3EA00, s1;
	s1 =	simm.s32 $0x4  }
.LBB2_4:
0x13: {  	_ =	swait.ge [sflag:s28], $0x2000  }
0x14: {  	[sflag:s28] =	ssyncset.done $0x0  }
0x15: {  	[sflag:s28] =	ssyncadd.s32 $0xFFFFE000  }
0x16: {  	_ =	swait.ge [sflag:s29], $0x2000  }
0x17: {  	[sflag:s29] =	ssyncset.done $0x0  }
0x18: {  	s19 =	sadd.s32 $0x2B00, s30;
	[sflag:s29] =	ssyncadd.s32 $0xFFFFE000  }
0x19: {  	[spmem:s2] =	stream.indirect.scatter.add.f32 [tilespmem:s20], [sflag:$0x7], $0x40, s19, s16, $0xb8;
	[tilespmem:$0x17000] =	vst v63  }
0x1a: {  	_ =	swait.ge [sflag:s1], $0x2000  }
0x1b: {  	[sflag:s1] =	ssyncset.done $0x0  }
0x1c: {  	[sflag:s1] =	ssyncadd.s32 $0xFFFFE000  }
0x1d: {  	_ =	swait.ge [sflag:s0], $0x2000  }
0x1e: {  	[sflag:s0] =	ssyncset.done $0x0  }
0x1f: {  	s30 =	sadd.s32 $0x2B80, s30;
	[sflag:s0] =	ssyncadd.s32 $0xFFFFE000  }
0x20: {  	[spmem:s2] =	stream.indirect.scatter.add.f32 [tilespmem:s22], [sflag:$0x8], $0x40, s30, s16, $0xb8;
	[tilespmem:$0x17000] =	vst v63  }
0x21: {  	_ =	swait.ge [sflag:s25], $0x2000  }
0x22: {  	s26 =	sadd.s32 $0x1, s26;
	[sflag:s25] =	ssyncset.done $0x0  }
0x23: {  	p0 =	sne.s32 s26, s11;
	[sflag:s25] =	ssyncadd.s32 $0xFFFFE000  }
.Ltmp1:
0x24: {  	s31 =	sor.u32 $0x1C09, s6;
	[bflag:$0x0] =	sbarrier.arrive $0xFFFF;
	(pc) =	sbr.rel @!p0 .LBB2_5-.Ltmp1, $4  }
0x25: {  	[hbm:s10], [sflag:s31] =	dma.local [spmem:s12], $0x1400  }
0x26: {  	_ =	swait.ge [sflag:s13], $0x1400  }
0x27: {  	[sflag:s13] =	ssyncset.done $0x0  }
0x28: {  	[sflag:s13] =	ssyncadd.s32 $0xFFFFEC00  }
.LBB2_1:
0x29: {  	[spmem:s12], [sflag:s7] =	dma.local [hbm:s5], $0x1400  }
0x2a: {  	[tilespmem:s3], [sflag:$0x9] =	stream.linear.gather [hbm4b:s8+s3], $0x2800, $0x38;
	[tilespmem:$0x17000] =	vst v63  }
0x2b: {  	_ =	swait.ge [sflag:s13], $0x2800  }
0x2c: {  	[sflag:s13] =	ssyncset.done $0x0  }
0x2d: {  	[sflag:s13] =	ssyncadd.s32 $0xFFFFD800  }
0x2e: {  	[tilespmem:s14], [sflag:$0x9] =	stream.linear.gather [hbm4b:s9+s3], $0x2800, $0x38;
	[tilespmem:$0x17000] =	vst v63  }
0x2f: {  	_ =	swait.ge [sflag:s13], $0x2800  }
0x30: {  	[sflag:s13] =	ssyncset.done $0x0  }
0x31: {  	[sflag:s13] =	ssyncadd.s32 $0xFFFFD800  }
0x32: {  	_ =	swait.ge [sflag:s15], $0x1400  }
0x33: {  	[sflag:s15] =	ssyncset.done $0x0  }
0x34: {  	[sflag:s15] =	ssyncadd.s32 $0xFFFFEC00  }
0x35: {  	[bflag:$0x0] =	sbarrier.arrive $0xFFFF  }
0x36: {  	[tilespmem:s17], [sflag:$0x1] =	stream.indirect.gather [hbm4b:s4+s16], $0x40, s3, s16, $0xb8;
	[tilespmem:$0x17000] =	vst v63  }
0x37: {  	_ = 	snop  }
0x38: {  	[tilespmem:s18], [sflag:$0x2] =	stream.indirect.gather [hbm4b:s4+s16], $0x40, s16, s16, $0xb8;
	[tilespmem:$0x17000] =	vst v63  }
0x39: {  	s19 =	simm.s32 $0x100  }
0x3a: {  	[tilespmem:s20], [sflag:$0x3] =	stream.indirect.gather [hbm4b:s4+s16], $0x40, s19, s16, $0xb8;
	[tilespmem:$0x17000] =	vst v63  }
0x3b: {  	s30 =	simm.s32 $0x180  }
0x3c: {  	[tilespmem:s22], [sflag:$0x4] =	stream.indirect.gather [hbm4b:s4+s16], $0x40, s30, s16, $0xb8;
	[tilespmem:$0x17000] =	vst v63  }
0x3d: {  	_ =	swait.ge [sflag:s15], $0x2000  }
0x3e: {  	[sflag:s15] =	ssyncset.done $0x0  }
0x3f: {  	[sflag:s15] =	ssyncadd.s32 $0xFFFFE000  }
0x40: {  	[spmem:s2] =	stream.indirect.scatter.add.f32 [tilespmem:s17], [sflag:$0x5], $0x40, s14, s16, $0xb8;
	[tilespmem:$0x17000] =	vst v63  }
0x41: {  	_ =	swait.ge [sflag:s23], $0x2000  }
0x42: {  	[sflag:s23] =	ssyncset.done $0x0  }
0x43: {  	[sflag:s23] =	ssyncadd.s32 $0xFFFFE000  }
0x44: {  	_ =	swait.ge [sflag:s24], $0x2000  }
0x45: {  	[sflag:s24] =	ssyncset.done $0x0  }
0x46: {  	s30 =	simm.s32 $0x2880;
	[sflag:s24] =	ssyncadd.s32 $0xFFFFE000  }
0x47: {  	[spmem:s2] =	stream.indirect.scatter.add.f32 [tilespmem:s18], [sflag:$0x6], $0x40, s30, s16, $0xb8;
	[tilespmem:$0x17000] =	vst v63  }
0x48: {  	s30 =	simm.s32 $0x200  }
0x49: {  	[tilespmem:s17], [sflag:$0x1] =	stream.indirect.gather [hbm4b:s4+s16], $0x40, s30, s16, $0xb8;
	[tilespmem:$0x17000] =	vst v63  }
0x4a: {  	_ =	swait.ge [sflag:s28], $0x2000  }
0x4b: {  	[sflag:s28] =	ssyncset.done $0x0  }
0x4c: {  	[sflag:s28] =	ssyncadd.s32 $0xFFFFE000  }
0x4d: {  	_ =	swait.ge [sflag:s29], $0x2000  }
0x4e: {  	[sflag:s29] =	ssyncset.done $0x0  }
0x4f: {  	s30 =	simm.s32 $0x2900;
	[sflag:s29] =	ssyncadd.s32 $0xFFFFE000  }
0x50: {  	[spmem:s2] =	stream.indirect.scatter.add.f32 [tilespmem:s20], [sflag:$0x7], $0x40, s30, s16, $0xb8;
	[tilespmem:$0x17000] =	vst v63  }
0x51: {  	s30 =	simm.s32 $0x280  }
0x52: {  	[tilespmem:s18], [sflag:$0x2] =	stream.indirect.gather [hbm4b:s4+s16], $0x40, s30, s16, $0xb8;
	[tilespmem:$0x17000] =	vst v63  }
0x53: {  	_ =	swait.ge [sflag:s1], $0x2000  }
0x54: {  	[sflag:s1] =	ssyncset.done $0x0  }
0x55: {  	[sflag:s1] =	ssyncadd.s32 $0xFFFFE000  }
0x56: {  	_ =	swait.ge [sflag:s0], $0x2000  }
0x57: {  	[sflag:s0] =	ssyncset.done $0x0  }
0x58: {  	s30 =	simm.s32 $0x2980;
	[sflag:s0] =	ssyncadd.s32 $0xFFFFE000  }
0x59: {  	[spmem:s2] =	stream.indirect.scatter.add.f32 [tilespmem:s22], [sflag:$0x8], $0x40, s30, s16, $0xb8;
	[tilespmem:$0x17000] =	vst v63  }
0x5a: {  	s31 =	simm.s32 $0x0  }
0x5b: {  	[tilespmem:s20], [sflag:$0x3] =	stream.indirect.gather [hbm4b:s4+s16], $0x40, s21, s16, $0xb8;
	[tilespmem:$0x17000] =	vst v63  }
.LBB2_2:
0x5c: {  	_ =	swait.ge [sflag:s15], $0x2000  }
0x5d: {  	[sflag:s15] =	ssyncset.done $0x0  }
0x5e: {  	[sflag:s15] =	ssyncadd.s32 $0xFFFFE000  }
0x5f: {  	_ =	swait.ge [sflag:s25], $0x2000  }
0x60: {  	s30 =	sshra.s32 s31, $0x2;
	[sflag:s25] =	ssyncset.done $0x0  }
0x61: {  	s19 =	sadd.s32 $0x2A00, s30;
	[sflag:s25] =	ssyncadd.s32 $0xFFFFE000  }
0x62: {  	[spmem:s2] =	stream.indirect.scatter.add.f32 [tilespmem:s17], [sflag:$0x5], $0x40, s19, s16, $0xb8;
	[tilespmem:$0x17000] =	vst v63  }
0x63: {  	s19 =	sadd.s32 $0x380, s30  }
0x64: {  	[tilespmem:s22], [sflag:$0x4] =	stream.indirect.gather [hbm4b:s4+s16], $0x40, s19, s16, $0xb8;
	[tilespmem:$0x17000] =	vst v63  }
0x65: {  	_ =	swait.ge [sflag:s23], $0x2000  }
0x66: {  	p0 =	seq.s32 s31, $0x9000;
	[sflag:s23] =	ssyncset.done $0x0  }
.Ltmp2:
0x67: {  	[sflag:s23] =	ssyncadd.s32 $0xFFFFE000;
	(pc) =	sbr.rel @p0 .LBB2_4-.Ltmp2, $4  }
0x68: {  	_ =	swait.ge [sflag:s24], $0x2000  }
0x69: {  	[sflag:s24] =	ssyncset.done $0x0  }
0x6a: {  	s19 =	sadd.s32 $0x2A80, s30;
	[sflag:s24] =	ssyncadd.s32 $0xFFFFE000  }
0x6b: {  	[spmem:s2] =	stream.indirect.scatter.add.f32 [tilespmem:s18], [sflag:$0x6], $0x40, s19, s16, $0xb8;
	[tilespmem:$0x17000] =	vst v63  }
0x6c: {  	s19 =	sadd.s32 $0x400, s30  }
0x6d: {  	[tilespmem:s17], [sflag:$0x1] =	stream.indirect.gather [hbm4b:s4+s16], $0x40, s19, s16, $0xb8;
	[tilespmem:$0x17000] =	vst v63  }
0x6e: {  	_ =	swait.ge [sflag:s28], $0x2000  }
0x6f: {  	[sflag:s28] =	ssyncset.done $0x0  }
0x70: {  	[sflag:s28] =	ssyncadd.s32 $0xFFFFE000  }
0x71: {  	_ =	swait.ge [sflag:s29], $0x2000  }
0x72: {  	[sflag:s29] =	ssyncset.done $0x0  }
0x73: {  	s19 =	sadd.s32 $0x2B00, s30;
	[sflag:s29] =	ssyncadd.s32 $0xFFFFE000  }
0x74: {  	[spmem:s2] =	stream.indirect.scatter.add.f32 [tilespmem:s20], [sflag:$0x7], $0x40, s19, s16, $0xb8;
	[tilespmem:$0x17000] =	vst v63  }
0x75: {  	s19 =	sadd.s32 $0x480, s30  }
0x76: {  	[tilespmem:s18], [sflag:$0x2] =	stream.indirect.gather [hbm4b:s4+s16], $0x40, s19, s16, $0xb8;
	[tilespmem:$0x17000] =	vst v63  }
0x77: {  	_ =	swait.ge [sflag:s1], $0x2000  }
0x78: {  	[sflag:s1] =	ssyncset.done $0x0  }
0x79: {  	[sflag:s1] =	ssyncadd.s32 $0xFFFFE000  }
0x7a: {  	_ =	swait.ge [sflag:s0], $0x2000  }
.Ltmp3:
0x7b: {  	[sflag:s0] =	ssyncset.done $0x0;
	(pc) =	sbr.rel .LBB2_2-.Ltmp3, $4  }
0x7c: {  	s19 =	sadd.s32 $0x2B80, s30;
	[sflag:s0] =	ssyncadd.s32 $0xFFFFE000  }
0x7d: {  	[spmem:s2] =	stream.indirect.scatter.add.f32 [tilespmem:s22], [sflag:$0x8], $0x40, s19, s16, $0xb8;
	[tilespmem:$0x17000] =	vst v63  }
0x7e: {  	s31 =	sadd.s32 $0x800, s31;
	s30 =	sadd.s32 $0x500, s30  }
0x7f: {  	[tilespmem:s20], [sflag:$0x3] =	stream.indirect.gather [hbm4b:s4+s16], $0x40, s30, s16, $0xb8;
	[tilespmem:$0x17000] =	vst v63  }
.LBB2_5:
0x80: {  	_ =	sfence.sel $0x180000  }
0x81: {  	[bflag:$0x0] =	sbarrier.arrive $0xFFFF  }
0x82: {  	_ =	strace $0x9000004D  }
0x83: {  	s0 =	stileid.u32;
	[bflag:$0x2] =	sbarrier.arrive $0xFFFF  }
0x84: {  	p0 =	sne.s32 s0, $0x0;
	s0 =	rddreg [dreg:$0x2]  }
0x85: {  	s0 =	sadd.s32 @!p0 $0x100000, s0  }
0x86: {  	[sflag:s0] =	ssyncadd.tile.s32 @!p0 $0x1;
	_ =	shalt  }
.Lfunc_end2:
_tile_overlayer_lowered:
.L_overlay_start_2:
0x87: {  	(tag) =	ssettag $0x2  }
0x88: {  	s0 =	rddreg [dreg:$0x0];
	s2 =	stileid.u32  }
0x89: {  	s1 =	rddreg [dreg:$0x1];
	p0 =	sne.s32 s2, $0x0  }
0x8a: {  	s3 =	rddreg [dreg:$0x2];
	[bflag:$0x3] =	sbarrier.arrive $0xFFFF;
	s2 =	simm.s32 @!p0 $0x1C09  }
0x8b: {  	[timem:s3], [sflag:s2] =	dma.local @!p0 [hbm:s0], s1  }
0x8c: {  	s0 =	simm.s32 @!p0 $0x9  }
0x8d: {  	_ =	swait.ge @!p0 [sflag:s0], s1  }
0x8e: {  	s1 =	ssub.s32 @!p0 $0x0, s1;
	[sflag:s0] =	ssyncset.done @!p0 $0x0  }
0x8f: {  	[sflag:s0] =	ssyncadd.s32 @!p0 s1  }
0x90: {  	[bflag:$0x3] =	sbarrier.arrive $0xFFFF  }
0x91: {  	_ =	shalt  }

// kernel: kernel.7.cloned.1.call-start
scs
__scs_entry_jumppad:
0x0: {  	(pc) =	sbr.rel $0x88, $3  }
0x1: {  	(tag) =	ssettag $0x0;
	lr =	simm.s32 $0x1  }
0x2: {  	[smem:$0x3F9B] =	sst lr;
	_ =	strace $0xD0000000  }
0x3: {  	_ = 	snop  }
0x4: {  	_ = 	snop  }
0x5: {  	_ = 	snop  }
0x6: {  	_ = 	snop  }
0x7: {  	_ = 	snop  }
__scs_overlays_trampoline_lowered:
0x8: {  	[smem:$0x3FAA] =	sst s0  }
0x9: {  	[smem:$0x3FAB] =	sst s1  }
0xa: {  	[smem:$0x3FAC] =	sst s2  }
0xb: {  	[smem:$0x3FAD] =	sst s3  }
0xc: {  	[smem:$0x3FAE] =	sst s4  }
0xd: {  	[smem:$0x3FAF] =	sst s5  }
0xe: {  	[smem:$0x3FB0] =	sst s6  }
0xf: {  	[smem:$0x3FB1] =	sst s7  }
0x10: {  	[smem:$0x3FB2] =	sst s8  }
0x11: {  	[smem:$0x3FB3] =	sst s9;
	s0 =	simm.s32 @!p0 $0x0  }
0x12: {  	s1 =	sld [smem:$0x3F99];
	s0 =	simm.s32 @p0 $0x1  }
0x13: {  	[smem:$0x3FB4] =	sst s0;
	s0 =	simm.s32 @!p1 $0x0  }
0x14: {  	s2 =	sld [smem:$0x3F98];
	s0 =	simm.s32 @p1 $0x1  }
0x15: {  	[smem:$0x3FB5] =	sst s0;
	s0 =	simm.s32 @!p2 $0x0  }
0x16: {  	s3 =	sld [smem:$0x3FDB];
	s0 =	simm.s32 @p2 $0x1  }
0x17: {  	s4 =	simm.s32 $0x1BF5;
	[smem:$0x3FB7] =	sst s0  }
0x18: {  	s0 =	sld [smem:$0x3F9A];
	_ =	swait.ge [sflag:s4], $0x0  }
0x19: {  	s7 =	sld [smem:$0x3F9B]  }
0x1a: {  	s8 =	sadd.s32 $0xFFFFE003, lr  }
0x1b: {  	s9 =	sadd.s32 $0xFFFFFEF7, lr;
	s5 =	simm.s32 $0xFFFFFFFF;
	p2 =	slt.u32 s8, $0xFFFFF086  }
0x1c: {  	p1 =	slt.u32 s9, $0xF7A;
	s5 =	simm.s32 @!p2 $0x0  }
0x1d: {  	s5 =	simm.s32 @p1 $0x1;
	p0 =	seq.s32 s7, s2  }
0x1e: {  	s7 =	smul.u32 @!p0 $0xF7A, s2;
	p2 =	seq.s32 @!p0 s5, $0x0  }
0x1f: {  	s9 =	smul.u32 $0xF7A, s1;
	s8 =	simm.s32 @!p0 $0x1BF5;
	p2 =	por !p2, p0  }
0x20: {  	[sflag:s8] =	ssyncset.s32 @!p0 $0xFFFFF086;
	s6 =	sadd.s32 @!p0 s3, s7;
	s7 =	simm.s32 @!p0 $0x108  }
0x21: {  	s3 =	sadd.s32 s3, s9;
	s6 =	sadd.s32 @!p0 $0x88, s6;
	s7 =	simm.s32 @p2 $0x1082  }
0x22: {  	[simem:s7], [sflag:s8] =	dma.local @!p0 [hbm:s6], $0xF7A  }
0x23: {  	s9 =	sor.u32 $0xD0000000, s2;
	s6 =	simm.s32 $0x108;
	_ =	swait.ge @!p0 [sflag:s8], $0x0  }
0x24: {  	s3 =	sadd.s32 $0x88, s3;
	s6 =	simm.s32 @!p1 $0x1082;
	[sflag:s4] =	ssyncset.s32 $0xFFFFF086  }
0x25: {  	[simem:s6], [sflag:s4] =	dma.local [hbm:s3], $0xF7A  }
0x26: {  	[smem:$0x3F9B] =	sst s1;
	(tag) =	ssettag s2;
	_ =	strace s9  }
0x27: {  	s1 =	sld [smem:$0x3FAB]  }
0x28: {  	s2 =	sld [smem:$0x3FAC]  }
0x29: {  	s4 =	sld [smem:$0x3FAE]  }
0x2a: {  	p0 =	seq.s32 s5, $0x0;
	s5 =	sld [smem:$0x3FAF]  }
0x2b: {  	s6 =	sld [smem:$0x3FB0]  }
0x2c: {  	s7 =	sld [smem:$0x3FB1]  }
0x2d: {  	s3 =	simm.s32 $0x108;
	s8 =	sld [smem:$0x3FB2]  }
0x2e: {  	s3 =	simm.s32 @!p0 $0x1082;
	s9 =	sld [smem:$0x3FB3]  }
0x2f: {  	lr =	sadd.s32 s0, s3;
	s0 =	sld [smem:$0x3FAA]  }
0x30: {  	s3 =	sld [smem:$0x3FAD]  }
0x31: {  	[smem:$0x3FB6] =	sst s10  }
0x32: {  	s10 =	sld [smem:$0x3FB4];
	_ =	sdelay $0x3  }
0x33: {  	p0 =	seq.s32 s10, $0x1;
	s10 =	sld [smem:$0x3FB6];
	_ =	sdelay $0x3  }
0x34: {  	[smem:$0x3FB6] =	sst s10  }
0x35: {  	s10 =	sld [smem:$0x3FB5];
	_ =	sdelay $0x3  }
0x36: {  	p1 =	seq.s32 s10, $0x1;
	s10 =	sld [smem:$0x3FB6];
	_ =	sdelay $0x3  }
0x37: {  	[smem:$0x3FB6] =	sst s10  }
0x38: {  	s10 =	sld [smem:$0x3FB7]  }
0x39: {  	_ = 	snop;
	(pc) =	sbr.ind lr, $3  }
0x3a: {  	_ = 	snop  }
0x3b: {  	_ = 	snop  }
0x3c: {  	p2 =	seq.s32 s10, $0x1;
	s10 =	sld [smem:$0x3FB6]  }
0x3d: {  	_ =	shalt  }
0x3e: {  	_ =	shalt  }
0x3f: {  	_ =	shalt  }
0x40: {  	_ =	shalt  }
0x41: {  	_ =	shalt  }
0x42: {  	_ =	shalt  }
0x43: {  	_ =	shalt  }
0x44: {  	_ =	shalt  }
0x45: {  	_ =	shalt  }
0x46: {  	_ =	shalt  }
0x47: {  	_ =	shalt  }
0x48: {  	_ =	shalt  }
0x49: {  	_ =	shalt  }
0x4a: {  	_ =	shalt  }
0x4b: {  	_ =	shalt  }
0x4c: {  	_ =	shalt  }
0x4d: {  	_ =	shalt  }
0x4e: {  	_ =	shalt  }
0x4f: {  	_ =	shalt  }
0x50: {  	_ =	shalt  }
0x51: {  	_ =	shalt  }
0x52: {  	_ =	shalt  }
0x53: {  	_ =	shalt  }
0x54: {  	_ =	shalt  }
0x55: {  	_ =	shalt  }
0x56: {  	_ =	shalt  }
0x57: {  	_ =	shalt  }
0x58: {  	_ =	shalt  }
0x59: {  	_ =	shalt  }
0x5a: {  	_ =	shalt  }
0x5b: {  	_ =	shalt  }
0x5c: {  	_ =	shalt  }
0x5d: {  	_ =	shalt  }
0x5e: {  	_ =	shalt  }
0x5f: {  	_ =	shalt  }
0x60: {  	_ =	shalt  }
0x61: {  	_ =	shalt  }
0x62: {  	_ =	shalt  }
0x63: {  	_ =	shalt  }
0x64: {  	_ =	shalt  }
0x65: {  	_ =	shalt  }
0x66: {  	_ =	shalt  }
0x67: {  	_ =	shalt  }
0x68: {  	_ =	shalt  }
0x69: {  	_ =	shalt  }
0x6a: {  	_ =	shalt  }
0x6b: {  	_ =	shalt  }
0x6c: {  	_ =	shalt  }
0x6d: {  	_ =	shalt  }
0x6e: {  	_ =	shalt  }
0x6f: {  	_ =	shalt  }
0x70: {  	_ =	shalt  }
0x71: {  	_ =	shalt  }
0x72: {  	_ =	shalt  }
0x73: {  	_ =	shalt  }
0x74: {  	_ =	shalt  }
0x75: {  	_ =	shalt  }
0x76: {  	_ =	shalt  }
0x77: {  	_ =	shalt  }
0x78: {  	_ =	shalt  }
0x79: {  	_ =	shalt  }
0x7a: {  	_ =	shalt  }
0x7b: {  	_ =	shalt  }
0x7c: {  	_ =	shalt  }
0x7d: {  	_ =	shalt  }
0x7e: {  	_ =	shalt  }
0x7f: {  	_ =	shalt  }
0x80: {  	_ =	shalt  }
0x81: {  	_ =	shalt  }
0x82: {  	_ =	shalt  }
0x83: {  	_ =	shalt  }
0x84: {  	_ =	shalt  }
0x85: {  	_ =	shalt  }
0x86: {  	_ =	shalt  }
0x87: {  	_ =	shalt  }
.Lfunc_end0:
.L_simem_size_0:
called_computation_lowered:
.L_overlay_start_0:
0x88: {  	s2 =	sld [smem:$0x3FD9]  }
0x89: {  	s3 =	sld [smem:$0x3FFE];
	_ =	sdelay $0x1  }
0x8a: {  	s1 =	srdreg.scid  }
0x8b: {  	s0 =	sand.u32 $0x1, s1  }
0x8c: {  	s17 =	sshll.u32 s0, $0xA;
	s2 =	sadd.s32 s3, s2  }
0x8d: {  	s2 =	sadd.s32 s2, s17  }
0x8e: {  	[smem:$0x3FC2] =	sst s2  }
0x8f: {  	_ = 	snop  }
0x90: {  	s2 =	sld [smem:$0x3FD0];
	(tm) =	ssettm $0x1  }
0x91: {  	s18 =	sld [smem:$0x3FFB];
	_ =	sdelay $0x3  }
0x92: {  	_ =	strace s18  }
0x93: {  	s3 =	sld [smem:$0x3FFC];
	_ =	sdelay $0x3  }
0x94: {  	_ =	strace s3  }
0x95: {  	s3 =	sld [smem:$0x3FFD];
	_ =	sdelay $0x3  }
0x96: {  	_ =	strace s3  }
0x97: {  	_ =	strace $0x8FFFFFFF  }
0x98: {  	s19 =	sld [smem:$0x3FDB];
	_ =	sdelay $0x1  }
0x99: {  	s4 =	simm.s32 $_scs_section_size  }
0x9a: {  	s5 =	simm.s32 $_size__tile_overlayer_lowered;
	s6 =	simm.s32 $_tile_overlayer_lowered  }
0x9b: {  	s22 =	simm.s32 $0x1BFF;
	s21 =	sshll.u32 s6, $0x1;
	s3 =	sadd.s32 s4, s19  }
0x9c: {  	s7 =	simm.s32 $0x0;
	s20 =	sshll.u32 s5, $0x1;
	s5 =	sadd.s32 s21, s3  }
0x9d: {  	[timem:s7], [sflag:s22] =	dma.local [hbm:s5], s20  }
0x9e: {  	_ =	swait.ge [sflag:s22], s20  }
0x9f: {  	s4 =	ssub.s32 $0x0, s20;
	[sflag:s22] =	ssyncset.done $0x0  }
0xa0: {  	[sflag:s22] =	ssyncadd.s32 s4;
	_ =	sdelay $0x1  }
0xa1: {  	s23 =	simm.s32 $0x1B8B  }
0xa2: {  	_ =	swait.ge [sflag:s23], $0x1  }
0xa3: {  	[sflag:s23] =	ssyncset.done $0x0  }
0xa4: {  	s25 =	simm.s32 $0x1B8E;
	s24 =	sld [smem:$0x3FFE];
	[sflag:s23] =	ssyncadd.s32 $0xFFFFFFFF  }
0xa5: {  	s26 =	simm.s32 $execute0_lowered;
	[smem:$0x3FD2] =	sst s25  }
0xa6: {  	s5 =	sshll.u32 s26, $0x1;
	_ =	strace $0x80000046;
	[dreg:$0x1] =	wrdreg $0xFFFFFFFF  }
0xa7: {  	s28 =	simm.s32 $_size_execute0_lowered;
	s3 =	sadd.s32 s3, s5;
	[dreg:$0x0] =	wrdreg $0x0  }
0xa8: {  	s5 =	sshll.u32 s28, $0x1;
	[dreg:$0x2] =	wrdreg s3  }
0xa9: {  	[dreg:$0x3] =	wrdreg s5  }
0xaa: {  	[dreg:$0x4] =	wrdreg $0xC0  }
0xab: {  	_ =	task [dreg:s7], $0x5FFFF  }
0xac: {  	[dreg:$0x1] =	wrdreg $0xFFFFFFFF  }
0xad: {  	[dreg:$0x0] =	wrdreg $0x60  }
0xae: {  	[dreg:$0x2] =	wrdreg s24  }
0xaf: {  	[dreg:$0x3] =	wrdreg s2  }
0xb0: {  	[dreg:$0x4] =	wrdreg $0x50800  }
0xb1: {  	[dreg:$0x5] =	wrdreg $0x9  }
0xb2: {  	_ =	task.clear_ibuf [dreg:s7], $0x6FFFF;
	_ =	strace $0x90000046  }
0xb3: {  	s29 =	simm.s32 $0x9;
	_ =	strace $0x80000048  }
0xb4: {  	_ =	swait.ge [sflag:s29], $0x1  }
0xb5: {  	[sflag:s29] =	ssyncadd.s32 $0xFFFFFFFF  }
0xb6: {  	_ =	strace $0x90000048  }
0xb7: {  	_ =	sfence  }
0xb8: {  	s30 =	sld [smem:$0x0];
	_ =	sdelay $0x2  }
0xb9: {  	s31 =	sshll.u32 s1, $0xD;
	s1 =	sshrl.u32 s1, $0x2  }
0xba: {  	s3 =	sand.u32 $0x4000, s31;
	s1 =	sadd.s32 s1, s30  }
0xbb: {  	s0 =	sor.u32 s3, s0;
	s1 =	sshll.u32 s1, $0x11  }
0xbc: {  	s0 =	sor.u32 s1, s0  }
0xbd: {  	s0 =	sadd.s32 $0x8F2B, s0  }
0xbe: {  	[sflag:s0] =	ssyncadd.remote.s32 $0x1  }
0xbf: {  	_ =	sfence.sel $0xFFFF  }
0xc0: {  	[dreg:$0x0] =	wrdreg $0xFFFFFFFF;
	(pc) =	sbr.abs _section_cstart, $3  }
0xc1: {  	[dreg:$0x1] =	wrdreg $0xFFFFFFFF  }
0xc2: {  	_ =	task.clear_ibuf [dreg:s7], $0x2FFFF;
	_ =	strace $0x9FFFFFFF  }
0xc3: {  	(tm) =	ssettm $0x7FFFFFFF  }
tec
execute0_lowered:
.L_overlay_start_1:
0x0: {  	(tag) =	ssettag $0x1  }
0x1: {  	s4 =	rddreg [dreg:$0x0]  }
0x2: {  	s7 =	rddreg [dreg:$0x1]  }
0x3: {  	s0 =	srdreg.scid;
	s2 =	rddreg [dreg:$0x2]  }
0x4: {  	s1 =	rddreg [dreg:$0x3];
	s3 =	simm.s32 $0x0;
	s12 =	simm.s32 $0x5000  }
0x5: {  	s13 =	simm.s32 $0x1;
	s14 =	simm.s32 $0x20;
	s5 =	sand.u32 $0x1, s0  }
0x6: {  	s15 =	simm.s32 $0x10;
	s0 =	stileid.u32;
	s6 =	smul.u32 $0x50000, s5  }
0x7: {  	s16 =	simm.s32 $0x0;
	[smem:$0x7FF] =	sst s3;
	s8 =	smul.u32 $0x5000, s0  }
0x8: {  	s28 =	smul.u32 $0x280, s0;
	_ =	strace $0x80000047;
	s10 =	ssub.s32 $0x2, s5  }
0x9: {  	s11 =	smul.u32 $0x500, s0;
	s5 =	sshll.u32 s5, $0x7;
	s31 =	sshll.u32 s0, $0x6  }
0xa: {  	s29 =	sshrl.u32 s10, $0x1;
	s6 =	sadd.s32 s8, s6;
	s9 =	sshrl.u32 s28, $0x3  }
0xb: {  	s30 =	sadd.s32 s28, s2;
	s5 =	sor.u32 s5, s11;
	s6 =	sshrl.u32 s6, $0x3  }
0xc: {  	s11 =	sshrl.u32 s5, $0x3;
	s5 =	sor.u32 $0x1C02, s31;
	s6 =	sadd.s32 s6, s4  }
0xd: {  	s4 =	sadd.s32 s9, s4;
	s9 =	ssub.s32 s10, s29;
	s7 =	sadd.s32 s7, s11  }
0xe: {  	s10 =	simm.s32 $0x2;
	s11 =	simm.s32 $0x80;
	s4 =	sadd.s32 $0x16400, s4  }
0xf: {  	v0 =	vimm.f32 $1.000000000e+00;
	s6 =	sadd.s32 $0x2400, s6;
	s8 =	smax.u32 s9, $0x1;
	s9 =	sshrl.u32 s30, $0x3  }
.LBB2_1:
0x10: {  	[spmem:s9], [sflag:s5] =	dma.local [hbm:s4], $0x50  }
0x11: {  	_ =	swait.ge [sflag:s10], $0x50  }
0x12: {  	[sflag:s10] =	ssyncset.done $0x0  }
0x13: {  	[sflag:s10] =	ssyncadd.s32 $0xFFFFFFB0  }
0x14: {  	[tilespmem:$0x5000] =	vst v0  }
0x15: {  	[tilespmem:$0x5010] =	vst v0  }
0x16: {  	[tilespmem:$0x5020] =	vst v0  }
0x17: {  	[tilespmem:$0x5030] =	vst v0  }
0x18: {  	[tilespmem:$0x5040] =	vst v0  }
0x19: {  	[tilespmem:$0x5050] =	vst v0  }
0x1a: {  	[tilespmem:$0x5060] =	vst v0  }
0x1b: {  	[tilespmem:$0x5070] =	vst v0  }
0x1c: {  	[tilespmem:s3], [sflag:$0x2] =	stream.linear.gather [hbm4b:s6+s3], $0x5000, $0x38;
	[tilespmem:$0x5300] =	vst v63  }
0x1d: {  	_ =	swait.ge [sflag:s10], $0x5000  }
0x1e: {  	[sflag:s10] =	ssyncset.done $0x0  }
0x1f: {  	[sflag:s10] =	ssyncadd.s32 $0xFFFFB000  }
0x20: {  	s17 =	simm.s32 $0x0;
	[bflag:$0x0] =	sbarrier.arrive $0xFFFF  }
0x21: {  	[spmem:s2] =	stream.indirect.scatter.add.f32 [tilespmem:s12], [sflag:$0x1], $0x1, s17, s11, $0xb8;
	[tilespmem:$0x5300] =	vst v63  }
0x22: {  	s30 =	simm.s32 $0x80  }
0x23: {  	[spmem:s2] =	stream.indirect.scatter.add.f32 [tilespmem:s12], [sflag:$0x1], $0x1, s30, s11, $0xb8;
	[tilespmem:$0x5300] =	vst v63  }
0x24: {  	s31 =	simm.s32 $0x100  }
0x25: {  	[spmem:s2] =	stream.indirect.scatter.add.f32 [tilespmem:s12], [sflag:$0x1], $0x1, s31, s11, $0xb8;
	[tilespmem:$0x5300] =	vst v63  }
0x26: {  	s18 =	simm.s32 $0x180  }
0x27: {  	[spmem:s2] =	stream.indirect.scatter.add.f32 [tilespmem:s12], [sflag:$0x1], $0x1, s18, s11, $0xb8;
	[tilespmem:$0x5300] =	vst v63  }
0x28: {  	s19 =	simm.s32 $0x200  }
0x29: {  	[spmem:s2] =	stream.indirect.scatter.add.f32 [tilespmem:s12], [sflag:$0x1], $0x1, s19, s11, $0xb8;
	[tilespmem:$0x5300] =	vst v63  }
0x2a: {  	s20 =	simm.s32 $0x280  }
0x2b: {  	[spmem:s2] =	stream.indirect.scatter.add.f32 [tilespmem:s12], [sflag:$0x1], $0x1, s20, s11, $0xb8;
	[tilespmem:$0x5300] =	vst v63  }
0x2c: {  	s21 =	simm.s32 $0x300  }
0x2d: {  	[spmem:s2] =	stream.indirect.scatter.add.f32 [tilespmem:s12], [sflag:$0x1], $0x1, s21, s11, $0xb8;
	[tilespmem:$0x5300] =	vst v63  }
0x2e: {  	s22 =	simm.s32 $0x380  }
0x2f: {  	[spmem:s2] =	stream.indirect.scatter.add.f32 [tilespmem:s12], [sflag:$0x1], $0x1, s22, s11, $0xb8;
	[tilespmem:$0x5300] =	vst v63  }
0x30: {  	s23 =	simm.s32 $0x400  }
0x31: {  	[spmem:s2] =	stream.indirect.scatter.add.f32 [tilespmem:s12], [sflag:$0x1], $0x1, s23, s11, $0xb8;
	[tilespmem:$0x5300] =	vst v63  }
0x32: {  	s24 =	simm.s32 $0x480  }
0x33: {  	[spmem:s2] =	stream.indirect.scatter.add.f32 [tilespmem:s12], [sflag:$0x1], $0x1, s24, s11, $0xb8;
	[tilespmem:$0x5300] =	vst v63  }
0x34: {  	s25 =	simm.s32 $0x500  }
0x35: {  	[spmem:s2] =	stream.indirect.scatter.add.f32 [tilespmem:s12], [sflag:$0x1], $0x1, s25, s11, $0xb8;
	[tilespmem:$0x5300] =	vst v63  }
0x36: {  	s26 =	simm.s32 $0x580  }
0x37: {  	[spmem:s2] =	stream.indirect.scatter.add.f32 [tilespmem:s12], [sflag:$0x1], $0x1, s26, s11, $0xb8;
	[tilespmem:$0x5300] =	vst v63  }
0x38: {  	s28 =	simm.s32 $0x600  }
0x39: {  	[spmem:s2] =	stream.indirect.scatter.add.f32 [tilespmem:s12], [sflag:$0x1], $0x1, s28, s11, $0xb8;
	[tilespmem:$0x5300] =	vst v63  }
0x3a: {  	s29 =	simm.s32 $0x680  }
0x3b: {  	[spmem:s2] =	stream.indirect.scatter.add.f32 [tilespmem:s12], [sflag:$0x1], $0x1, s29, s11, $0xb8;
	[tilespmem:$0x5300] =	vst v63  }
0x3c: {  	s30 =	simm.s32 $0x700  }
0x3d: {  	[spmem:s2] =	stream.indirect.scatter.add.f32 [tilespmem:s12], [sflag:$0x1], $0x1, s30, s11, $0xb8;
	[tilespmem:$0x5300] =	vst v63  }
0x3e: {  	s31 =	simm.s32 $0x780  }
0x3f: {  	[spmem:s2] =	stream.indirect.scatter.add.f32 [tilespmem:s12], [sflag:$0x1], $0x1, s31, s11, $0xb8;
	[tilespmem:$0x5300] =	vst v63  }
0x40: {  	_ =	swait.ge [sflag:s13], $0x80  }
0x41: {  	[sflag:s13] =	ssyncset.done $0x0  }
0x42: {  	[sflag:s13] =	ssyncadd.s32 $0xFFFFFF80  }
0x43: {  	_ =	swait.ge [sflag:s13], $0x80  }
0x44: {  	[sflag:s13] =	ssyncset.done $0x0  }
0x45: {  	[sflag:s13] =	ssyncadd.s32 $0xFFFFFF80  }
0x46: {  	_ =	swait.ge [sflag:s13], $0x80  }
0x47: {  	[sflag:s13] =	ssyncset.done $0x0  }
0x48: {  	[sflag:s13] =	ssyncadd.s32 $0xFFFFFF80  }
0x49: {  	_ =	swait.ge [sflag:s13], $0x80  }
0x4a: {  	[sflag:s13] =	ssyncset.done $0x0  }
0x4b: {  	[sflag:s13] =	ssyncadd.s32 $0xFFFFFF80  }
0x4c: {  	_ =	swait.ge [sflag:s13], $0x80  }
0x4d: {  	[sflag:s13] =	ssyncset.done $0x0  }
0x4e: {  	[sflag:s13] =	ssyncadd.s32 $0xFFFFFF80  }
0x4f: {  	_ =	swait.ge [sflag:s13], $0x80  }
0x50: {  	[sflag:s13] =	ssyncset.done $0x0  }
0x51: {  	[sflag:s13] =	ssyncadd.s32 $0xFFFFFF80  }
0x52: {  	_ =	swait.ge [sflag:s13], $0x80  }
0x53: {  	[sflag:s13] =	ssyncset.done $0x0  }
0x54: {  	[sflag:s13] =	ssyncadd.s32 $0xFFFFFF80  }
0x55: {  	_ =	swait.ge [sflag:s13], $0x80  }
0x56: {  	[sflag:s13] =	ssyncset.done $0x0  }
0x57: {  	[sflag:s13] =	ssyncadd.s32 $0xFFFFFF80  }
0x58: {  	_ =	swait.ge [sflag:s13], $0x80  }
0x59: {  	[sflag:s13] =	ssyncset.done $0x0  }
0x5a: {  	[sflag:s13] =	ssyncadd.s32 $0xFFFFFF80  }
0x5b: {  	_ =	swait.ge [sflag:s13], $0x80  }
0x5c: {  	[sflag:s13] =	ssyncset.done $0x0  }
0x5d: {  	[sflag:s13] =	ssyncadd.s32 $0xFFFFFF80  }
0x5e: {  	_ =	swait.ge [sflag:s13], $0x80  }
0x5f: {  	[sflag:s13] =	ssyncset.done $0x0  }
0x60: {  	[sflag:s13] =	ssyncadd.s32 $0xFFFFFF80  }
0x61: {  	_ =	swait.ge [sflag:s13], $0x80  }
0x62: {  	[sflag:s13] =	ssyncset.done $0x0  }
0x63: {  	[sflag:s13] =	ssyncadd.s32 $0xFFFFFF80  }
0x64: {  	_ =	swait.ge [sflag:s13], $0x80  }
0x65: {  	[sflag:s13] =	ssyncset.done $0x0  }
0x66: {  	[sflag:s13] =	ssyncadd.s32 $0xFFFFFF80  }
0x67: {  	_ =	swait.ge [sflag:s13], $0x80  }
0x68: {  	[sflag:s13] =	ssyncset.done $0x0  }
0x69: {  	[sflag:s13] =	ssyncadd.s32 $0xFFFFFF80  }
0x6a: {  	_ =	swait.ge [sflag:s13], $0x80  }
0x6b: {  	[sflag:s13] =	ssyncset.done $0x0  }
0x6c: {  	[sflag:s13] =	ssyncadd.s32 $0xFFFFFF80  }
0x6d: {  	_ =	swait.ge [sflag:s13], $0x80  }
0x6e: {  	s17 =	simm.s32 $0x2000;
	s20 =	simm.s32 $0x4000;
	[sflag:s13] =	ssyncset.done $0x0  }
.LBB2_2:
0x6f: {  	s19 =	sshra.s32 s17, $0x2  }
0x70: {  	[sflag:s13] =	ssyncadd.s32 $0xFFFFFF80;
	s17 =	smov.u32 s20;
	s18 =	sadd.s32 $0x2000, s20  }
0x71: {  	[spmem:s2] =	stream.indirect.scatter.add.f32 [tilespmem:s12], [sflag:$0x1], $0x1, s19, s11, $0xb8;
	[tilespmem:$0x5300] =	vst v63  }
0x72: {  	p0 =	sne.s32 s20, $0x12000;
	s20 =	sadd.s32 $0x80, s19  }
0x73: {  	[spmem:s2] =	stream.indirect.scatter.add.f32 [tilespmem:s12], [sflag:$0x1], $0x1, s20, s11, $0xb8;
	[tilespmem:$0x5300] =	vst v63  }
0x74: {  	s20 =	sadd.s32 $0x100, s19  }
0x75: {  	[spmem:s2] =	stream.indirect.scatter.add.f32 [tilespmem:s12], [sflag:$0x1], $0x1, s20, s11, $0xb8;
	[tilespmem:$0x5300] =	vst v63  }
0x76: {  	s20 =	sadd.s32 $0x180, s19  }
0x77: {  	[spmem:s2] =	stream.indirect.scatter.add.f32 [tilespmem:s12], [sflag:$0x1], $0x1, s20, s11, $0xb8;
	[tilespmem:$0x5300] =	vst v63  }
0x78: {  	s20 =	sadd.s32 $0x200, s19  }
0x79: {  	[spmem:s2] =	stream.indirect.scatter.add.f32 [tilespmem:s12], [sflag:$0x1], $0x1, s20, s11, $0xb8;
	[tilespmem:$0x5300] =	vst v63  }
0x7a: {  	s20 =	sadd.s32 $0x280, s19  }
0x7b: {  	[spmem:s2] =	stream.indirect.scatter.add.f32 [tilespmem:s12], [sflag:$0x1], $0x1, s20, s11, $0xb8;
	[tilespmem:$0x5300] =	vst v63  }
0x7c: {  	s20 =	sadd.s32 $0x300, s19  }
0x7d: {  	[spmem:s2] =	stream.indirect.scatter.add.f32 [tilespmem:s12], [sflag:$0x1], $0x1, s20, s11, $0xb8;
	[tilespmem:$0x5300] =	vst v63  }
0x7e: {  	s20 =	sadd.s32 $0x380, s19  }
0x7f: {  	[spmem:s2] =	stream.indirect.scatter.add.f32 [tilespmem:s12], [sflag:$0x1], $0x1, s20, s11, $0xb8;
	[tilespmem:$0x5300] =	vst v63  }
0x80: {  	s20 =	sadd.s32 $0x400, s19  }
0x81: {  	[spmem:s2] =	stream.indirect.scatter.add.f32 [tilespmem:s12], [sflag:$0x1], $0x1, s20, s11, $0xb8;
	[tilespmem:$0x5300] =	vst v63  }
0x82: {  	s20 =	sadd.s32 $0x480, s19  }
0x83: {  	[spmem:s2] =	stream.indirect.scatter.add.f32 [tilespmem:s12], [sflag:$0x1], $0x1, s20, s11, $0xb8;
	[tilespmem:$0x5300] =	vst v63  }
0x84: {  	s20 =	sadd.s32 $0x500, s19  }
0x85: {  	[spmem:s2] =	stream.indirect.scatter.add.f32 [tilespmem:s12], [sflag:$0x1], $0x1, s20, s11, $0xb8;
	[tilespmem:$0x5300] =	vst v63  }
0x86: {  	s20 =	sadd.s32 $0x580, s19  }
0x87: {  	[spmem:s2] =	stream.indirect.scatter.add.f32 [tilespmem:s12], [sflag:$0x1], $0x1, s20, s11, $0xb8;
	[tilespmem:$0x5300] =	vst v63  }
0x88: {  	s20 =	sadd.s32 $0x600, s19  }
0x89: {  	[spmem:s2] =	stream.indirect.scatter.add.f32 [tilespmem:s12], [sflag:$0x1], $0x1, s20, s11, $0xb8;
	[tilespmem:$0x5300] =	vst v63  }
0x8a: {  	s20 =	sadd.s32 $0x680, s19  }
0x8b: {  	[spmem:s2] =	stream.indirect.scatter.add.f32 [tilespmem:s12], [sflag:$0x1], $0x1, s20, s11, $0xb8;
	[tilespmem:$0x5300] =	vst v63  }
0x8c: {  	s20 =	sadd.s32 $0x700, s19  }
0x8d: {  	[spmem:s2] =	stream.indirect.scatter.add.f32 [tilespmem:s12], [sflag:$0x1], $0x1, s20, s11, $0xb8;
	[tilespmem:$0x5300] =	vst v63  }
0x8e: {  	s19 =	sadd.s32 $0x780, s19  }
0x8f: {  	[spmem:s2] =	stream.indirect.scatter.add.f32 [tilespmem:s12], [sflag:$0x1], $0x1, s19, s11, $0xb8;
	[tilespmem:$0x5300] =	vst v63  }
0x90: {  	_ =	swait.ge [sflag:s13], $0x80  }
0x91: {  	[sflag:s13] =	ssyncset.done $0x0  }
0x92: {  	[sflag:s13] =	ssyncadd.s32 $0xFFFFFF80  }
0x93: {  	_ =	swait.ge [sflag:s13], $0x80  }
0x94: {  	[sflag:s13] =	ssyncset.done $0x0  }
0x95: {  	[sflag:s13] =	ssyncadd.s32 $0xFFFFFF80  }
0x96: {  	_ =	swait.ge [sflag:s13], $0x80  }
0x97: {  	[sflag:s13] =	ssyncset.done $0x0  }
0x98: {  	[sflag:s13] =	ssyncadd.s32 $0xFFFFFF80  }
0x99: {  	_ =	swait.ge [sflag:s13], $0x80  }
0x9a: {  	[sflag:s13] =	ssyncset.done $0x0  }
0x9b: {  	[sflag:s13] =	ssyncadd.s32 $0xFFFFFF80  }
0x9c: {  	_ =	swait.ge [sflag:s13], $0x80  }
0x9d: {  	[sflag:s13] =	ssyncset.done $0x0  }
0x9e: {  	[sflag:s13] =	ssyncadd.s32 $0xFFFFFF80  }
0x9f: {  	_ =	swait.ge [sflag:s13], $0x80  }
0xa0: {  	[sflag:s13] =	ssyncset.done $0x0  }
0xa1: {  	[sflag:s13] =	ssyncadd.s32 $0xFFFFFF80  }
0xa2: {  	_ =	swait.ge [sflag:s13], $0x80  }
0xa3: {  	[sflag:s13] =	ssyncset.done $0x0  }
0xa4: {  	[sflag:s13] =	ssyncadd.s32 $0xFFFFFF80  }
0xa5: {  	_ =	swait.ge [sflag:s13], $0x80  }
0xa6: {  	[sflag:s13] =	ssyncset.done $0x0  }
0xa7: {  	[sflag:s13] =	ssyncadd.s32 $0xFFFFFF80  }
0xa8: {  	_ =	swait.ge [sflag:s13], $0x80  }
0xa9: {  	[sflag:s13] =	ssyncset.done $0x0  }
0xaa: {  	[sflag:s13] =	ssyncadd.s32 $0xFFFFFF80  }
0xab: {  	_ =	swait.ge [sflag:s13], $0x80  }
0xac: {  	[sflag:s13] =	ssyncset.done $0x0  }
0xad: {  	[sflag:s13] =	ssyncadd.s32 $0xFFFFFF80  }
0xae: {  	_ =	swait.ge [sflag:s13], $0x80  }
0xaf: {  	[sflag:s13] =	ssyncset.done $0x0  }
0xb0: {  	[sflag:s13] =	ssyncadd.s32 $0xFFFFFF80  }
0xb1: {  	_ =	swait.ge [sflag:s13], $0x80  }
0xb2: {  	[sflag:s13] =	ssyncset.done $0x0  }
0xb3: {  	[sflag:s13] =	ssyncadd.s32 $0xFFFFFF80  }
0xb4: {  	_ =	swait.ge [sflag:s13], $0x80  }
0xb5: {  	[sflag:s13] =	ssyncset.done $0x0  }
0xb6: {  	[sflag:s13] =	ssyncadd.s32 $0xFFFFFF80  }
0xb7: {  	_ =	swait.ge [sflag:s13], $0x80  }
0xb8: {  	[sflag:s13] =	ssyncset.done $0x0  }
0xb9: {  	[sflag:s13] =	ssyncadd.s32 $0xFFFFFF80  }
.Ltmp0:
0xba: {  	_ =	swait.ge [sflag:s13], $0x80;
	(pc) =	sbr.rel @p0 .LBB2_2-.Ltmp0, $4  }
0xbb: {  	[sflag:s13] =	ssyncset.done $0x0  }
0xbc: {  	[sflag:s13] =	ssyncadd.s32 $0xFFFFFF80  }
0xbd: {  	_ =	swait.ge [sflag:s13], $0x80  }
0xbe: {  	s20 =	smov.u32 s18;
	[sflag:s13] =	ssyncset.done $0x0  }
0xbf: {  	s17 =	sshra.s32 s17, $0x2;
	[sflag:s13] =	ssyncadd.s32 $0xFFFFFF80  }
0xc0: {  	[spmem:s2] =	stream.indirect.scatter.add.f32 [tilespmem:s12], [sflag:$0x1], $0x1, s17, s11, $0xb8;
	[tilespmem:$0x5300] =	vst v63  }
0xc1: {  	s18 =	sadd.s32 $0x80, s17  }
0xc2: {  	[spmem:s2] =	stream.indirect.scatter.add.f32 [tilespmem:s12], [sflag:$0x1], $0x1, s18, s11, $0xb8;
	[tilespmem:$0x5300] =	vst v63  }
0xc3: {  	s31 =	sadd.s32 $0x100, s17  }
0xc4: {  	[spmem:s2] =	stream.indirect.scatter.add.f32 [tilespmem:s12], [sflag:$0x1], $0x1, s31, s11, $0xb8;
	[tilespmem:$0x5300] =	vst v63  }
0xc5: {  	s19 =	sadd.s32 $0x180, s17  }
0xc6: {  	[spmem:s2] =	stream.indirect.scatter.add.f32 [tilespmem:s12], [sflag:$0x1], $0x1, s19, s11, $0xb8;
	[tilespmem:$0x5300] =	vst v63  }
0xc7: {  	s20 =	sadd.s32 $0x200, s17  }
0xc8: {  	[spmem:s2] =	stream.indirect.scatter.add.f32 [tilespmem:s12], [sflag:$0x1], $0x1, s20, s11, $0xb8;
	[tilespmem:$0x5300] =	vst v63  }
0xc9: {  	s21 =	sadd.s32 $0x280, s17  }
0xca: {  	[spmem:s2] =	stream.indirect.scatter.add.f32 [tilespmem:s12], [sflag:$0x1], $0x1, s21, s11, $0xb8;
	[tilespmem:$0x5300] =	vst v63  }
0xcb: {  	s22 =	sadd.s32 $0x300, s17  }
0xcc: {  	[spmem:s2] =	stream.indirect.scatter.add.f32 [tilespmem:s12], [sflag:$0x1], $0x1, s22, s11, $0xb8;
	[tilespmem:$0x5300] =	vst v63  }
0xcd: {  	s23 =	sadd.s32 $0x380, s17  }
0xce: {  	[spmem:s2] =	stream.indirect.scatter.add.f32 [tilespmem:s12], [sflag:$0x1], $0x1, s23, s11, $0xb8;
	[tilespmem:$0x5300] =	vst v63  }
0xcf: {  	s24 =	sadd.s32 $0x400, s17  }
0xd0: {  	[spmem:s2] =	stream.indirect.scatter.add.f32 [tilespmem:s12], [sflag:$0x1], $0x1, s24, s11, $0xb8;
	[tilespmem:$0x5300] =	vst v63  }
0xd1: {  	s25 =	sadd.s32 $0x480, s17  }
0xd2: {  	[spmem:s2] =	stream.indirect.scatter.add.f32 [tilespmem:s12], [sflag:$0x1], $0x1, s25, s11, $0xb8;
	[tilespmem:$0x5300] =	vst v63  }
0xd3: {  	s26 =	sadd.s32 $0x500, s17  }
0xd4: {  	[spmem:s2] =	stream.indirect.scatter.add.f32 [tilespmem:s12], [sflag:$0x1], $0x1, s26, s11, $0xb8;
	[tilespmem:$0x5300] =	vst v63  }
0xd5: {  	s28 =	sadd.s32 $0x580, s17  }
0xd6: {  	[spmem:s2] =	stream.indirect.scatter.add.f32 [tilespmem:s12], [sflag:$0x1], $0x1, s28, s11, $0xb8;
	[tilespmem:$0x5300] =	vst v63  }
0xd7: {  	s29 =	sadd.s32 $0x600, s17  }
0xd8: {  	[spmem:s2] =	stream.indirect.scatter.add.f32 [tilespmem:s12], [sflag:$0x1], $0x1, s29, s11, $0xb8;
	[tilespmem:$0x5300] =	vst v63  }
0xd9: {  	s30 =	sadd.s32 $0x680, s17  }
0xda: {  	[spmem:s2] =	stream.indirect.scatter.add.f32 [tilespmem:s12], [sflag:$0x1], $0x1, s30, s11, $0xb8;
	[tilespmem:$0x5300] =	vst v63  }
0xdb: {  	s31 =	sadd.s32 $0x700, s17  }
0xdc: {  	[spmem:s2] =	stream.indirect.scatter.add.f32 [tilespmem:s12], [sflag:$0x1], $0x1, s31, s11, $0xb8;
	[tilespmem:$0x5300] =	vst v63  }
0xdd: {  	s17 =	sadd.s32 $0x780, s17  }
0xde: {  	[spmem:s2] =	stream.indirect.scatter.add.f32 [tilespmem:s12], [sflag:$0x1], $0x1, s17, s11, $0xb8;
	[tilespmem:$0x5300] =	vst v63  }
0xdf: {  	_ =	swait.ge [sflag:s13], $0x80  }
0xe0: {  	[sflag:s13] =	ssyncset.done $0x0  }
0xe1: {  	[sflag:s13] =	ssyncadd.s32 $0xFFFFFF80  }
0xe2: {  	_ =	swait.ge [sflag:s13], $0x80  }
0xe3: {  	[sflag:s13] =	ssyncset.done $0x0  }
0xe4: {  	[sflag:s13] =	ssyncadd.s32 $0xFFFFFF80  }
0xe5: {  	_ =	swait.ge [sflag:s13], $0x80  }
0xe6: {  	[sflag:s13] =	ssyncset.done $0x0  }
0xe7: {  	[sflag:s13] =	ssyncadd.s32 $0xFFFFFF80  }
0xe8: {  	_ =	swait.ge [sflag:s13], $0x80  }
0xe9: {  	[sflag:s13] =	ssyncset.done $0x0  }
0xea: {  	[sflag:s13] =	ssyncadd.s32 $0xFFFFFF80  }
0xeb: {  	_ =	swait.ge [sflag:s13], $0x80  }
0xec: {  	[sflag:s13] =	ssyncset.done $0x0  }
0xed: {  	[sflag:s13] =	ssyncadd.s32 $0xFFFFFF80  }
0xee: {  	_ =	swait.ge [sflag:s13], $0x80  }
0xef: {  	[sflag:s13] =	ssyncset.done $0x0  }
0xf0: {  	[sflag:s13] =	ssyncadd.s32 $0xFFFFFF80  }
0xf1: {  	_ =	swait.ge [sflag:s13], $0x80  }
0xf2: {  	[sflag:s13] =	ssyncset.done $0x0  }
0xf3: {  	[sflag:s13] =	ssyncadd.s32 $0xFFFFFF80  }
0xf4: {  	_ =	swait.ge [sflag:s13], $0x80  }
0xf5: {  	[sflag:s13] =	ssyncset.done $0x0  }
0xf6: {  	[sflag:s13] =	ssyncadd.s32 $0xFFFFFF80  }
0xf7: {  	_ =	swait.ge [sflag:s13], $0x80  }
0xf8: {  	[sflag:s13] =	ssyncset.done $0x0  }
0xf9: {  	[sflag:s13] =	ssyncadd.s32 $0xFFFFFF80  }
0xfa: {  	_ =	swait.ge [sflag:s13], $0x80  }
0xfb: {  	[sflag:s13] =	ssyncset.done $0x0  }
0xfc: {  	[sflag:s13] =	ssyncadd.s32 $0xFFFFFF80  }
0xfd: {  	_ =	swait.ge [sflag:s13], $0x80  }
0xfe: {  	[sflag:s13] =	ssyncset.done $0x0  }
0xff: {  	[sflag:s13] =	ssyncadd.s32 $0xFFFFFF80  }
0x100: {  	_ =	swait.ge [sflag:s13], $0x80  }
0x101: {  	[sflag:s13] =	ssyncset.done $0x0  }
0x102: {  	[sflag:s13] =	ssyncadd.s32 $0xFFFFFF80  }
0x103: {  	_ =	swait.ge [sflag:s13], $0x80  }
0x104: {  	[sflag:s13] =	ssyncset.done $0x0  }
0x105: {  	[sflag:s13] =	ssyncadd.s32 $0xFFFFFF80  }
0x106: {  	_ =	swait.ge [sflag:s13], $0x80  }
0x107: {  	[sflag:s13] =	ssyncset.done $0x0  }
0x108: {  	[sflag:s13] =	ssyncadd.s32 $0xFFFFFF80  }
0x109: {  	_ =	swait.ge [sflag:s13], $0x80  }
0x10a: {  	[sflag:s13] =	ssyncset.done $0x0  }
0x10b: {  	[sflag:s13] =	ssyncadd.s32 $0xFFFFFF80  }
0x10c: {  	_ =	swait.ge [sflag:s13], $0x80  }
0x10d: {  	s16 =	sadd.s32 $0x1, s16;
	[sflag:s13] =	ssyncset.done $0x0  }
0x10e: {  	p0 =	sne.s32 s16, s8;
	[sflag:s13] =	ssyncadd.s32 $0xFFFFFF80  }
.Ltmp1:
0x10f: {  	[bflag:$0x0] =	sbarrier.arrive $0xFFFF;
	(pc) =	sbr.rel @p0 .LBB2_1-.Ltmp1, $4  }
0x110: {  	[hbm:s7@s14], [sflag:s5] =	dma.strided [spmem:s9@s15], $0x50, s13, $0x10   }
0x111: {  	_ =	swait.ge [sflag:s10], $0x50  }
0x112: {  	[sflag:s10] =	ssyncset.done $0x0  }
0x113: {  	[sflag:s10] =	ssyncadd.s32 $0xFFFFFFB0  }
0x114: {  	_ =	sfence.sel $0x180000  }
0x115: {  	[bflag:$0x0] =	sbarrier.arrive $0xFFFF  }
0x116: {  	p0 =	sne.s32 s0, $0x0;
	_ =	strace $0x90000047  }
0x117: {  	s0 =	sadd.s32 @!p0 $0x100000, s1;
	[bflag:$0x2] =	sbarrier.arrive $0xFFFF  }
0x118: {  	[sflag:s0] =	ssyncadd.tile.s32 @!p0 $0x1;
	_ =	shalt  }
.Lfunc_end2:
_tile_overlayer_lowered:
.L_overlay_start_2:
0x119: {  	(tag) =	ssettag $0x2  }
0x11a: {  	s0 =	rddreg [dreg:$0x0];
	s2 =	stileid.u32  }
0x11b: {  	s1 =	rddreg [dreg:$0x1];
	p0 =	sne.s32 s2, $0x0  }
0x11c: {  	s3 =	rddreg [dreg:$0x2];
	[bflag:$0x3] =	sbarrier.arrive $0xFFFF;
	s2 =	simm.s32 @!p0 $0x1C02  }
0x11d: {  	[timem:s3], [sflag:s2] =	dma.local @!p0 [hbm:s0], s1  }
0x11e: {  	s0 =	simm.s32 @!p0 $0x2  }
0x11f: {  	_ =	swait.ge @!p0 [sflag:s0], s1  }
0x120: {  	s1 =	ssub.s32 @!p0 $0x0, s1;
	[sflag:s0] =	ssyncset.done @!p0 $0x0  }
0x121: {  	[sflag:s0] =	ssyncadd.s32 @!p0 s1  }
0x122: {  	[bflag:$0x3] =	sbarrier.arrive $0xFFFF  }
0x123: {  	_ =	shalt  }

</sc_bundles>
